<compile_context>
chip_gen: v7x
topology: tpu7x:2x2x1
jax: 0.10.2.dev20260603
libtpu: 0.0.44.dev20260713+nightly
codegen_flags: <defaults>
</compile_context>

<pallas_src>
import functools

import numpy as np
import jax
import jax.numpy as jnp
from jax import lax
from jax.experimental import pallas as pl
from jax.experimental.pallas import tpu as pltpu
from jax.experimental.pallas import tpu_sc as plsc

NC = 2
NS = 16
NW = NC * NS
K = 16
NB = 3
LANES = 16


def _pos_enc_np(seq_len, d_model):
    pos = np.arange(seq_len, dtype=np.float32)[:, None]
    _2i = np.arange(0, d_model, 2, dtype=np.float32)
    angle = pos / np.power(10000.0, _2i / np.float32(d_model))
    enc = np.zeros((seq_len, d_model), dtype=np.float32)
    enc[:, 0::2] = np.sin(angle)
    enc[:, 1::2] = np.cos(angle)
    return enc


def _pos_packed(seq_len, d_model):
    import ml_dtypes
    enc = _pos_enc_np(seq_len, d_model)
    b16 = enc.astype(ml_dtypes.bfloat16).view(np.uint16)
    g = b16.reshape(seq_len, d_model // 32, 2, 16)
    words = g[:, :, 0, :].astype(np.uint32) | (
        g[:, :, 1, :].astype(np.uint32) << 16)
    return jnp.asarray(
        words.reshape(seq_len * d_model // 2).view(np.float32))


def kernel(x, table):
    b, s = x.shape
    v, d = table.shape
    ppw = s // NW
    npb = ppw // K
    n2 = d // 32
    shift = n2.bit_length() - 1
    assert n2 == 1 << shift and ppw == npb * K

    pos = _pos_packed(s, d)

    mesh = plsc.VectorSubcoreMesh(core_axis_name="c", subcore_axis_name="s")

    @functools.partial(
        pl.kernel,
        mesh=mesh,
        out_type=jax.ShapeDtypeStruct((b, s, d), jnp.float32),
        scratch_types=[
            pltpu.VMEM((b, ppw), jnp.int32),
            pltpu.VMEM((K * d // 2,), jnp.float32),
            pltpu.VMEM((K, d), jnp.float32),
            pltpu.VMEM((K, d), jnp.float32),
            pltpu.VMEM((K, d), jnp.float32),
            pltpu.SemaphoreType.DMA,
            pltpu.SemaphoreType.DMA,
            pltpu.SemaphoreType.DMA,
            pltpu.SemaphoreType.DMA,
            pltpu.SemaphoreType.DMA,
            pltpu.SemaphoreType.DMA,
            pltpu.SemaphoreType.DMA,
            pltpu.SemaphoreType.DMA,
        ],
    )
    def emb(x_hbm, table_hbm, pos_hbm, out_hbm,
            idx_v, pv0, r0, r1, r2,
            g0, g1, g2, w0, w1, w2, ps0, xs):
        wid = lax.axis_index("s") * NC + lax.axis_index("c")
        pbase = wid * ppw

        def pos_load(q, buf, sem):
            off = pl.multiple_of((pbase + q * K) * (d // 2), 8)
            return pltpu.async_copy(
                pos_hbm.at[pl.ds(off, K * d // 2)], buf, sem)

        pld = [pos_load(0, pv0, ps0)]
        xld = [pltpu.async_copy(
                   x_hbm.at[bb, pl.ds(pbase, ppw)], idx_v.at[bb], xs)
               for bb in range(b)]
        for cp in xld:
            cp.wait()

        rows = [r0, r1, r2]
        gsem = [g0, g1, g2]
        wsem = [w0, w1, w2]
        chunks = [(q, bb) for q in range(npb) for bb in range(b)]
        n = len(chunks)

        def gather(i, buf, sem):
            q, bb = chunks[i]
            return pltpu.async_copy(
                table_hbm.at[idx_v.at[bb, pl.ds(q * K, K)]], buf, sem)

        gat = [gather(0, rows[0], gsem[0]),
               gather(1, rows[1], gsem[1]), None]
        wr = [None, None, None]

        for i, (q, bb) in enumerate(chunks):
            p = i % NB
            if i + 2 < n:
                t = (i + 2) % NB
                if wr[t] is not None:
                    wr[t].wait()
                gat[t] = gather(i + 2, rows[t], gsem[t])
            if bb == 0 and pld[0] is not None:
                pld[0].wait()
                pld[0] = None
            gat[p].wait()

            rbuf = rows[p]
            pbuf = pv0

            @plsc.parallel_loop(0, K * n2, 1, unroll=4)
            def _(it):
                r = it >> shift
                c = it & (n2 - 1)
                u = pbuf[pl.ds(pl.multiple_of(it * LANES, 8), LANES)]
                ui = lax.bitcast_convert_type(u, jnp.int32)
                pa = lax.bitcast_convert_type(
                    lax.shift_left(ui, 16), jnp.float32)
                pb = lax.bitcast_convert_type(
                    lax.bitwise_and(ui, jnp.int32(-65536)), jnp.float32)
                plsc.addupdate(rbuf.at[r, pl.ds(c * 32, LANES)], pa)
                plsc.addupdate(rbuf.at[r, pl.ds(c * 32 + LANES, LANES)], pb)

            wr[p] = pltpu.async_copy(
                rbuf, out_hbm.at[bb, pl.ds(pbase + q * K, K)], wsem[p])
            if bb == b - 1 and q + 1 < npb:
                pld[0] = pos_load(q + 1, pv0, ps0)

        for p in range(NB):
            if wr[p] is not None:
                wr[p].wait()

    return emb(x, table, pos)

# --- scband reference (transcript-rebuilt; emitter-appended) ---
"""Pipeline reference for scband-transformer-embedding-1709396983978 (READ-ONLY COPY).

The authoritative reference and input builder live on the scoring server;
editing this copy changes nothing except your own understanding.
"""

import jax, jax.numpy as jnp
import numpy as np

VOCAB = 100000
D_MODEL = 2048
MAX_LEN = 4096
PAD_IDX = 1


def _pos_encoding(max_len, d_model):
    pos = jnp.arange(max_len, dtype=jnp.float32)[:, None]
    _2i = jnp.arange(0, d_model, 2, dtype=jnp.float32)
    angle = pos / jnp.power(10000.0, _2i / d_model)
    enc = jnp.zeros((max_len, d_model), dtype=jnp.float32)
    enc = enc.at[:, 0::2].set(jnp.sin(angle))
    enc = enc.at[:, 1::2].set(jnp.cos(angle))
    return enc


def setup_inputs(seed: int = 0) -> dict:
    key = jax.random.key(seed)
    k1, k2 = jax.random.split(key)
    x = jax.random.randint(k1, (4, 2048), 0, VOCAB, dtype=jnp.int32)
    table = jax.random.normal(k2, (VOCAB, D_MODEL), dtype=jnp.float32) * 0.02
    # nn.Embedding with padding_idx=1 initializes that row to zeros
    table = table.at[PAD_IDX].set(0.0)
    return {"x": x, "table": table}


def reference(x, table):
    # TokenEmbedding: embedding lookup
    tok_emb = jnp.take(table, x, axis=0)  # [B, S, D]
    # PositionalEmbedding: fixed sinusoidal buffer, sliced to seq_len
    seq_len = x.shape[1]
    enc = _pos_encoding(MAX_LEN, D_MODEL)
    pos_emb = enc[:seq_len, :]  # [S, D]
    # Dropout in eval mode == identity (deterministic reference)
    return tok_emb + pos_emb[None, :, :]

if __name__ == "__main__":
    import jax
    _d = setup_inputs()
    print(jax.jit(kernel)(*tuple(_d.values())))

</pallas_src>

<mosaic_0001>
#map = affine_map<(d0, d1) -> (0, 0)>
#map1 = affine_map<(d0, d1) -> (0)>
#map2 = affine_map<(d0, d1) -> (0, 0, 0)>
module attributes {stable_mosaic.version = 14 : i64} {
  func.func @emb(%arg0: i32, %arg1: i32, %arg2: memref<4x2048xi32, #tpu.memory_space<hbm>>, %arg3: memref<100000x2048xf32, #tpu.memory_space<hbm>>, %arg4: memref<2097152xf32, #tpu.memory_space<hbm>>, %arg5: memref<4x2048x2048xf32, #tpu.memory_space<hbm>>, %arg6: memref<4x64xi32, #tpu.memory_space<vmem>>, %arg7: memref<16384xf32, #tpu.memory_space<vmem>>, %arg8: memref<16x2048xf32, #tpu.memory_space<vmem>>, %arg9: memref<16x2048xf32, #tpu.memory_space<vmem>>, %arg10: memref<16x2048xf32, #tpu.memory_space<vmem>>, %arg11: memref<!tpu.dma_semaphore, #tpu.memory_space<semaphore_mem>>, %arg12: memref<!tpu.dma_semaphore, #tpu.memory_space<semaphore_mem>>, %arg13: memref<!tpu.dma_semaphore, #tpu.memory_space<semaphore_mem>>, %arg14: memref<!tpu.dma_semaphore, #tpu.memory_space<semaphore_mem>>, %arg15: memref<!tpu.dma_semaphore, #tpu.memory_space<semaphore_mem>>, %arg16: memref<!tpu.dma_semaphore, #tpu.memory_space<semaphore_mem>>, %arg17: memref<!tpu.dma_semaphore, #tpu.memory_space<semaphore_mem>>, %arg18: memref<!tpu.dma_semaphore, #tpu.memory_space<semaphore_mem>>) attributes {dimension_semantics = [#tpu.dimension_semantics<core_parallel>, #tpu.dimension_semantics<subcore_parallel>], iteration_bounds = array<i64: 2, 16>, scalar_prefetch = 0 : i64, scratch_operands = 13 : i64, tpu.core_type = #tpu.core_type<sc_vector_subcore>, window_params = [{transform_indices = #map}, {transform_indices = #map}, {transform_indices = #map1}, {transform_indices = #map2}]} {
    %mul3A = arith.constant 2 : i32
    %mul3A_0 = arith.muli %arg1, %mul3A : i32
    %add3A = arith.addi %mul3A_0, %arg0 : i32
    %mul3A_1 = arith.constant 64 : i32
    %mul3A_2 = arith.muli %add3A, %mul3A_1 : i32
    %add3A_3 = arith.constant 0 : i32
    %add3A_4 = arith.addi %mul3A_2, %add3A_3 : i32
    %mul3A_5 = arith.constant 1024 : i32
    %mul3A_6 = arith.muli %add3A_4, %mul3A_5 : i32
    %multiple_of3A = tpu.assume_multiple %mul3A_6, 8 : i32
    %dma_start3A = tpu.memref_slice %arg4[%multiple_of3A] : memref<2097152xf32, #tpu.memory_space<hbm>> -> memref<16384xf32, #tpu.memory_space<hbm>>
    %dma_start3A_7 = tpu.memref_slice %arg4[%multiple_of3A] : memref<2097152xf32, #tpu.memory_space<hbm>> -> memref<16384xf32, #tpu.memory_space<hbm>>
    tpu.enqueue_dma source(%dma_start3A_7 : memref<16384xf32, #tpu.memory_space<hbm>>) target(%arg7 : memref<16384xf32, #tpu.memory_space<vmem>>) target_semaphore(%arg17 : memref<!tpu.dma_semaphore, #tpu.memory_space<semaphore_mem>>)
    %dma_start3A_8 = arith.constant 0 : i32
    %dma_start3A_9 = arith.constant 0 : i32
    %dma_start3A_10 = arith.constant 0 : i32
    %dma_start3A_11 = tpu.memref_slice %arg6[%dma_start3A_9, %dma_start3A_10] : memref<4x64xi32, #tpu.memory_space<vmem>> -> memref<1x64xi32, #tpu.memory_space<vmem>>
    %dma_start3A_12 = tpu.memref_squeeze %dma_start3A_11 : memref<1x64xi32, #tpu.memory_space<vmem>> -> memref<64xi32, #tpu.memory_space<vmem>>
    %dma_start3A_13 = tpu.memref_slice %arg2[%dma_start3A_8, %mul3A_2] : memref<4x2048xi32, #tpu.memory_space<hbm>> -> memref<1x64xi32, #tpu.memory_space<hbm>>
    %dma_start3A_14 = tpu.memref_squeeze %dma_start3A_13 : memref<1x64xi32, #tpu.memory_space<hbm>> -> memref<64xi32, #tpu.memory_space<hbm>>
    %dma_start3A_15 = arith.constant 0 : i32
    %dma_start3A_16 = tpu.memref_slice %arg6[%dma_start3A_9, %dma_start3A_15] : memref<4x64xi32, #tpu.memory_space<vmem>> -> memref<1x64xi32, #tpu.memory_space<vmem>>
    %dma_start3A_17 = tpu.memref_squeeze %dma_start3A_16 : memref<1x64xi32, #tpu.memory_space<vmem>> -> memref<64xi32, #tpu.memory_space<vmem>>
    %dma_start3A_18 = tpu.memref_slice %arg2[%dma_start3A_8, %mul3A_2] : memref<4x2048xi32, #tpu.memory_space<hbm>> -> memref<1x64xi32, #tpu.memory_space<hbm>>
    %dma_start3A_19 = tpu.memref_squeeze %dma_start3A_18 : memref<1x64xi32, #tpu.memory_space<hbm>> -> memref<64xi32, #tpu.memory_space<hbm>>
    tpu.enqueue_dma source(%dma_start3A_19 : memref<64xi32, #tpu.memory_space<hbm>>) target(%dma_start3A_17 : memref<64xi32, #tpu.memory_space<vmem>>) target_semaphore(%arg18 : memref<!tpu.dma_semaphore, #tpu.memory_space<semaphore_mem>>)
    %dma_start3A_20 = arith.constant 1 : i32
    %dma_start3A_21 = arith.constant 1 : i32
    %dma_start3A_22 = arith.constant 0 : i32
    %dma_start3A_23 = tpu.memref_slice %arg6[%dma_start3A_21, %dma_start3A_22] : memref<4x64xi32, #tpu.memory_space<vmem>> -> memref<1x64xi32, #tpu.memory_space<vmem>>
    %dma_start3A_24 = tpu.memref_squeeze %dma_start3A_23 : memref<1x64xi32, #tpu.memory_space<vmem>> -> memref<64xi32, #tpu.memory_space<vmem>>
    %dma_start3A_25 = tpu.memref_slice %arg2[%dma_start3A_20, %mul3A_2] : memref<4x2048xi32, #tpu.memory_space<hbm>> -> memref<1x64xi32, #tpu.memory_space<hbm>>
    %dma_start3A_26 = tpu.memref_squeeze %dma_start3A_25 : memref<1x64xi32, #tpu.memory_space<hbm>> -> memref<64xi32, #tpu.memory_space<hbm>>
    %dma_start3A_27 = arith.constant 0 : i32
    %dma_start3A_28 = tpu.memref_slice %arg6[%dma_start3A_21, %dma_start3A_27] : memref<4x64xi32, #tpu.memory_space<vmem>> -> memref<1x64xi32, #tpu.memory_space<vmem>>
    %dma_start3A_29 = tpu.memref_squeeze %dma_start3A_28 : memref<1x64xi32, #tpu.memory_space<vmem>> -> memref<64xi32, #tpu.memory_space<vmem>>
    %dma_start3A_30 = tpu.memref_slice %arg2[%dma_start3A_20, %mul3A_2] : memref<4x2048xi32, #tpu.memory_space<hbm>> -> memref<1x64xi32, #tpu.memory_space<hbm>>
    %dma_start3A_31 = tpu.memref_squeeze %dma_start3A_30 : memref<1x64xi32, #tpu.memory_space<hbm>> -> memref<64xi32, #tpu.memory_space<hbm>>
    tpu.enqueue_dma source(%dma_start3A_31 : memref<64xi32, #tpu.memory_space<hbm>>) target(%dma_start3A_29 : memref<64xi32, #tpu.memory_space<vmem>>) target_semaphore(%arg18 : memref<!tpu.dma_semaphore, #tpu.memory_space<semaphore_mem>>)
    %dma_start3A_32 = arith.constant 2 : i32
    %dma_start3A_33 = arith.constant 2 : i32
    %dma_start3A_34 = arith.constant 0 : i32
    %dma_start3A_35 = tpu.memref_slice %arg6[%dma_start3A_33, %dma_start3A_34] : memref<4x64xi32, #tpu.memory_space<vmem>> -> memref<1x64xi32, #tpu.memory_space<vmem>>
    %dma_start3A_36 = tpu.memref_squeeze %dma_start3A_35 : memref<1x64xi32, #tpu.memory_space<vmem>> -> memref<64xi32, #tpu.memory_space<vmem>>
    %dma_start3A_37 = tpu.memref_slice %arg2[%dma_start3A_32, %mul3A_2] : memref<4x2048xi32, #tpu.memory_space<hbm>> -> memref<1x64xi32, #tpu.memory_space<hbm>>
    %dma_start3A_38 = tpu.memref_squeeze %dma_start3A_37 : memref<1x64xi32, #tpu.memory_space<hbm>> -> memref<64xi32, #tpu.memory_space<hbm>>
    %dma_start3A_39 = arith.constant 0 : i32
    %dma_start3A_40 = tpu.memref_slice %arg6[%dma_start3A_33, %dma_start3A_39] : memref<4x64xi32, #tpu.memory_space<vmem>> -> memref<1x64xi32, #tpu.memory_space<vmem>>
    %dma_start3A_41 = tpu.memref_squeeze %dma_start3A_40 : memref<1x64xi32, #tpu.memory_space<vmem>> -> memref<64xi32, #tpu.memory_space<vmem>>
    %dma_start3A_42 = tpu.memref_slice %arg2[%dma_start3A_32, %mul3A_2] : memref<4x2048xi32, #tpu.memory_space<hbm>> -> memref<1x64xi32, #tpu.memory_space<hbm>>
    %dma_start3A_43 = tpu.memref_squeeze %dma_start3A_42 : memref<1x64xi32, #tpu.memory_space<hbm>> -> memref<64xi32, #tpu.memory_space<hbm>>
    tpu.enqueue_dma source(%dma_start3A_43 : memref<64xi32, #tpu.memory_space<hbm>>) target(%dma_start3A_41 : memref<64xi32, #tpu.memory_space<vmem>>) target_semaphore(%arg18 : memref<!tpu.dma_semaphore, #tpu.memory_space<semaphore_mem>>)
    %dma_start3A_44 = arith.constant 3 : i32
    %dma_start3A_45 = arith.constant 3 : i32
    %dma_start3A_46 = arith.constant 0 : i32
    %dma_start3A_47 = tpu.memref_slice %arg6[%dma_start3A_45, %dma_start3A_46] : memref<4x64xi32, #tpu.memory_space<vmem>> -> memref<1x64xi32, #tpu.memory_space<vmem>>
    %dma_start3A_48 = tpu.memref_squeeze %dma_start3A_47 : memref<1x64xi32, #tpu.memory_space<vmem>> -> memref<64xi32, #tpu.memory_space<vmem>>
    %dma_start3A_49 = tpu.memref_slice %arg2[%dma_start3A_44, %mul3A_2] : memref<4x2048xi32, #tpu.memory_space<hbm>> -> memref<1x64xi32, #tpu.memory_space<hbm>>
    %dma_start3A_50 = tpu.memref_squeeze %dma_start3A_49 : memref<1x64xi32, #tpu.memory_space<hbm>> -> memref<64xi32, #tpu.memory_space<hbm>>
    %dma_start3A_51 = arith.constant 0 : i32
    %dma_start3A_52 = tpu.memref_slice %arg6[%dma_start3A_45, %dma_start3A_51] : memref<4x64xi32, #tpu.memory_space<vmem>> -> memref<1x64xi32, #tpu.memory_space<vmem>>
    %dma_start3A_53 = tpu.memref_squeeze %dma_start3A_52 : memref<1x64xi32, #tpu.memory_space<vmem>> -> memref<64xi32, #tpu.memory_space<vmem>>
    %dma_start3A_54 = tpu.memref_slice %arg2[%dma_start3A_44, %mul3A_2] : memref<4x2048xi32, #tpu.memory_space<hbm>> -> memref<1x64xi32, #tpu.memory_space<hbm>>
    %dma_start3A_55 = tpu.memref_squeeze %dma_start3A_54 : memref<1x64xi32, #tpu.memory_space<hbm>> -> memref<64xi32, #tpu.memory_space<hbm>>
    tpu.enqueue_dma source(%dma_start3A_55 : memref<64xi32, #tpu.memory_space<hbm>>) target(%dma_start3A_53 : memref<64xi32, #tpu.memory_space<vmem>>) target_semaphore(%arg18 : memref<!tpu.dma_semaphore, #tpu.memory_space<semaphore_mem>>)
    %dma_wait3A = arith.constant 0 : i32
    %dma_wait3A_56 = arith.constant 0 : i32
    %dma_wait3A_57 = arith.constant 0 : i32
    %dma_wait3A_58 = tpu.memref_slice %arg6[%dma_wait3A_56, %dma_wait3A_57] : memref<4x64xi32, #tpu.memory_space<vmem>> -> memref<1x64xi32, #tpu.memory_space<vmem>>
    %dma_wait3A_59 = tpu.memref_squeeze %dma_wait3A_58 : memref<1x64xi32, #tpu.memory_space<vmem>> -> memref<64xi32, #tpu.memory_space<vmem>>
    %dma_wait3A_60 = tpu.memref_slice %arg2[%dma_wait3A, %mul3A_2] : memref<4x2048xi32, #tpu.memory_space<hbm>> -> memref<1x64xi32, #tpu.memory_space<hbm>>
    %dma_wait3A_61 = tpu.memref_squeeze %dma_wait3A_60 : memref<1x64xi32, #tpu.memory_space<hbm>> -> memref<64xi32, #tpu.memory_space<hbm>>
    %dma_wait3A_62 = arith.constant 0 : i32
    %dma_wait3A_63 = tpu.memref_slice %arg6[%dma_wait3A_56, %dma_wait3A_62] : memref<4x64xi32, #tpu.memory_space<vmem>> -> memref<1x64xi32, #tpu.memory_space<vmem>>
    %dma_wait3A_64 = tpu.memref_squeeze %dma_wait3A_63 : memref<1x64xi32, #tpu.memory_space<vmem>> -> memref<64xi32, #tpu.memory_space<vmem>>
    %dma_wait3A_65 = tpu.memref_slice %arg2[%dma_wait3A, %mul3A_2] : memref<4x2048xi32, #tpu.memory_space<hbm>> -> memref<1x64xi32, #tpu.memory_space<hbm>>
    %dma_wait3A_66 = tpu.memref_squeeze %dma_wait3A_65 : memref<1x64xi32, #tpu.memory_space<hbm>> -> memref<64xi32, #tpu.memory_space<hbm>>
    tpu.wait_dma2 semaphore(%arg18 : memref<!tpu.dma_semaphore, #tpu.memory_space<semaphore_mem>>) src(%dma_wait3A_66 : memref<64xi32, #tpu.memory_space<hbm>>) dst(%dma_wait3A_64 : memref<64xi32, #tpu.memory_space<vmem>>)
    %dma_wait3A_67 = arith.constant 1 : i32
    %dma_wait3A_68 = arith.constant 1 : i32
    %dma_wait3A_69 = arith.constant 0 : i32
    %dma_wait3A_70 = tpu.memref_slice %arg6[%dma_wait3A_68, %dma_wait3A_69] : memref<4x64xi32, #tpu.memory_space<vmem>> -> memref<1x64xi32, #tpu.memory_space<vmem>>
    %dma_wait3A_71 = tpu.memref_squeeze %dma_wait3A_70 : memref<1x64xi32, #tpu.memory_space<vmem>> -> memref<64xi32, #tpu.memory_space<vmem>>
    %dma_wait3A_72 = tpu.memref_slice %arg2[%dma_wait3A_67, %mul3A_2] : memref<4x2048xi32, #tpu.memory_space<hbm>> -> memref<1x64xi32, #tpu.memory_space<hbm>>
    %dma_wait3A_73 = tpu.memref_squeeze %dma_wait3A_72 : memref<1x64xi32, #tpu.memory_space<hbm>> -> memref<64xi32, #tpu.memory_space<hbm>>
    %dma_wait3A_74 = arith.constant 0 : i32
    %dma_wait3A_75 = tpu.memref_slice %arg6[%dma_wait3A_68, %dma_wait3A_74] : memref<4x64xi32, #tpu.memory_space<vmem>> -> memref<1x64xi32, #tpu.memory_space<vmem>>
    %dma_wait3A_76 = tpu.memref_squeeze %dma_wait3A_75 : memref<1x64xi32, #tpu.memory_space<vmem>> -> memref<64xi32, #tpu.memory_space<vmem>>
    %dma_wait3A_77 = tpu.memref_slice %arg2[%dma_wait3A_67, %mul3A_2] : memref<4x2048xi32, #tpu.memory_space<hbm>> -> memref<1x64xi32, #tpu.memory_space<hbm>>
    %dma_wait3A_78 = tpu.memref_squeeze %dma_wait3A_77 : memref<1x64xi32, #tpu.memory_space<hbm>> -> memref<64xi32, #tpu.memory_space<hbm>>
    tpu.wait_dma2 semaphore(%arg18 : memref<!tpu.dma_semaphore, #tpu.memory_space<semaphore_mem>>) src(%dma_wait3A_78 : memref<64xi32, #tpu.memory_space<hbm>>) dst(%dma_wait3A_76 : memref<64xi32, #tpu.memory_space<vmem>>)
    %dma_wait3A_79 = arith.constant 2 : i32
    %dma_wait3A_80 = arith.constant 2 : i32
    %dma_wait3A_81 = arith.constant 0 : i32
    %dma_wait3A_82 = tpu.memref_slice %arg6[%dma_wait3A_80, %dma_wait3A_81] : memref<4x64xi32, #tpu.memory_space<vmem>> -> memref<1x64xi32, #tpu.memory_space<vmem>>
    %dma_wait3A_83 = tpu.memref_squeeze %dma_wait3A_82 : memref<1x64xi32, #tpu.memory_space<vmem>> -> memref<64xi32, #tpu.memory_space<vmem>>
    %dma_wait3A_84 = tpu.memref_slice %arg2[%dma_wait3A_79, %mul3A_2] : memref<4x2048xi32, #tpu.memory_space<hbm>> -> memref<1x64xi32, #tpu.memory_space<hbm>>
    %dma_wait3A_85 = tpu.memref_squeeze %dma_wait3A_84 : memref<1x64xi32, #tpu.memory_space<hbm>> -> memref<64xi32, #tpu.memory_space<hbm>>
    %dma_wait3A_86 = arith.constant 0 : i32
    %dma_wait3A_87 = tpu.memref_slice %arg6[%dma_wait3A_80, %dma_wait3A_86] : memref<4x64xi32, #tpu.memory_space<vmem>> -> memref<1x64xi32, #tpu.memory_space<vmem>>
    %dma_wait3A_88 = tpu.memref_squeeze %dma_wait3A_87 : memref<1x64xi32, #tpu.memory_space<vmem>> -> memref<64xi32, #tpu.memory_space<vmem>>
    %dma_wait3A_89 = tpu.memref_slice %arg2[%dma_wait3A_79, %mul3A_2] : memref<4x2048xi32, #tpu.memory_space<hbm>> -> memref<1x64xi32, #tpu.memory_space<hbm>>
    %dma_wait3A_90 = tpu.memref_squeeze %dma_wait3A_89 : memref<1x64xi32, #tpu.memory_space<hbm>> -> memref<64xi32, #tpu.memory_space<hbm>>
    tpu.wait_dma2 semaphore(%arg18 : memref<!tpu.dma_semaphore, #tpu.memory_space<semaphore_mem>>) src(%dma_wait3A_90 : memref<64xi32, #tpu.memory_space<hbm>>) dst(%dma_wait3A_88 : memref<64xi32, #tpu.memory_space<vmem>>)
    %dma_wait3A_91 = arith.constant 3 : i32
    %dma_wait3A_92 = arith.constant 3 : i32
    %dma_wait3A_93 = arith.constant 0 : i32
    %dma_wait3A_94 = tpu.memref_slice %arg6[%dma_wait3A_92, %dma_wait3A_93] : memref<4x64xi32, #tpu.memory_space<vmem>> -> memref<1x64xi32, #tpu.memory_space<vmem>>
    %dma_wait3A_95 = tpu.memref_squeeze %dma_wait3A_94 : memref<1x64xi32, #tpu.memory_space<vmem>> -> memref<64xi32, #tpu.memory_space<vmem>>
    %dma_wait3A_96 = tpu.memref_slice %arg2[%dma_wait3A_91, %mul3A_2] : memref<4x2048xi32, #tpu.memory_space<hbm>> -> memref<1x64xi32, #tpu.memory_space<hbm>>
    %dma_wait3A_97 = tpu.memref_squeeze %dma_wait3A_96 : memref<1x64xi32, #tpu.memory_space<hbm>> -> memref<64xi32, #tpu.memory_space<hbm>>
    %dma_wait3A_98 = arith.constant 0 : i32
    %dma_wait3A_99 = tpu.memref_slice %arg6[%dma_wait3A_92, %dma_wait3A_98] : memref<4x64xi32, #tpu.memory_space<vmem>> -> memref<1x64xi32, #tpu.memory_space<vmem>>
    %dma_wait3A_100 = tpu.memref_squeeze %dma_wait3A_99 : memref<1x64xi32, #tpu.memory_space<vmem>> -> memref<64xi32, #tpu.memory_space<vmem>>
    %dma_wait3A_101 = tpu.memref_slice %arg2[%dma_wait3A_91, %mul3A_2] : memref<4x2048xi32, #tpu.memory_space<hbm>> -> memref<1x64xi32, #tpu.memory_space<hbm>>
    %dma_wait3A_102 = tpu.memref_squeeze %dma_wait3A_101 : memref<1x64xi32, #tpu.memory_space<hbm>> -> memref<64xi32, #tpu.memory_space<hbm>>
    tpu.wait_dma2 semaphore(%arg18 : memref<!tpu.dma_semaphore, #tpu.memory_space<semaphore_mem>>) src(%dma_wait3A_102 : memref<64xi32, #tpu.memory_space<hbm>>) dst(%dma_wait3A_100 : memref<64xi32, #tpu.memory_space<vmem>>)
    %dma_start3A_103 = arith.constant 0 : i32
    %dma_start3A_104 = arith.constant 0 : i32
    %dma_start3A_105 = tpu.memref_slice %arg6[%dma_start3A_103, %dma_start3A_104] : memref<4x64xi32, #tpu.memory_space<vmem>> -> memref<1x16xi32, #tpu.memory_space<vmem>>
    %dma_start3A_106 = tpu.memref_squeeze %dma_start3A_105 : memref<1x16xi32, #tpu.memory_space<vmem>> -> memref<16xi32, #tpu.memory_space<vmem>>
    %dma_start3A_107 = arith.constant 0 : i32
    %dma_start3A_108 = arith.constant 0 : i32
    %dma_start3A_109 = tpu.memref_slice %arg3[%dma_start3A_107, %dma_start3A_108] : memref<100000x2048xf32, #tpu.memory_space<hbm>> -> memref<100000x2048xf32, #tpu.memory_space<hbm>>
    tpu.enqueue_indirect_dma source(%dma_start3A_109 : memref<100000x2048xf32, #tpu.memory_space<hbm>>) target(%arg8 : memref<16x2048xf32, #tpu.memory_space<vmem>>) offsets(%dma_start3A_106 : memref<16xi32, #tpu.memory_space<vmem>>) semaphore(%arg11 : memref<!tpu.dma_semaphore, #tpu.memory_space<semaphore_mem>>)
    %dma_start3A_110 = arith.constant 1 : i32
    %dma_start3A_111 = arith.constant 0 : i32
    %dma_start3A_112 = tpu.memref_slice %arg6[%dma_start3A_110, %dma_start3A_111] : memref<4x64xi32, #tpu.memory_space<vmem>> -> memref<1x16xi32, #tpu.memory_space<vmem>>
    %dma_start3A_113 = tpu.memref_squeeze %dma_start3A_112 : memref<1x16xi32, #tpu.memory_space<vmem>> -> memref<16xi32, #tpu.memory_space<vmem>>
    %dma_start3A_114 = arith.constant 0 : i32
    %dma_start3A_115 = arith.constant 0 : i32
    %dma_start3A_116 = tpu.memref_slice %arg3[%dma_start3A_114, %dma_start3A_115] : memref<100000x2048xf32, #tpu.memory_space<hbm>> -> memref<100000x2048xf32, #tpu.memory_space<hbm>>
    tpu.enqueue_indirect_dma source(%dma_start3A_116 : memref<100000x2048xf32, #tpu.memory_space<hbm>>) target(%arg9 : memref<16x2048xf32, #tpu.memory_space<vmem>>) offsets(%dma_start3A_113 : memref<16xi32, #tpu.memory_space<vmem>>) semaphore(%arg12 : memref<!tpu.dma_semaphore, #tpu.memory_space<semaphore_mem>>)
    %dma_start3A_117 = arith.constant 2 : i32
    %dma_start3A_118 = arith.constant 0 : i32
    %dma_start3A_119 = tpu.memref_slice %arg6[%dma_start3A_117, %dma_start3A_118] : memref<4x64xi32, #tpu.memory_space<vmem>> -> memref<1x16xi32, #tpu.memory_space<vmem>>
    %dma_start3A_120 = tpu.memref_squeeze %dma_start3A_119 : memref<1x16xi32, #tpu.memory_space<vmem>> -> memref<16xi32, #tpu.memory_space<vmem>>
    %dma_start3A_121 = arith.constant 0 : i32
    %dma_start3A_122 = arith.constant 0 : i32
    %dma_start3A_123 = tpu.memref_slice %arg3[%dma_start3A_121, %dma_start3A_122] : memref<100000x2048xf32, #tpu.memory_space<hbm>> -> memref<100000x2048xf32, #tpu.memory_space<hbm>>
    tpu.enqueue_indirect_dma source(%dma_start3A_123 : memref<100000x2048xf32, #tpu.memory_space<hbm>>) target(%arg10 : memref<16x2048xf32, #tpu.memory_space<vmem>>) offsets(%dma_start3A_120 : memref<16xi32, #tpu.memory_space<vmem>>) semaphore(%arg13 : memref<!tpu.dma_semaphore, #tpu.memory_space<semaphore_mem>>)
    %dma_wait3A_124 = tpu.memref_slice %arg4[%multiple_of3A] : memref<2097152xf32, #tpu.memory_space<hbm>> -> memref<16384xf32, #tpu.memory_space<hbm>>
    %dma_wait3A_125 = tpu.memref_slice %arg4[%multiple_of3A] : memref<2097152xf32, #tpu.memory_space<hbm>> -> memref<16384xf32, #tpu.memory_space<hbm>>
    tpu.wait_dma2 semaphore(%arg17 : memref<!tpu.dma_semaphore, #tpu.memory_space<semaphore_mem>>) src(%dma_wait3A_125 : memref<16384xf32, #tpu.memory_space<hbm>>) dst(%arg7 : memref<16384xf32, #tpu.memory_space<vmem>>)
    %dma_wait3A_126 = arith.constant 0 : i32
    %dma_wait3A_127 = arith.constant 0 : i32
    %dma_wait3A_128 = tpu.memref_slice %arg6[%dma_wait3A_126, %dma_wait3A_127] : memref<4x64xi32, #tpu.memory_space<vmem>> -> memref<1x16xi32, #tpu.memory_space<vmem>>
    %dma_wait3A_129 = tpu.memref_squeeze %dma_wait3A_128 : memref<1x16xi32, #tpu.memory_space<vmem>> -> memref<16xi32, #tpu.memory_space<vmem>>
    %dma_wait3A_130 = arith.constant 0 : i32
    %dma_wait3A_131 = arith.constant 0 : i32
    %dma_wait3A_132 = tpu.memref_slice %arg3[%dma_wait3A_130, %dma_wait3A_131] : memref<100000x2048xf32, #tpu.memory_space<hbm>> -> memref<100000x2048xf32, #tpu.memory_space<hbm>>
    tpu.wait_indirect_dma semaphore(%arg11 : memref<!tpu.dma_semaphore, #tpu.memory_space<semaphore_mem>>) src(%dma_wait3A_132 : memref<100000x2048xf32, #tpu.memory_space<hbm>>) dst(%arg8 : memref<16x2048xf32, #tpu.memory_space<vmem>>)
    %parallel_loop3A = arith.constant 0 : i32
    %parallel_loop3A_133 = arith.constant 1024 : i32
    %parallel_loop3A_134 = arith.constant 1 : i32
    scf.for %parallel_loop3A_659 = %parallel_loop3A to %parallel_loop3A_133 step %parallel_loop3A_134  : i32 {
      %parallel_loop3A_660 = arith.constant 6 : i32
      %parallel_loop3A_661 = arith.shrsi %parallel_loop3A_659, %parallel_loop3A_660 : i32
      %parallel_loop3A_662 = arith.constant 63 : i32
      %parallel_loop3A_663 = arith.andi %parallel_loop3A_659, %parallel_loop3A_662 : i32
      %parallel_loop3A_664 = arith.constant 16 : i32
      %parallel_loop3A_665 = arith.muli %parallel_loop3A_659, %parallel_loop3A_664 : i32
      %parallel_loop3A_666 = tpu.assume_multiple %parallel_loop3A_665, 8 : i32
      %parallel_loop3A_667 = arith.index_cast %parallel_loop3A_666 : i32 to index
      %parallel_loop3A_668 = tpu.vector_load %arg7[%parallel_loop3A_667] {strides = array<i32>} : memref<16384xf32, #tpu.memory_space<vmem>>, vector<16xf32>,
      %parallel_loop3A_669 = vector.shape_cast %parallel_loop3A_668 : vector<16xf32> to vector<16xf32>
      %parallel_loop3A_670 = tpu.bitcast %parallel_loop3A_669 : vector<16xf32> -> vector<16xi32>
      %parallel_loop3A_671 = arith.constant 16 : i32
      %parallel_loop3A_672 = vector.broadcast %parallel_loop3A_671 : i32 to vector<16xi32>
      %parallel_loop3A_673 = arith.shli %parallel_loop3A_670, %parallel_loop3A_672 : vector<16xi32>
      %parallel_loop3A_674 = tpu.bitcast %parallel_loop3A_673 : vector<16xi32> -> vector<16xf32>
      %parallel_loop3A_675 = arith.constant -65536 : i32
      %parallel_loop3A_676 = vector.broadcast %parallel_loop3A_675 : i32 to vector<16xi32>
      %parallel_loop3A_677 = arith.andi %parallel_loop3A_670, %parallel_loop3A_676 : vector<16xi32>
      %parallel_loop3A_678 = tpu.bitcast %parallel_loop3A_677 : vector<16xi32> -> vector<16xf32>
      %parallel_loop3A_679 = arith.constant 32 : i32
      %parallel_loop3A_680 = arith.muli %parallel_loop3A_663, %parallel_loop3A_679 : i32
      %parallel_loop3A_681 = arith.index_cast %parallel_loop3A_661 : i32 to index
      %parallel_loop3A_682 = arith.index_cast %parallel_loop3A_680 : i32 to index
      %parallel_loop3A_683 = tpu.vector_load %arg8[%parallel_loop3A_681, %parallel_loop3A_682] {strides = array<i32>} : memref<16x2048xf32, #tpu.memory_space<vmem>>, vector<1x16xf32>,
      %parallel_loop3A_684 = vector.shape_cast %parallel_loop3A_683 : vector<1x16xf32> to vector<16xf32>
      %parallel_loop3A_685 = vector.shape_cast %parallel_loop3A_674 : vector<16xf32> to vector<1x16xf32>
      tpu.vector_store %arg8[%parallel_loop3A_681, %parallel_loop3A_682], %parallel_loop3A_685 {add = true, strides = array<i32>} : memref<16x2048xf32, #tpu.memory_space<vmem>>, vector<1x16xf32>,
      %parallel_loop3A_686 = arith.constant 32 : i32
      %parallel_loop3A_687 = arith.muli %parallel_loop3A_663, %parallel_loop3A_686 : i32
      %parallel_loop3A_688 = arith.constant 16 : i32
      %parallel_loop3A_689 = arith.addi %parallel_loop3A_687, %parallel_loop3A_688 : i32
      %parallel_loop3A_690 = arith.index_cast %parallel_loop3A_661 : i32 to index
      %parallel_loop3A_691 = arith.index_cast %parallel_loop3A_689 : i32 to index
      %parallel_loop3A_692 = tpu.vector_load %arg8[%parallel_loop3A_690, %parallel_loop3A_691] {strides = array<i32>} : memref<16x2048xf32, #tpu.memory_space<vmem>>, vector<1x16xf32>,
      %parallel_loop3A_693 = vector.shape_cast %parallel_loop3A_692 : vector<1x16xf32> to vector<16xf32>
      %parallel_loop3A_694 = vector.shape_cast %parallel_loop3A_678 : vector<16xf32> to vector<1x16xf32>
      tpu.vector_store %arg8[%parallel_loop3A_690, %parallel_loop3A_691], %parallel_loop3A_694 {add = true, strides = array<i32>} : memref<16x2048xf32, #tpu.memory_space<vmem>>, vector<1x16xf32>,
    } {sc.loop_unroll_factor = 4 : i64, sc.parallel_access}
    %add3A_135 = arith.constant 0 : i32
    %add3A_136 = arith.addi %mul3A_2, %add3A_135 : i32
    %dma_start3A_137 = arith.constant 0 : i32
    %dma_start3A_138 = arith.constant 0 : i32
    %dma_start3A_139 = tpu.memref_slice %arg5[%dma_start3A_137, %add3A_136, %dma_start3A_138] : memref<4x2048x2048xf32, #tpu.memory_space<hbm>> -> memref<1x16x2048xf32, #tpu.memory_space<hbm>>
    %dma_start3A_140 = tpu.memref_squeeze %dma_start3A_139 : memref<1x16x2048xf32, #tpu.memory_space<hbm>> -> memref<16x2048xf32, #tpu.memory_space<hbm>>
    %dma_start3A_141 = arith.constant 0 : i32
    %dma_start3A_142 = tpu.memref_slice %arg5[%dma_start3A_137, %add3A_136, %dma_start3A_141] : memref<4x2048x2048xf32, #tpu.memory_space<hbm>> -> memref<1x16x2048xf32, #tpu.memory_space<hbm>>
    %dma_start3A_143 = tpu.memref_squeeze %dma_start3A_142 : memref<1x16x2048xf32, #tpu.memory_space<hbm>> -> memref<16x2048xf32, #tpu.memory_space<hbm>>
    tpu.enqueue_dma source(%arg8 : memref<16x2048xf32, #tpu.memory_space<vmem>>) target(%dma_start3A_143 : memref<16x2048xf32, #tpu.memory_space<hbm>>) target_semaphore(%arg14 : memref<!tpu.dma_semaphore, #tpu.memory_space<semaphore_mem>>)
    %dma_wait3A_144 = arith.constant 0 : i32
    %dma_wait3A_145 = arith.constant 0 : i32
    %dma_wait3A_146 = tpu.memref_slice %arg5[%dma_wait3A_144, %add3A_136, %dma_wait3A_145] : memref<4x2048x2048xf32, #tpu.memory_space<hbm>> -> memref<1x16x2048xf32, #tpu.memory_space<hbm>>
    %dma_wait3A_147 = tpu.memref_squeeze %dma_wait3A_146 : memref<1x16x2048xf32, #tpu.memory_space<hbm>> -> memref<16x2048xf32, #tpu.memory_space<hbm>>
    %dma_wait3A_148 = arith.constant 0 : i32
    %dma_wait3A_149 = tpu.memref_slice %arg5[%dma_wait3A_144, %add3A_136, %dma_wait3A_148] : memref<4x2048x2048xf32, #tpu.memory_space<hbm>> -> memref<1x16x2048xf32, #tpu.memory_space<hbm>>
    %dma_wait3A_150 = tpu.memref_squeeze %dma_wait3A_149 : memref<1x16x2048xf32, #tpu.memory_space<hbm>> -> memref<16x2048xf32, #tpu.memory_space<hbm>>
    tpu.wait_dma2 semaphore(%arg14 : memref<!tpu.dma_semaphore, #tpu.memory_space<semaphore_mem>>) src(%arg8 : memref<16x2048xf32, #tpu.memory_space<vmem>>) dst(%dma_wait3A_150 : memref<16x2048xf32, #tpu.memory_space<hbm>>)
    %dma_start3A_151 = arith.constant 3 : i32
    %dma_start3A_152 = arith.constant 0 : i32
    %dma_start3A_153 = tpu.memref_slice %arg6[%dma_start3A_151, %dma_start3A_152] : memref<4x64xi32, #tpu.memory_space<vmem>> -> memref<1x16xi32, #tpu.memory_space<vmem>>
    %dma_start3A_154 = tpu.memref_squeeze %dma_start3A_153 : memref<1x16xi32, #tpu.memory_space<vmem>> -> memref<16xi32, #tpu.memory_space<vmem>>
    %dma_start3A_155 = arith.constant 0 : i32
    %dma_start3A_156 = arith.constant 0 : i32
    %dma_start3A_157 = tpu.memref_slice %arg3[%dma_start3A_155, %dma_start3A_156] : memref<100000x2048xf32, #tpu.memory_space<hbm>> -> memref<100000x2048xf32, #tpu.memory_space<hbm>>
    tpu.enqueue_indirect_dma source(%dma_start3A_157 : memref<100000x2048xf32, #tpu.memory_space<hbm>>) target(%arg8 : memref<16x2048xf32, #tpu.memory_space<vmem>>) offsets(%dma_start3A_154 : memref<16xi32, #tpu.memory_space<vmem>>) semaphore(%arg11 : memref<!tpu.dma_semaphore, #tpu.memory_space<semaphore_mem>>)
    %dma_wait3A_158 = arith.constant 1 : i32
    %dma_wait3A_159 = arith.constant 0 : i32
    %dma_wait3A_160 = tpu.memref_slice %arg6[%dma_wait3A_158, %dma_wait3A_159] : memref<4x64xi32, #tpu.memory_space<vmem>> -> memref<1x16xi32, #tpu.memory_space<vmem>>
    %dma_wait3A_161 = tpu.memref_squeeze %dma_wait3A_160 : memref<1x16xi32, #tpu.memory_space<vmem>> -> memref<16xi32, #tpu.memory_space<vmem>>
    %dma_wait3A_162 = arith.constant 0 : i32
    %dma_wait3A_163 = arith.constant 0 : i32
    %dma_wait3A_164 = tpu.memref_slice %arg3[%dma_wait3A_162, %dma_wait3A_163] : memref<100000x2048xf32, #tpu.memory_space<hbm>> -> memref<100000x2048xf32, #tpu.memory_space<hbm>>
    tpu.wait_indirect_dma semaphore(%arg12 : memref<!tpu.dma_semaphore, #tpu.memory_space<semaphore_mem>>) src(%dma_wait3A_164 : memref<100000x2048xf32, #tpu.memory_space<hbm>>) dst(%arg9 : memref<16x2048xf32, #tpu.memory_space<vmem>>)
    %parallel_loop3A_165 = arith.constant 0 : i32
    %parallel_loop3A_166 = arith.constant 1024 : i32
    %parallel_loop3A_167 = arith.constant 1 : i32
    scf.for %parallel_loop3A_659 = %parallel_loop3A_165 to %parallel_loop3A_166 step %parallel_loop3A_167  : i32 {
      %parallel_loop3A_660 = arith.constant 6 : i32
      %parallel_loop3A_661 = arith.shrsi %parallel_loop3A_659, %parallel_loop3A_660 : i32
      %parallel_loop3A_662 = arith.constant 63 : i32
      %parallel_loop3A_663 = arith.andi %parallel_loop3A_659, %parallel_loop3A_662 : i32
      %parallel_loop3A_664 = arith.constant 16 : i32
      %parallel_loop3A_665 = arith.muli %parallel_loop3A_659, %parallel_loop3A_664 : i32
      %parallel_loop3A_666 = tpu.assume_multiple %parallel_loop3A_665, 8 : i32
      %parallel_loop3A_667 = arith.index_cast %parallel_loop3A_666 : i32 to index
      %parallel_loop3A_668 = tpu.vector_load %arg7[%parallel_loop3A_667] {strides = array<i32>} : memref<16384xf32, #tpu.memory_space<vmem>>, vector<16xf32>,
      %parallel_loop3A_669 = vector.shape_cast %parallel_loop3A_668 : vector<16xf32> to vector<16xf32>
      %parallel_loop3A_670 = tpu.bitcast %parallel_loop3A_669 : vector<16xf32> -> vector<16xi32>
      %parallel_loop3A_671 = arith.constant 16 : i32
      %parallel_loop3A_672 = vector.broadcast %parallel_loop3A_671 : i32 to vector<16xi32>
      %parallel_loop3A_673 = arith.shli %parallel_loop3A_670, %parallel_loop3A_672 : vector<16xi32>
      %parallel_loop3A_674 = tpu.bitcast %parallel_loop3A_673 : vector<16xi32> -> vector<16xf32>
      %parallel_loop3A_675 = arith.constant -65536 : i32
      %parallel_loop3A_676 = vector.broadcast %parallel_loop3A_675 : i32 to vector<16xi32>
      %parallel_loop3A_677 = arith.andi %parallel_loop3A_670, %parallel_loop3A_676 : vector<16xi32>
      %parallel_loop3A_678 = tpu.bitcast %parallel_loop3A_677 : vector<16xi32> -> vector<16xf32>
      %parallel_loop3A_679 = arith.constant 32 : i32
      %parallel_loop3A_680 = arith.muli %parallel_loop3A_663, %parallel_loop3A_679 : i32
      %parallel_loop3A_681 = arith.index_cast %parallel_loop3A_661 : i32 to index
      %parallel_loop3A_682 = arith.index_cast %parallel_loop3A_680 : i32 to index
      %parallel_loop3A_683 = tpu.vector_load %arg9[%parallel_loop3A_681, %parallel_loop3A_682] {strides = array<i32>} : memref<16x2048xf32, #tpu.memory_space<vmem>>, vector<1x16xf32>,
      %parallel_loop3A_684 = vector.shape_cast %parallel_loop3A_683 : vector<1x16xf32> to vector<16xf32>
      %parallel_loop3A_685 = vector.shape_cast %parallel_loop3A_674 : vector<16xf32> to vector<1x16xf32>
      tpu.vector_store %arg9[%parallel_loop3A_681, %parallel_loop3A_682], %parallel_loop3A_685 {add = true, strides = array<i32>} : memref<16x2048xf32, #tpu.memory_space<vmem>>, vector<1x16xf32>,
      %parallel_loop3A_686 = arith.constant 32 : i32
      %parallel_loop3A_687 = arith.muli %parallel_loop3A_663, %parallel_loop3A_686 : i32
      %parallel_loop3A_688 = arith.constant 16 : i32
      %parallel_loop3A_689 = arith.addi %parallel_loop3A_687, %parallel_loop3A_688 : i32
      %parallel_loop3A_690 = arith.index_cast %parallel_loop3A_661 : i32 to index
      %parallel_loop3A_691 = arith.index_cast %parallel_loop3A_689 : i32 to index
      %parallel_loop3A_692 = tpu.vector_load %arg9[%parallel_loop3A_690, %parallel_loop3A_691] {strides = array<i32>} : memref<16x2048xf32, #tpu.memory_space<vmem>>, vector<1x16xf32>,
      %parallel_loop3A_693 = vector.shape_cast %parallel_loop3A_692 : vector<1x16xf32> to vector<16xf32>
      %parallel_loop3A_694 = vector.shape_cast %parallel_loop3A_678 : vector<16xf32> to vector<1x16xf32>
      tpu.vector_store %arg9[%parallel_loop3A_690, %parallel_loop3A_691], %parallel_loop3A_694 {add = true, strides = array<i32>} : memref<16x2048xf32, #tpu.memory_space<vmem>>, vector<1x16xf32>,
    } {sc.loop_unroll_factor = 4 : i64, sc.parallel_access}
    %add3A_168 = arith.constant 0 : i32
    %add3A_169 = arith.addi %mul3A_2, %add3A_168 : i32
    %dma_start3A_170 = arith.constant 1 : i32
    %dma_start3A_171 = arith.constant 0 : i32
    %dma_start3A_172 = tpu.memref_slice %arg5[%dma_start3A_170, %add3A_169, %dma_start3A_171] : memref<4x2048x2048xf32, #tpu.memory_space<hbm>> -> memref<1x16x2048xf32, #tpu.memory_space<hbm>>
    %dma_start3A_173 = tpu.memref_squeeze %dma_start3A_172 : memref<1x16x2048xf32, #tpu.memory_space<hbm>> -> memref<16x2048xf32, #tpu.memory_space<hbm>>
    %dma_start3A_174 = arith.constant 0 : i32
    %dma_start3A_175 = tpu.memref_slice %arg5[%dma_start3A_170, %add3A_169, %dma_start3A_174] : memref<4x2048x2048xf32, #tpu.memory_space<hbm>> -> memref<1x16x2048xf32, #tpu.memory_space<hbm>>
    %dma_start3A_176 = tpu.memref_squeeze %dma_start3A_175 : memref<1x16x2048xf32, #tpu.memory_space<hbm>> -> memref<16x2048xf32, #tpu.memory_space<hbm>>
    tpu.enqueue_dma source(%arg9 : memref<16x2048xf32, #tpu.memory_space<vmem>>) target(%dma_start3A_176 : memref<16x2048xf32, #tpu.memory_space<hbm>>) target_semaphore(%arg15 : memref<!tpu.dma_semaphore, #tpu.memory_space<semaphore_mem>>)
    %dma_wait3A_177 = arith.constant 1 : i32
    %dma_wait3A_178 = arith.constant 0 : i32
    %dma_wait3A_179 = tpu.memref_slice %arg5[%dma_wait3A_177, %add3A_169, %dma_wait3A_178] : memref<4x2048x2048xf32, #tpu.memory_space<hbm>> -> memref<1x16x2048xf32, #tpu.memory_space<hbm>>
    %dma_wait3A_180 = tpu.memref_squeeze %dma_wait3A_179 : memref<1x16x2048xf32, #tpu.memory_space<hbm>> -> memref<16x2048xf32, #tpu.memory_space<hbm>>
    %dma_wait3A_181 = arith.constant 0 : i32
    %dma_wait3A_182 = tpu.memref_slice %arg5[%dma_wait3A_177, %add3A_169, %dma_wait3A_181] : memref<4x2048x2048xf32, #tpu.memory_space<hbm>> -> memref<1x16x2048xf32, #tpu.memory_space<hbm>>
    %dma_wait3A_183 = tpu.memref_squeeze %dma_wait3A_182 : memref<1x16x2048xf32, #tpu.memory_space<hbm>> -> memref<16x2048xf32, #tpu.memory_space<hbm>>
    tpu.wait_dma2 semaphore(%arg15 : memref<!tpu.dma_semaphore, #tpu.memory_space<semaphore_mem>>) src(%arg9 : memref<16x2048xf32, #tpu.memory_space<vmem>>) dst(%dma_wait3A_183 : memref<16x2048xf32, #tpu.memory_space<hbm>>)
    %dma_start3A_184 = arith.constant 0 : i32
    %dma_start3A_185 = arith.constant 16 : i32
    %dma_start3A_186 = tpu.memref_slice %arg6[%dma_start3A_184, %dma_start3A_185] : memref<4x64xi32, #tpu.memory_space<vmem>> -> memref<1x16xi32, #tpu.memory_space<vmem>>
    %dma_start3A_187 = tpu.memref_squeeze %dma_start3A_186 : memref<1x16xi32, #tpu.memory_space<vmem>> -> memref<16xi32, #tpu.memory_space<vmem>>
    %dma_start3A_188 = arith.constant 0 : i32
    %dma_start3A_189 = arith.constant 0 : i32
    %dma_start3A_190 = tpu.memref_slice %arg3[%dma_start3A_188, %dma_start3A_189] : memref<100000x2048xf32, #tpu.memory_space<hbm>> -> memref<100000x2048xf32, #tpu.memory_space<hbm>>
    tpu.enqueue_indirect_dma source(%dma_start3A_190 : memref<100000x2048xf32, #tpu.memory_space<hbm>>) target(%arg9 : memref<16x2048xf32, #tpu.memory_space<vmem>>) offsets(%dma_start3A_187 : memref<16xi32, #tpu.memory_space<vmem>>) semaphore(%arg12 : memref<!tpu.dma_semaphore, #tpu.memory_space<semaphore_mem>>)
    %dma_wait3A_191 = arith.constant 2 : i32
    %dma_wait3A_192 = arith.constant 0 : i32
    %dma_wait3A_193 = tpu.memref_slice %arg6[%dma_wait3A_191, %dma_wait3A_192] : memref<4x64xi32, #tpu.memory_space<vmem>> -> memref<1x16xi32, #tpu.memory_space<vmem>>
    %dma_wait3A_194 = tpu.memref_squeeze %dma_wait3A_193 : memref<1x16xi32, #tpu.memory_space<vmem>> -> memref<16xi32, #tpu.memory_space<vmem>>
    %dma_wait3A_195 = arith.constant 0 : i32
    %dma_wait3A_196 = arith.constant 0 : i32
    %dma_wait3A_197 = tpu.memref_slice %arg3[%dma_wait3A_195, %dma_wait3A_196] : memref<100000x2048xf32, #tpu.memory_space<hbm>> -> memref<100000x2048xf32, #tpu.memory_space<hbm>>
    tpu.wait_indirect_dma semaphore(%arg13 : memref<!tpu.dma_semaphore, #tpu.memory_space<semaphore_mem>>) src(%dma_wait3A_197 : memref<100000x2048xf32, #tpu.memory_space<hbm>>) dst(%arg10 : memref<16x2048xf32, #tpu.memory_space<vmem>>)
    %parallel_loop3A_198 = arith.constant 0 : i32
    %parallel_loop3A_199 = arith.constant 1024 : i32
    %parallel_loop3A_200 = arith.constant 1 : i32
    scf.for %parallel_loop3A_659 = %parallel_loop3A_198 to %parallel_loop3A_199 step %parallel_loop3A_200  : i32 {
      %parallel_loop3A_660 = arith.constant 6 : i32
      %parallel_loop3A_661 = arith.shrsi %parallel_loop3A_659, %parallel_loop3A_660 : i32
      %parallel_loop3A_662 = arith.constant 63 : i32
      %parallel_loop3A_663 = arith.andi %parallel_loop3A_659, %parallel_loop3A_662 : i32
      %parallel_loop3A_664 = arith.constant 16 : i32
      %parallel_loop3A_665 = arith.muli %parallel_loop3A_659, %parallel_loop3A_664 : i32
      %parallel_loop3A_666 = tpu.assume_multiple %parallel_loop3A_665, 8 : i32
      %parallel_loop3A_667 = arith.index_cast %parallel_loop3A_666 : i32 to index
      %parallel_loop3A_668 = tpu.vector_load %arg7[%parallel_loop3A_667] {strides = array<i32>} : memref<16384xf32, #tpu.memory_space<vmem>>, vector<16xf32>,
      %parallel_loop3A_669 = vector.shape_cast %parallel_loop3A_668 : vector<16xf32> to vector<16xf32>
      %parallel_loop3A_670 = tpu.bitcast %parallel_loop3A_669 : vector<16xf32> -> vector<16xi32>
      %parallel_loop3A_671 = arith.constant 16 : i32
      %parallel_loop3A_672 = vector.broadcast %parallel_loop3A_671 : i32 to vector<16xi32>
      %parallel_loop3A_673 = arith.shli %parallel_loop3A_670, %parallel_loop3A_672 : vector<16xi32>
      %parallel_loop3A_674 = tpu.bitcast %parallel_loop3A_673 : vector<16xi32> -> vector<16xf32>
      %parallel_loop3A_675 = arith.constant -65536 : i32
      %parallel_loop3A_676 = vector.broadcast %parallel_loop3A_675 : i32 to vector<16xi32>
      %parallel_loop3A_677 = arith.andi %parallel_loop3A_670, %parallel_loop3A_676 : vector<16xi32>
      %parallel_loop3A_678 = tpu.bitcast %parallel_loop3A_677 : vector<16xi32> -> vector<16xf32>
      %parallel_loop3A_679 = arith.constant 32 : i32
      %parallel_loop3A_680 = arith.muli %parallel_loop3A_663, %parallel_loop3A_679 : i32
      %parallel_loop3A_681 = arith.index_cast %parallel_loop3A_661 : i32 to index
      %parallel_loop3A_682 = arith.index_cast %parallel_loop3A_680 : i32 to index
      %parallel_loop3A_683 = tpu.vector_load %arg10[%parallel_loop3A_681, %parallel_loop3A_682] {strides = array<i32>} : memref<16x2048xf32, #tpu.memory_space<vmem>>, vector<1x16xf32>,
      %parallel_loop3A_684 = vector.shape_cast %parallel_loop3A_683 : vector<1x16xf32> to vector<16xf32>
      %parallel_loop3A_685 = vector.shape_cast %parallel_loop3A_674 : vector<16xf32> to vector<1x16xf32>
      tpu.vector_store %arg10[%parallel_loop3A_681, %parallel_loop3A_682], %parallel_loop3A_685 {add = true, strides = array<i32>} : memref<16x2048xf32, #tpu.memory_space<vmem>>, vector<1x16xf32>,
      %parallel_loop3A_686 = arith.constant 32 : i32
      %parallel_loop3A_687 = arith.muli %parallel_loop3A_663, %parallel_loop3A_686 : i32
      %parallel_loop3A_688 = arith.constant 16 : i32
      %parallel_loop3A_689 = arith.addi %parallel_loop3A_687, %parallel_loop3A_688 : i32
      %parallel_loop3A_690 = arith.index_cast %parallel_loop3A_661 : i32 to index
      %parallel_loop3A_691 = arith.index_cast %parallel_loop3A_689 : i32 to index
      %parallel_loop3A_692 = tpu.vector_load %arg10[%parallel_loop3A_690, %parallel_loop3A_691] {strides = array<i32>} : memref<16x2048xf32, #tpu.memory_space<vmem>>, vector<1x16xf32>,
      %parallel_loop3A_693 = vector.shape_cast %parallel_loop3A_692 : vector<1x16xf32> to vector<16xf32>
      %parallel_loop3A_694 = vector.shape_cast %parallel_loop3A_678 : vector<16xf32> to vector<1x16xf32>
      tpu.vector_store %arg10[%parallel_loop3A_690, %parallel_loop3A_691], %parallel_loop3A_694 {add = true, strides = array<i32>} : memref<16x2048xf32, #tpu.memory_space<vmem>>, vector<1x16xf32>,
    } {sc.loop_unroll_factor = 4 : i64, sc.parallel_access}
    %add3A_201 = arith.constant 0 : i32
    %add3A_202 = arith.addi %mul3A_2, %add3A_201 : i32
    %dma_start3A_203 = arith.constant 2 : i32
    %dma_start3A_204 = arith.constant 0 : i32
    %dma_start3A_205 = tpu.memref_slice %arg5[%dma_start3A_203, %add3A_202, %dma_start3A_204] : memref<4x2048x2048xf32, #tpu.memory_space<hbm>> -> memref<1x16x2048xf32, #tpu.memory_space<hbm>>
    %dma_start3A_206 = tpu.memref_squeeze %dma_start3A_205 : memref<1x16x2048xf32, #tpu.memory_space<hbm>> -> memref<16x2048xf32, #tpu.memory_space<hbm>>
    %dma_start3A_207 = arith.constant 0 : i32
    %dma_start3A_208 = tpu.memref_slice %arg5[%dma_start3A_203, %add3A_202, %dma_start3A_207] : memref<4x2048x2048xf32, #tpu.memory_space<hbm>> -> memref<1x16x2048xf32, #tpu.memory_space<hbm>>
    %dma_start3A_209 = tpu.memref_squeeze %dma_start3A_208 : memref<1x16x2048xf32, #tpu.memory_space<hbm>> -> memref<16x2048xf32, #tpu.memory_space<hbm>>
    tpu.enqueue_dma source(%arg10 : memref<16x2048xf32, #tpu.memory_space<vmem>>) target(%dma_start3A_209 : memref<16x2048xf32, #tpu.memory_space<hbm>>) target_semaphore(%arg16 : memref<!tpu.dma_semaphore, #tpu.memory_space<semaphore_mem>>)
    %dma_wait3A_210 = arith.constant 2 : i32
    %dma_wait3A_211 = arith.constant 0 : i32
    %dma_wait3A_212 = tpu.memref_slice %arg5[%dma_wait3A_210, %add3A_202, %dma_wait3A_211] : memref<4x2048x2048xf32, #tpu.memory_space<hbm>> -> memref<1x16x2048xf32, #tpu.memory_space<hbm>>
    %dma_wait3A_213 = tpu.memref_squeeze %dma_wait3A_212 : memref<1x16x2048xf32, #tpu.memory_space<hbm>> -> memref<16x2048xf32, #tpu.memory_space<hbm>>
    %dma_wait3A_214 = arith.constant 0 : i32
    %dma_wait3A_215 = tpu.memref_slice %arg5[%dma_wait3A_210, %add3A_202, %dma_wait3A_214] : memref<4x2048x2048xf32, #tpu.memory_space<hbm>> -> memref<1x16x2048xf32, #tpu.memory_space<hbm>>
    %dma_wait3A_216 = tpu.memref_squeeze %dma_wait3A_215 : memref<1x16x2048xf32, #tpu.memory_space<hbm>> -> memref<16x2048xf32, #tpu.memory_space<hbm>>
    tpu.wait_dma2 semaphore(%arg16 : memref<!tpu.dma_semaphore, #tpu.memory_space<semaphore_mem>>) src(%arg10 : memref<16x2048xf32, #tpu.memory_space<vmem>>) dst(%dma_wait3A_216 : memref<16x2048xf32, #tpu.memory_space<hbm>>)
    %dma_start3A_217 = arith.constant 1 : i32
    %dma_start3A_218 = arith.constant 16 : i32
    %dma_start3A_219 = tpu.memref_slice %arg6[%dma_start3A_217, %dma_start3A_218] : memref<4x64xi32, #tpu.memory_space<vmem>> -> memref<1x16xi32, #tpu.memory_space<vmem>>
    %dma_start3A_220 = tpu.memref_squeeze %dma_start3A_219 : memref<1x16xi32, #tpu.memory_space<vmem>> -> memref<16xi32, #tpu.memory_space<vmem>>
    %dma_start3A_221 = arith.constant 0 : i32
    %dma_start3A_222 = arith.constant 0 : i32
    %dma_start3A_223 = tpu.memref_slice %arg3[%dma_start3A_221, %dma_start3A_222] : memref<100000x2048xf32, #tpu.memory_space<hbm>> -> memref<100000x2048xf32, #tpu.memory_space<hbm>>
    tpu.enqueue_indirect_dma source(%dma_start3A_223 : memref<100000x2048xf32, #tpu.memory_space<hbm>>) target(%arg10 : memref<16x2048xf32, #tpu.memory_space<vmem>>) offsets(%dma_start3A_220 : memref<16xi32, #tpu.memory_space<vmem>>) semaphore(%arg13 : memref<!tpu.dma_semaphore, #tpu.memory_space<semaphore_mem>>)
    %dma_wait3A_224 = arith.constant 3 : i32
    %dma_wait3A_225 = arith.constant 0 : i32
    %dma_wait3A_226 = tpu.memref_slice %arg6[%dma_wait3A_224, %dma_wait3A_225] : memref<4x64xi32, #tpu.memory_space<vmem>> -> memref<1x16xi32, #tpu.memory_space<vmem>>
    %dma_wait3A_227 = tpu.memref_squeeze %dma_wait3A_226 : memref<1x16xi32, #tpu.memory_space<vmem>> -> memref<16xi32, #tpu.memory_space<vmem>>
    %dma_wait3A_228 = arith.constant 0 : i32
    %dma_wait3A_229 = arith.constant 0 : i32
    %dma_wait3A_230 = tpu.memref_slice %arg3[%dma_wait3A_228, %dma_wait3A_229] : memref<100000x2048xf32, #tpu.memory_space<hbm>> -> memref<100000x2048xf32, #tpu.memory_space<hbm>>
    tpu.wait_indirect_dma semaphore(%arg11 : memref<!tpu.dma_semaphore, #tpu.memory_space<semaphore_mem>>) src(%dma_wait3A_230 : memref<100000x2048xf32, #tpu.memory_space<hbm>>) dst(%arg8 : memref<16x2048xf32, #tpu.memory_space<vmem>>)
    %parallel_loop3A_231 = arith.constant 0 : i32
    %parallel_loop3A_232 = arith.constant 1024 : i32
    %parallel_loop3A_233 = arith.constant 1 : i32
    scf.for %parallel_loop3A_659 = %parallel_loop3A_231 to %parallel_loop3A_232 step %parallel_loop3A_233  : i32 {
      %parallel_loop3A_660 = arith.constant 6 : i32
      %parallel_loop3A_661 = arith.shrsi %parallel_loop3A_659, %parallel_loop3A_660 : i32
      %parallel_loop3A_662 = arith.constant 63 : i32
      %parallel_loop3A_663 = arith.andi %parallel_loop3A_659, %parallel_loop3A_662 : i32
      %parallel_loop3A_664 = arith.constant 16 : i32
      %parallel_loop3A_665 = arith.muli %parallel_loop3A_659, %parallel_loop3A_664 : i32
      %parallel_loop3A_666 = tpu.assume_multiple %parallel_loop3A_665, 8 : i32
      %parallel_loop3A_667 = arith.index_cast %parallel_loop3A_666 : i32 to index
      %parallel_loop3A_668 = tpu.vector_load %arg7[%parallel_loop3A_667] {strides = array<i32>} : memref<16384xf32, #tpu.memory_space<vmem>>, vector<16xf32>,
      %parallel_loop3A_669 = vector.shape_cast %parallel_loop3A_668 : vector<16xf32> to vector<16xf32>
      %parallel_loop3A_670 = tpu.bitcast %parallel_loop3A_669 : vector<16xf32> -> vector<16xi32>
      %parallel_loop3A_671 = arith.constant 16 : i32
      %parallel_loop3A_672 = vector.broadcast %parallel_loop3A_671 : i32 to vector<16xi32>
      %parallel_loop3A_673 = arith.shli %parallel_loop3A_670, %parallel_loop3A_672 : vector<16xi32>
      %parallel_loop3A_674 = tpu.bitcast %parallel_loop3A_673 : vector<16xi32> -> vector<16xf32>
      %parallel_loop3A_675 = arith.constant -65536 : i32
      %parallel_loop3A_676 = vector.broadcast %parallel_loop3A_675 : i32 to vector<16xi32>
      %parallel_loop3A_677 = arith.andi %parallel_loop3A_670, %parallel_loop3A_676 : vector<16xi32>
      %parallel_loop3A_678 = tpu.bitcast %parallel_loop3A_677 : vector<16xi32> -> vector<16xf32>
      %parallel_loop3A_679 = arith.constant 32 : i32
      %parallel_loop3A_680 = arith.muli %parallel_loop3A_663, %parallel_loop3A_679 : i32
      %parallel_loop3A_681 = arith.index_cast %parallel_loop3A_661 : i32 to index
      %parallel_loop3A_682 = arith.index_cast %parallel_loop3A_680 : i32 to index
      %parallel_loop3A_683 = tpu.vector_load %arg8[%parallel_loop3A_681, %parallel_loop3A_682] {strides = array<i32>} : memref<16x2048xf32, #tpu.memory_space<vmem>>, vector<1x16xf32>,
      %parallel_loop3A_684 = vector.shape_cast %parallel_loop3A_683 : vector<1x16xf32> to vector<16xf32>
      %parallel_loop3A_685 = vector.shape_cast %parallel_loop3A_674 : vector<16xf32> to vector<1x16xf32>
      tpu.vector_store %arg8[%parallel_loop3A_681, %parallel_loop3A_682], %parallel_loop3A_685 {add = true, strides = array<i32>} : memref<16x2048xf32, #tpu.memory_space<vmem>>, vector<1x16xf32>,
      %parallel_loop3A_686 = arith.constant 32 : i32
      %parallel_loop3A_687 = arith.muli %parallel_loop3A_663, %parallel_loop3A_686 : i32
      %parallel_loop3A_688 = arith.constant 16 : i32
      %parallel_loop3A_689 = arith.addi %parallel_loop3A_687, %parallel_loop3A_688 : i32
      %parallel_loop3A_690 = arith.index_cast %parallel_loop3A_661 : i32 to index
      %parallel_loop3A_691 = arith.index_cast %parallel_loop3A_689 : i32 to index
      %parallel_loop3A_692 = tpu.vector_load %arg8[%parallel_loop3A_690, %parallel_loop3A_691] {strides = array<i32>} : memref<16x2048xf32, #tpu.memory_space<vmem>>, vector<1x16xf32>,
      %parallel_loop3A_693 = vector.shape_cast %parallel_loop3A_692 : vector<1x16xf32> to vector<16xf32>
      %parallel_loop3A_694 = vector.shape_cast %parallel_loop3A_678 : vector<16xf32> to vector<1x16xf32>
      tpu.vector_store %arg8[%parallel_loop3A_690, %parallel_loop3A_691], %parallel_loop3A_694 {add = true, strides = array<i32>} : memref<16x2048xf32, #tpu.memory_space<vmem>>, vector<1x16xf32>,
    } {sc.loop_unroll_factor = 4 : i64, sc.parallel_access}
    %add3A_234 = arith.constant 0 : i32
    %add3A_235 = arith.addi %mul3A_2, %add3A_234 : i32
    %dma_start3A_236 = arith.constant 3 : i32
    %dma_start3A_237 = arith.constant 0 : i32
    %dma_start3A_238 = tpu.memref_slice %arg5[%dma_start3A_236, %add3A_235, %dma_start3A_237] : memref<4x2048x2048xf32, #tpu.memory_space<hbm>> -> memref<1x16x2048xf32, #tpu.memory_space<hbm>>
    %dma_start3A_239 = tpu.memref_squeeze %dma_start3A_238 : memref<1x16x2048xf32, #tpu.memory_space<hbm>> -> memref<16x2048xf32, #tpu.memory_space<hbm>>
    %dma_start3A_240 = arith.constant 0 : i32
    %dma_start3A_241 = tpu.memref_slice %arg5[%dma_start3A_236, %add3A_235, %dma_start3A_240] : memref<4x2048x2048xf32, #tpu.memory_space<hbm>> -> memref<1x16x2048xf32, #tpu.memory_space<hbm>>
    %dma_start3A_242 = tpu.memref_squeeze %dma_start3A_241 : memref<1x16x2048xf32, #tpu.memory_space<hbm>> -> memref<16x2048xf32, #tpu.memory_space<hbm>>
    tpu.enqueue_dma source(%arg8 : memref<16x2048xf32, #tpu.memory_space<vmem>>) target(%dma_start3A_242 : memref<16x2048xf32, #tpu.memory_space<hbm>>) target_semaphore(%arg14 : memref<!tpu.dma_semaphore, #tpu.memory_space<semaphore_mem>>)
    %add3A_243 = arith.constant 16 : i32
    %add3A_244 = arith.addi %mul3A_2, %add3A_243 : i32
    %mul3A_245 = arith.constant 1024 : i32
    %mul3A_246 = arith.muli %add3A_244, %mul3A_245 : i32
    %multiple_of3A_247 = tpu.assume_multiple %mul3A_246, 8 : i32
    %dma_start3A_248 = tpu.memref_slice %arg4[%multiple_of3A_247] : memref<2097152xf32, #tpu.memory_space<hbm>> -> memref<16384xf32, #tpu.memory_space<hbm>>
    %dma_start3A_249 = tpu.memref_slice %arg4[%multiple_of3A_247] : memref<2097152xf32, #tpu.memory_space<hbm>> -> memref<16384xf32, #tpu.memory_space<hbm>>
    tpu.enqueue_dma source(%dma_start3A_249 : memref<16384xf32, #tpu.memory_space<hbm>>) target(%arg7 : memref<16384xf32, #tpu.memory_space<vmem>>) target_semaphore(%arg17 : memref<!tpu.dma_semaphore, #tpu.memory_space<semaphore_mem>>)
    %dma_wait3A_250 = arith.constant 3 : i32
    %dma_wait3A_251 = arith.constant 0 : i32
    %dma_wait3A_252 = tpu.memref_slice %arg5[%dma_wait3A_250, %add3A_235, %dma_wait3A_251] : memref<4x2048x2048xf32, #tpu.memory_space<hbm>> -> memref<1x16x2048xf32, #tpu.memory_space<hbm>>
    %dma_wait3A_253 = tpu.memref_squeeze %dma_wait3A_252 : memref<1x16x2048xf32, #tpu.memory_space<hbm>> -> memref<16x2048xf32, #tpu.memory_space<hbm>>
    %dma_wait3A_254 = arith.constant 0 : i32
    %dma_wait3A_255 = tpu.memref_slice %arg5[%dma_wait3A_250, %add3A_235, %dma_wait3A_254] : memref<4x2048x2048xf32, #tpu.memory_space<hbm>> -> memref<1x16x2048xf32, #tpu.memory_space<hbm>>
    %dma_wait3A_256 = tpu.memref_squeeze %dma_wait3A_255 : memref<1x16x2048xf32, #tpu.memory_space<hbm>> -> memref<16x2048xf32, #tpu.memory_space<hbm>>
    tpu.wait_dma2 semaphore(%arg14 : memref<!tpu.dma_semaphore, #tpu.memory_space<semaphore_mem>>) src(%arg8 : memref<16x2048xf32, #tpu.memory_space<vmem>>) dst(%dma_wait3A_256 : memref<16x2048xf32, #tpu.memory_space<hbm>>)
    %dma_start3A_257 = arith.constant 2 : i32
    %dma_start3A_258 = arith.constant 16 : i32
    %dma_start3A_259 = tpu.memref_slice %arg6[%dma_start3A_257, %dma_start3A_258] : memref<4x64xi32, #tpu.memory_space<vmem>> -> memref<1x16xi32, #tpu.memory_space<vmem>>
    %dma_start3A_260 = tpu.memref_squeeze %dma_start3A_259 : memref<1x16xi32, #tpu.memory_space<vmem>> -> memref<16xi32, #tpu.memory_space<vmem>>
    %dma_start3A_261 = arith.constant 0 : i32
    %dma_start3A_262 = arith.constant 0 : i32
    %dma_start3A_263 = tpu.memref_slice %arg3[%dma_start3A_261, %dma_start3A_262] : memref<100000x2048xf32, #tpu.memory_space<hbm>> -> memref<100000x2048xf32, #tpu.memory_space<hbm>>
    tpu.enqueue_indirect_dma source(%dma_start3A_263 : memref<100000x2048xf32, #tpu.memory_space<hbm>>) target(%arg8 : memref<16x2048xf32, #tpu.memory_space<vmem>>) offsets(%dma_start3A_260 : memref<16xi32, #tpu.memory_space<vmem>>) semaphore(%arg11 : memref<!tpu.dma_semaphore, #tpu.memory_space<semaphore_mem>>)
    %dma_wait3A_264 = tpu.memref_slice %arg4[%multiple_of3A_247] : memref<2097152xf32, #tpu.memory_space<hbm>> -> memref<16384xf32, #tpu.memory_space<hbm>>
    %dma_wait3A_265 = tpu.memref_slice %arg4[%multiple_of3A_247] : memref<2097152xf32, #tpu.memory_space<hbm>> -> memref<16384xf32, #tpu.memory_space<hbm>>
    tpu.wait_dma2 semaphore(%arg17 : memref<!tpu.dma_semaphore, #tpu.memory_space<semaphore_mem>>) src(%dma_wait3A_265 : memref<16384xf32, #tpu.memory_space<hbm>>) dst(%arg7 : memref<16384xf32, #tpu.memory_space<vmem>>)
    %dma_wait3A_266 = arith.constant 0 : i32
    %dma_wait3A_267 = arith.constant 16 : i32
    %dma_wait3A_268 = tpu.memref_slice %arg6[%dma_wait3A_266, %dma_wait3A_267] : memref<4x64xi32, #tpu.memory_space<vmem>> -> memref<1x16xi32, #tpu.memory_space<vmem>>
    %dma_wait3A_269 = tpu.memref_squeeze %dma_wait3A_268 : memref<1x16xi32, #tpu.memory_space<vmem>> -> memref<16xi32, #tpu.memory_space<vmem>>
    %dma_wait3A_270 = arith.constant 0 : i32
    %dma_wait3A_271 = arith.constant 0 : i32
    %dma_wait3A_272 = tpu.memref_slice %arg3[%dma_wait3A_270, %dma_wait3A_271] : memref<100000x2048xf32, #tpu.memory_space<hbm>> -> memref<100000x2048xf32, #tpu.memory_space<hbm>>
    tpu.wait_indirect_dma semaphore(%arg12 : memref<!tpu.dma_semaphore, #tpu.memory_space<semaphore_mem>>) src(%dma_wait3A_272 : memref<100000x2048xf32, #tpu.memory_space<hbm>>) dst(%arg9 : memref<16x2048xf32, #tpu.memory_space<vmem>>)
    %parallel_loop3A_273 = arith.constant 0 : i32
    %parallel_loop3A_274 = arith.constant 1024 : i32
    %parallel_loop3A_275 = arith.constant 1 : i32
    scf.for %parallel_loop3A_659 = %parallel_loop3A_273 to %parallel_loop3A_274 step %parallel_loop3A_275  : i32 {
      %parallel_loop3A_660 = arith.constant 6 : i32
      %parallel_loop3A_661 = arith.shrsi %parallel_loop3A_659, %parallel_loop3A_660 : i32
      %parallel_loop3A_662 = arith.constant 63 : i32
      %parallel_loop3A_663 = arith.andi %parallel_loop3A_659, %parallel_loop3A_662 : i32
      %parallel_loop3A_664 = arith.constant 16 : i32
      %parallel_loop3A_665 = arith.muli %parallel_loop3A_659, %parallel_loop3A_664 : i32
      %parallel_loop3A_666 = tpu.assume_multiple %parallel_loop3A_665, 8 : i32
      %parallel_loop3A_667 = arith.index_cast %parallel_loop3A_666 : i32 to index
      %parallel_loop3A_668 = tpu.vector_load %arg7[%parallel_loop3A_667] {strides = array<i32>} : memref<16384xf32, #tpu.memory_space<vmem>>, vector<16xf32>,
      %parallel_loop3A_669 = vector.shape_cast %parallel_loop3A_668 : vector<16xf32> to vector<16xf32>
      %parallel_loop3A_670 = tpu.bitcast %parallel_loop3A_669 : vector<16xf32> -> vector<16xi32>
      %parallel_loop3A_671 = arith.constant 16 : i32
      %parallel_loop3A_672 = vector.broadcast %parallel_loop3A_671 : i32 to vector<16xi32>
      %parallel_loop3A_673 = arith.shli %parallel_loop3A_670, %parallel_loop3A_672 : vector<16xi32>
      %parallel_loop3A_674 = tpu.bitcast %parallel_loop3A_673 : vector<16xi32> -> vector<16xf32>
      %parallel_loop3A_675 = arith.constant -65536 : i32
      %parallel_loop3A_676 = vector.broadcast %parallel_loop3A_675 : i32 to vector<16xi32>
      %parallel_loop3A_677 = arith.andi %parallel_loop3A_670, %parallel_loop3A_676 : vector<16xi32>
      %parallel_loop3A_678 = tpu.bitcast %parallel_loop3A_677 : vector<16xi32> -> vector<16xf32>
      %parallel_loop3A_679 = arith.constant 32 : i32
      %parallel_loop3A_680 = arith.muli %parallel_loop3A_663, %parallel_loop3A_679 : i32
      %parallel_loop3A_681 = arith.index_cast %parallel_loop3A_661 : i32 to index
      %parallel_loop3A_682 = arith.index_cast %parallel_loop3A_680 : i32 to index
      %parallel_loop3A_683 = tpu.vector_load %arg9[%parallel_loop3A_681, %parallel_loop3A_682] {strides = array<i32>} : memref<16x2048xf32, #tpu.memory_space<vmem>>, vector<1x16xf32>,
      %parallel_loop3A_684 = vector.shape_cast %parallel_loop3A_683 : vector<1x16xf32> to vector<16xf32>
      %parallel_loop3A_685 = vector.shape_cast %parallel_loop3A_674 : vector<16xf32> to vector<1x16xf32>
      tpu.vector_store %arg9[%parallel_loop3A_681, %parallel_loop3A_682], %parallel_loop3A_685 {add = true, strides = array<i32>} : memref<16x2048xf32, #tpu.memory_space<vmem>>, vector<1x16xf32>,
      %parallel_loop3A_686 = arith.constant 32 : i32
      %parallel_loop3A_687 = arith.muli %parallel_loop3A_663, %parallel_loop3A_686 : i32
      %parallel_loop3A_688 = arith.constant 16 : i32
      %parallel_loop3A_689 = arith.addi %parallel_loop3A_687, %parallel_loop3A_688 : i32
      %parallel_loop3A_690 = arith.index_cast %parallel_loop3A_661 : i32 to index
      %parallel_loop3A_691 = arith.index_cast %parallel_loop3A_689 : i32 to index
      %parallel_loop3A_692 = tpu.vector_load %arg9[%parallel_loop3A_690, %parallel_loop3A_691] {strides = array<i32>} : memref<16x2048xf32, #tpu.memory_space<vmem>>, vector<1x16xf32>,
      %parallel_loop3A_693 = vector.shape_cast %parallel_loop3A_692 : vector<1x16xf32> to vector<16xf32>
      %parallel_loop3A_694 = vector.shape_cast %parallel_loop3A_678 : vector<16xf32> to vector<1x16xf32>
      tpu.vector_store %arg9[%parallel_loop3A_690, %parallel_loop3A_691], %parallel_loop3A_694 {add = true, strides = array<i32>} : memref<16x2048xf32, #tpu.memory_space<vmem>>, vector<1x16xf32>,
    } {sc.loop_unroll_factor = 4 : i64, sc.parallel_access}
    %add3A_276 = arith.constant 16 : i32
    %add3A_277 = arith.addi %mul3A_2, %add3A_276 : i32
    %dma_start3A_278 = arith.constant 0 : i32
    %dma_start3A_279 = arith.constant 0 : i32
    %dma_start3A_280 = tpu.memref_slice %arg5[%dma_start3A_278, %add3A_277, %dma_start3A_279] : memref<4x2048x2048xf32, #tpu.memory_space<hbm>> -> memref<1x16x2048xf32, #tpu.memory_space<hbm>>
    %dma_start3A_281 = tpu.memref_squeeze %dma_start3A_280 : memref<1x16x2048xf32, #tpu.memory_space<hbm>> -> memref<16x2048xf32, #tpu.memory_space<hbm>>
    %dma_start3A_282 = arith.constant 0 : i32
    %dma_start3A_283 = tpu.memref_slice %arg5[%dma_start3A_278, %add3A_277, %dma_start3A_282] : memref<4x2048x2048xf32, #tpu.memory_space<hbm>> -> memref<1x16x2048xf32, #tpu.memory_space<hbm>>
    %dma_start3A_284 = tpu.memref_squeeze %dma_start3A_283 : memref<1x16x2048xf32, #tpu.memory_space<hbm>> -> memref<16x2048xf32, #tpu.memory_space<hbm>>
    tpu.enqueue_dma source(%arg9 : memref<16x2048xf32, #tpu.memory_space<vmem>>) target(%dma_start3A_284 : memref<16x2048xf32, #tpu.memory_space<hbm>>) target_semaphore(%arg15 : memref<!tpu.dma_semaphore, #tpu.memory_space<semaphore_mem>>)
    %dma_wait3A_285 = arith.constant 0 : i32
    %dma_wait3A_286 = arith.constant 0 : i32
    %dma_wait3A_287 = tpu.memref_slice %arg5[%dma_wait3A_285, %add3A_277, %dma_wait3A_286] : memref<4x2048x2048xf32, #tpu.memory_space<hbm>> -> memref<1x16x2048xf32, #tpu.memory_space<hbm>>
    %dma_wait3A_288 = tpu.memref_squeeze %dma_wait3A_287 : memref<1x16x2048xf32, #tpu.memory_space<hbm>> -> memref<16x2048xf32, #tpu.memory_space<hbm>>
    %dma_wait3A_289 = arith.constant 0 : i32
    %dma_wait3A_290 = tpu.memref_slice %arg5[%dma_wait3A_285, %add3A_277, %dma_wait3A_289] : memref<4x2048x2048xf32, #tpu.memory_space<hbm>> -> memref<1x16x2048xf32, #tpu.memory_space<hbm>>
    %dma_wait3A_291 = tpu.memref_squeeze %dma_wait3A_290 : memref<1x16x2048xf32, #tpu.memory_space<hbm>> -> memref<16x2048xf32, #tpu.memory_space<hbm>>
    tpu.wait_dma2 semaphore(%arg15 : memref<!tpu.dma_semaphore, #tpu.memory_space<semaphore_mem>>) src(%arg9 : memref<16x2048xf32, #tpu.memory_space<vmem>>) dst(%dma_wait3A_291 : memref<16x2048xf32, #tpu.memory_space<hbm>>)
    %dma_start3A_292 = arith.constant 3 : i32
    %dma_start3A_293 = arith.constant 16 : i32
    %dma_start3A_294 = tpu.memref_slice %arg6[%dma_start3A_292, %dma_start3A_293] : memref<4x64xi32, #tpu.memory_space<vmem>> -> memref<1x16xi32, #tpu.memory_space<vmem>>
    %dma_start3A_295 = tpu.memref_squeeze %dma_start3A_294 : memref<1x16xi32, #tpu.memory_space<vmem>> -> memref<16xi32, #tpu.memory_space<vmem>>
    %dma_start3A_296 = arith.constant 0 : i32
    %dma_start3A_297 = arith.constant 0 : i32
    %dma_start3A_298 = tpu.memref_slice %arg3[%dma_start3A_296, %dma_start3A_297] : memref<100000x2048xf32, #tpu.memory_space<hbm>> -> memref<100000x2048xf32, #tpu.memory_space<hbm>>
    tpu.enqueue_indirect_dma source(%dma_start3A_298 : memref<100000x2048xf32, #tpu.memory_space<hbm>>) target(%arg9 : memref<16x2048xf32, #tpu.memory_space<vmem>>) offsets(%dma_start3A_295 : memref<16xi32, #tpu.memory_space<vmem>>) semaphore(%arg12 : memref<!tpu.dma_semaphore, #tpu.memory_space<semaphore_mem>>)
    %dma_wait3A_299 = arith.constant 1 : i32
    %dma_wait3A_300 = arith.constant 16 : i32
    %dma_wait3A_301 = tpu.memref_slice %arg6[%dma_wait3A_299, %dma_wait3A_300] : memref<4x64xi32, #tpu.memory_space<vmem>> -> memref<1x16xi32, #tpu.memory_space<vmem>>
    %dma_wait3A_302 = tpu.memref_squeeze %dma_wait3A_301 : memref<1x16xi32, #tpu.memory_space<vmem>> -> memref<16xi32, #tpu.memory_space<vmem>>
    %dma_wait3A_303 = arith.constant 0 : i32
    %dma_wait3A_304 = arith.constant 0 : i32
    %dma_wait3A_305 = tpu.memref_slice %arg3[%dma_wait3A_303, %dma_wait3A_304] : memref<100000x2048xf32, #tpu.memory_space<hbm>> -> memref<100000x2048xf32, #tpu.memory_space<hbm>>
    tpu.wait_indirect_dma semaphore(%arg13 : memref<!tpu.dma_semaphore, #tpu.memory_space<semaphore_mem>>) src(%dma_wait3A_305 : memref<100000x2048xf32, #tpu.memory_space<hbm>>) dst(%arg10 : memref<16x2048xf32, #tpu.memory_space<vmem>>)
    %parallel_loop3A_306 = arith.constant 0 : i32
    %parallel_loop3A_307 = arith.constant 1024 : i32
    %parallel_loop3A_308 = arith.constant 1 : i32
    scf.for %parallel_loop3A_659 = %parallel_loop3A_306 to %parallel_loop3A_307 step %parallel_loop3A_308  : i32 {
      %parallel_loop3A_660 = arith.constant 6 : i32
      %parallel_loop3A_661 = arith.shrsi %parallel_loop3A_659, %parallel_loop3A_660 : i32
      %parallel_loop3A_662 = arith.constant 63 : i32
      %parallel_loop3A_663 = arith.andi %parallel_loop3A_659, %parallel_loop3A_662 : i32
      %parallel_loop3A_664 = arith.constant 16 : i32
      %parallel_loop3A_665 = arith.muli %parallel_loop3A_659, %parallel_loop3A_664 : i32
      %parallel_loop3A_666 = tpu.assume_multiple %parallel_loop3A_665, 8 : i32
      %parallel_loop3A_667 = arith.index_cast %parallel_loop3A_666 : i32 to index
      %parallel_loop3A_668 = tpu.vector_load %arg7[%parallel_loop3A_667] {strides = array<i32>} : memref<16384xf32, #tpu.memory_space<vmem>>, vector<16xf32>,
      %parallel_loop3A_669 = vector.shape_cast %parallel_loop3A_668 : vector<16xf32> to vector<16xf32>
      %parallel_loop3A_670 = tpu.bitcast %parallel_loop3A_669 : vector<16xf32> -> vector<16xi32>
      %parallel_loop3A_671 = arith.constant 16 : i32
      %parallel_loop3A_672 = vector.broadcast %parallel_loop3A_671 : i32 to vector<16xi32>
      %parallel_loop3A_673 = arith.shli %parallel_loop3A_670, %parallel_loop3A_672 : vector<16xi32>
      %parallel_loop3A_674 = tpu.bitcast %parallel_loop3A_673 : vector<16xi32> -> vector<16xf32>
      %parallel_loop3A_675 = arith.constant -65536 : i32
      %parallel_loop3A_676 = vector.broadcast %parallel_loop3A_675 : i32 to vector<16xi32>
      %parallel_loop3A_677 = arith.andi %parallel_loop3A_670, %parallel_loop3A_676 : vector<16xi32>
      %parallel_loop3A_678 = tpu.bitcast %parallel_loop3A_677 : vector<16xi32> -> vector<16xf32>
      %parallel_loop3A_679 = arith.constant 32 : i32
      %parallel_loop3A_680 = arith.muli %parallel_loop3A_663, %parallel_loop3A_679 : i32
      %parallel_loop3A_681 = arith.index_cast %parallel_loop3A_661 : i32 to index
      %parallel_loop3A_682 = arith.index_cast %parallel_loop3A_680 : i32 to index
      %parallel_loop3A_683 = tpu.vector_load %arg10[%parallel_loop3A_681, %parallel_loop3A_682] {strides = array<i32>} : memref<16x2048xf32, #tpu.memory_space<vmem>>, vector<1x16xf32>,
      %parallel_loop3A_684 = vector.shape_cast %parallel_loop3A_683 : vector<1x16xf32> to vector<16xf32>
      %parallel_loop3A_685 = vector.shape_cast %parallel_loop3A_674 : vector<16xf32> to vector<1x16xf32>
      tpu.vector_store %arg10[%parallel_loop3A_681, %parallel_loop3A_682], %parallel_loop3A_685 {add = true, strides = array<i32>} : memref<16x2048xf32, #tpu.memory_space<vmem>>, vector<1x16xf32>,
      %parallel_loop3A_686 = arith.constant 32 : i32
      %parallel_loop3A_687 = arith.muli %parallel_loop3A_663, %parallel_loop3A_686 : i32
      %parallel_loop3A_688 = arith.constant 16 : i32
      %parallel_loop3A_689 = arith.addi %parallel_loop3A_687, %parallel_loop3A_688 : i32
      %parallel_loop3A_690 = arith.index_cast %parallel_loop3A_661 : i32 to index
      %parallel_loop3A_691 = arith.index_cast %parallel_loop3A_689 : i32 to index
      %parallel_loop3A_692 = tpu.vector_load %arg10[%parallel_loop3A_690, %parallel_loop3A_691] {strides = array<i32>} : memref<16x2048xf32, #tpu.memory_space<vmem>>, vector<1x16xf32>,
      %parallel_loop3A_693 = vector.shape_cast %parallel_loop3A_692 : vector<1x16xf32> to vector<16xf32>
      %parallel_loop3A_694 = vector.shape_cast %parallel_loop3A_678 : vector<16xf32> to vector<1x16xf32>
      tpu.vector_store %arg10[%parallel_loop3A_690, %parallel_loop3A_691], %parallel_loop3A_694 {add = true, strides = array<i32>} : memref<16x2048xf32, #tpu.memory_space<vmem>>, vector<1x16xf32>,
    } {sc.loop_unroll_factor = 4 : i64, sc.parallel_access}
    %add3A_309 = arith.constant 16 : i32
    %add3A_310 = arith.addi %mul3A_2, %add3A_309 : i32
    %dma_start3A_311 = arith.constant 1 : i32
    %dma_start3A_312 = arith.constant 0 : i32
    %dma_start3A_313 = tpu.memref_slice %arg5[%dma_start3A_311, %add3A_310, %dma_start3A_312] : memref<4x2048x2048xf32, #tpu.memory_space<hbm>> -> memref<1x16x2048xf32, #tpu.memory_space<hbm>>
    %dma_start3A_314 = tpu.memref_squeeze %dma_start3A_313 : memref<1x16x2048xf32, #tpu.memory_space<hbm>> -> memref<16x2048xf32, #tpu.memory_space<hbm>>
    %dma_start3A_315 = arith.constant 0 : i32
    %dma_start3A_316 = tpu.memref_slice %arg5[%dma_start3A_311, %add3A_310, %dma_start3A_315] : memref<4x2048x2048xf32, #tpu.memory_space<hbm>> -> memref<1x16x2048xf32, #tpu.memory_space<hbm>>
    %dma_start3A_317 = tpu.memref_squeeze %dma_start3A_316 : memref<1x16x2048xf32, #tpu.memory_space<hbm>> -> memref<16x2048xf32, #tpu.memory_space<hbm>>
    tpu.enqueue_dma source(%arg10 : memref<16x2048xf32, #tpu.memory_space<vmem>>) target(%dma_start3A_317 : memref<16x2048xf32, #tpu.memory_space<hbm>>) target_semaphore(%arg16 : memref<!tpu.dma_semaphore, #tpu.memory_space<semaphore_mem>>)
    %dma_wait3A_318 = arith.constant 1 : i32
    %dma_wait3A_319 = arith.constant 0 : i32
    %dma_wait3A_320 = tpu.memref_slice %arg5[%dma_wait3A_318, %add3A_310, %dma_wait3A_319] : memref<4x2048x2048xf32, #tpu.memory_space<hbm>> -> memref<1x16x2048xf32, #tpu.memory_space<hbm>>
    %dma_wait3A_321 = tpu.memref_squeeze %dma_wait3A_320 : memref<1x16x2048xf32, #tpu.memory_space<hbm>> -> memref<16x2048xf32, #tpu.memory_space<hbm>>
    %dma_wait3A_322 = arith.constant 0 : i32
    %dma_wait3A_323 = tpu.memref_slice %arg5[%dma_wait3A_318, %add3A_310, %dma_wait3A_322] : memref<4x2048x2048xf32, #tpu.memory_space<hbm>> -> memref<1x16x2048xf32, #tpu.memory_space<hbm>>
    %dma_wait3A_324 = tpu.memref_squeeze %dma_wait3A_323 : memref<1x16x2048xf32, #tpu.memory_space<hbm>> -> memref<16x2048xf32, #tpu.memory_space<hbm>>
    tpu.wait_dma2 semaphore(%arg16 : memref<!tpu.dma_semaphore, #tpu.memory_space<semaphore_mem>>) src(%arg10 : memref<16x2048xf32, #tpu.memory_space<vmem>>) dst(%dma_wait3A_324 : memref<16x2048xf32, #tpu.memory_space<hbm>>)
    %dma_start3A_325 = arith.constant 0 : i32
    %dma_start3A_326 = arith.constant 32 : i32
    %dma_start3A_327 = tpu.memref_slice %arg6[%dma_start3A_325, %dma_start3A_326] : memref<4x64xi32, #tpu.memory_space<vmem>> -> memref<1x16xi32, #tpu.memory_space<vmem>>
    %dma_start3A_328 = tpu.memref_squeeze %dma_start3A_327 : memref<1x16xi32, #tpu.memory_space<vmem>> -> memref<16xi32, #tpu.memory_space<vmem>>
    %dma_start3A_329 = arith.constant 0 : i32
    %dma_start3A_330 = arith.constant 0 : i32
    %dma_start3A_331 = tpu.memref_slice %arg3[%dma_start3A_329, %dma_start3A_330] : memref<100000x2048xf32, #tpu.memory_space<hbm>> -> memref<100000x2048xf32, #tpu.memory_space<hbm>>
    tpu.enqueue_indirect_dma source(%dma_start3A_331 : memref<100000x2048xf32, #tpu.memory_space<hbm>>) target(%arg10 : memref<16x2048xf32, #tpu.memory_space<vmem>>) offsets(%dma_start3A_328 : memref<16xi32, #tpu.memory_space<vmem>>) semaphore(%arg13 : memref<!tpu.dma_semaphore, #tpu.memory_space<semaphore_mem>>)
    %dma_wait3A_332 = arith.constant 2 : i32
    %dma_wait3A_333 = arith.constant 16 : i32
    %dma_wait3A_334 = tpu.memref_slice %arg6[%dma_wait3A_332, %dma_wait3A_333] : memref<4x64xi32, #tpu.memory_space<vmem>> -> memref<1x16xi32, #tpu.memory_space<vmem>>
    %dma_wait3A_335 = tpu.memref_squeeze %dma_wait3A_334 : memref<1x16xi32, #tpu.memory_space<vmem>> -> memref<16xi32, #tpu.memory_space<vmem>>
    %dma_wait3A_336 = arith.constant 0 : i32
    %dma_wait3A_337 = arith.constant 0 : i32
    %dma_wait3A_338 = tpu.memref_slice %arg3[%dma_wait3A_336, %dma_wait3A_337] : memref<100000x2048xf32, #tpu.memory_space<hbm>> -> memref<100000x2048xf32, #tpu.memory_space<hbm>>
    tpu.wait_indirect_dma semaphore(%arg11 : memref<!tpu.dma_semaphore, #tpu.memory_space<semaphore_mem>>) src(%dma_wait3A_338 : memref<100000x2048xf32, #tpu.memory_space<hbm>>) dst(%arg8 : memref<16x2048xf32, #tpu.memory_space<vmem>>)
    %parallel_loop3A_339 = arith.constant 0 : i32
    %parallel_loop3A_340 = arith.constant 1024 : i32
    %parallel_loop3A_341 = arith.constant 1 : i32
    scf.for %parallel_loop3A_659 = %parallel_loop3A_339 to %parallel_loop3A_340 step %parallel_loop3A_341  : i32 {
      %parallel_loop3A_660 = arith.constant 6 : i32
      %parallel_loop3A_661 = arith.shrsi %parallel_loop3A_659, %parallel_loop3A_660 : i32
      %parallel_loop3A_662 = arith.constant 63 : i32
      %parallel_loop3A_663 = arith.andi %parallel_loop3A_659, %parallel_loop3A_662 : i32
      %parallel_loop3A_664 = arith.constant 16 : i32
      %parallel_loop3A_665 = arith.muli %parallel_loop3A_659, %parallel_loop3A_664 : i32
      %parallel_loop3A_666 = tpu.assume_multiple %parallel_loop3A_665, 8 : i32
      %parallel_loop3A_667 = arith.index_cast %parallel_loop3A_666 : i32 to index
      %parallel_loop3A_668 = tpu.vector_load %arg7[%parallel_loop3A_667] {strides = array<i32>} : memref<16384xf32, #tpu.memory_space<vmem>>, vector<16xf32>,
      %parallel_loop3A_669 = vector.shape_cast %parallel_loop3A_668 : vector<16xf32> to vector<16xf32>
      %parallel_loop3A_670 = tpu.bitcast %parallel_loop3A_669 : vector<16xf32> -> vector<16xi32>
      %parallel_loop3A_671 = arith.constant 16 : i32
      %parallel_loop3A_672 = vector.broadcast %parallel_loop3A_671 : i32 to vector<16xi32>
      %parallel_loop3A_673 = arith.shli %parallel_loop3A_670, %parallel_loop3A_672 : vector<16xi32>
      %parallel_loop3A_674 = tpu.bitcast %parallel_loop3A_673 : vector<16xi32> -> vector<16xf32>
      %parallel_loop3A_675 = arith.constant -65536 : i32
      %parallel_loop3A_676 = vector.broadcast %parallel_loop3A_675 : i32 to vector<16xi32>
      %parallel_loop3A_677 = arith.andi %parallel_loop3A_670, %parallel_loop3A_676 : vector<16xi32>
      %parallel_loop3A_678 = tpu.bitcast %parallel_loop3A_677 : vector<16xi32> -> vector<16xf32>
      %parallel_loop3A_679 = arith.constant 32 : i32
      %parallel_loop3A_680 = arith.muli %parallel_loop3A_663, %parallel_loop3A_679 : i32
      %parallel_loop3A_681 = arith.index_cast %parallel_loop3A_661 : i32 to index
      %parallel_loop3A_682 = arith.index_cast %parallel_loop3A_680 : i32 to index
      %parallel_loop3A_683 = tpu.vector_load %arg8[%parallel_loop3A_681, %parallel_loop3A_682] {strides = array<i32>} : memref<16x2048xf32, #tpu.memory_space<vmem>>, vector<1x16xf32>,
      %parallel_loop3A_684 = vector.shape_cast %parallel_loop3A_683 : vector<1x16xf32> to vector<16xf32>
      %parallel_loop3A_685 = vector.shape_cast %parallel_loop3A_674 : vector<16xf32> to vector<1x16xf32>
      tpu.vector_store %arg8[%parallel_loop3A_681, %parallel_loop3A_682], %parallel_loop3A_685 {add = true, strides = array<i32>} : memref<16x2048xf32, #tpu.memory_space<vmem>>, vector<1x16xf32>,
      %parallel_loop3A_686 = arith.constant 32 : i32
      %parallel_loop3A_687 = arith.muli %parallel_loop3A_663, %parallel_loop3A_686 : i32
      %parallel_loop3A_688 = arith.constant 16 : i32
      %parallel_loop3A_689 = arith.addi %parallel_loop3A_687, %parallel_loop3A_688 : i32
      %parallel_loop3A_690 = arith.index_cast %parallel_loop3A_661 : i32 to index
      %parallel_loop3A_691 = arith.index_cast %parallel_loop3A_689 : i32 to index
      %parallel_loop3A_692 = tpu.vector_load %arg8[%parallel_loop3A_690, %parallel_loop3A_691] {strides = array<i32>} : memref<16x2048xf32, #tpu.memory_space<vmem>>, vector<1x16xf32>,
      %parallel_loop3A_693 = vector.shape_cast %parallel_loop3A_692 : vector<1x16xf32> to vector<16xf32>
      %parallel_loop3A_694 = vector.shape_cast %parallel_loop3A_678 : vector<16xf32> to vector<1x16xf32>
      tpu.vector_store %arg8[%parallel_loop3A_690, %parallel_loop3A_691], %parallel_loop3A_694 {add = true, strides = array<i32>} : memref<16x2048xf32, #tpu.memory_space<vmem>>, vector<1x16xf32>,
    } {sc.loop_unroll_factor = 4 : i64, sc.parallel_access}
    %add3A_342 = arith.constant 16 : i32
    %add3A_343 = arith.addi %mul3A_2, %add3A_342 : i32
    %dma_start3A_344 = arith.constant 2 : i32
    %dma_start3A_345 = arith.constant 0 : i32
    %dma_start3A_346 = tpu.memref_slice %arg5[%dma_start3A_344, %add3A_343, %dma_start3A_345] : memref<4x2048x2048xf32, #tpu.memory_space<hbm>> -> memref<1x16x2048xf32, #tpu.memory_space<hbm>>
    %dma_start3A_347 = tpu.memref_squeeze %dma_start3A_346 : memref<1x16x2048xf32, #tpu.memory_space<hbm>> -> memref<16x2048xf32, #tpu.memory_space<hbm>>
    %dma_start3A_348 = arith.constant 0 : i32
    %dma_start3A_349 = tpu.memref_slice %arg5[%dma_start3A_344, %add3A_343, %dma_start3A_348] : memref<4x2048x2048xf32, #tpu.memory_space<hbm>> -> memref<1x16x2048xf32, #tpu.memory_space<hbm>>
    %dma_start3A_350 = tpu.memref_squeeze %dma_start3A_349 : memref<1x16x2048xf32, #tpu.memory_space<hbm>> -> memref<16x2048xf32, #tpu.memory_space<hbm>>
    tpu.enqueue_dma source(%arg8 : memref<16x2048xf32, #tpu.memory_space<vmem>>) target(%dma_start3A_350 : memref<16x2048xf32, #tpu.memory_space<hbm>>) target_semaphore(%arg14 : memref<!tpu.dma_semaphore, #tpu.memory_space<semaphore_mem>>)
    %dma_wait3A_351 = arith.constant 2 : i32
    %dma_wait3A_352 = arith.constant 0 : i32
    %dma_wait3A_353 = tpu.memref_slice %arg5[%dma_wait3A_351, %add3A_343, %dma_wait3A_352] : memref<4x2048x2048xf32, #tpu.memory_space<hbm>> -> memref<1x16x2048xf32, #tpu.memory_space<hbm>>
    %dma_wait3A_354 = tpu.memref_squeeze %dma_wait3A_353 : memref<1x16x2048xf32, #tpu.memory_space<hbm>> -> memref<16x2048xf32, #tpu.memory_space<hbm>>
    %dma_wait3A_355 = arith.constant 0 : i32
    %dma_wait3A_356 = tpu.memref_slice %arg5[%dma_wait3A_351, %add3A_343, %dma_wait3A_355] : memref<4x2048x2048xf32, #tpu.memory_space<hbm>> -> memref<1x16x2048xf32, #tpu.memory_space<hbm>>
    %dma_wait3A_357 = tpu.memref_squeeze %dma_wait3A_356 : memref<1x16x2048xf32, #tpu.memory_space<hbm>> -> memref<16x2048xf32, #tpu.memory_space<hbm>>
    tpu.wait_dma2 semaphore(%arg14 : memref<!tpu.dma_semaphore, #tpu.memory_space<semaphore_mem>>) src(%arg8 : memref<16x2048xf32, #tpu.memory_space<vmem>>) dst(%dma_wait3A_357 : memref<16x2048xf32, #tpu.memory_space<hbm>>)
    %dma_start3A_358 = arith.constant 1 : i32
    %dma_start3A_359 = arith.constant 32 : i32
    %dma_start3A_360 = tpu.memref_slice %arg6[%dma_start3A_358, %dma_start3A_359] : memref<4x64xi32, #tpu.memory_space<vmem>> -> memref<1x16xi32, #tpu.memory_space<vmem>>
    %dma_start3A_361 = tpu.memref_squeeze %dma_start3A_360 : memref<1x16xi32, #tpu.memory_space<vmem>> -> memref<16xi32, #tpu.memory_space<vmem>>
    %dma_start3A_362 = arith.constant 0 : i32
    %dma_start3A_363 = arith.constant 0 : i32
    %dma_start3A_364 = tpu.memref_slice %arg3[%dma_start3A_362, %dma_start3A_363] : memref<100000x2048xf32, #tpu.memory_space<hbm>> -> memref<100000x2048xf32, #tpu.memory_space<hbm>>
    tpu.enqueue_indirect_dma source(%dma_start3A_364 : memref<100000x2048xf32, #tpu.memory_space<hbm>>) target(%arg8 : memref<16x2048xf32, #tpu.memory_space<vmem>>) offsets(%dma_start3A_361 : memref<16xi32, #tpu.memory_space<vmem>>) semaphore(%arg11 : memref<!tpu.dma_semaphore, #tpu.memory_space<semaphore_mem>>)
    %dma_wait3A_365 = arith.constant 3 : i32
    %dma_wait3A_366 = arith.constant 16 : i32
    %dma_wait3A_367 = tpu.memref_slice %arg6[%dma_wait3A_365, %dma_wait3A_366] : memref<4x64xi32, #tpu.memory_space<vmem>> -> memref<1x16xi32, #tpu.memory_space<vmem>>
    %dma_wait3A_368 = tpu.memref_squeeze %dma_wait3A_367 : memref<1x16xi32, #tpu.memory_space<vmem>> -> memref<16xi32, #tpu.memory_space<vmem>>
    %dma_wait3A_369 = arith.constant 0 : i32
    %dma_wait3A_370 = arith.constant 0 : i32
    %dma_wait3A_371 = tpu.memref_slice %arg3[%dma_wait3A_369, %dma_wait3A_370] : memref<100000x2048xf32, #tpu.memory_space<hbm>> -> memref<100000x2048xf32, #tpu.memory_space<hbm>>
    tpu.wait_indirect_dma semaphore(%arg12 : memref<!tpu.dma_semaphore, #tpu.memory_space<semaphore_mem>>) src(%dma_wait3A_371 : memref<100000x2048xf32, #tpu.memory_space<hbm>>) dst(%arg9 : memref<16x2048xf32, #tpu.memory_space<vmem>>)
    %parallel_loop3A_372 = arith.constant 0 : i32
    %parallel_loop3A_373 = arith.constant 1024 : i32
    %parallel_loop3A_374 = arith.constant 1 : i32
    scf.for %parallel_loop3A_659 = %parallel_loop3A_372 to %parallel_loop3A_373 step %parallel_loop3A_374  : i32 {
      %parallel_loop3A_660 = arith.constant 6 : i32
      %parallel_loop3A_661 = arith.shrsi %parallel_loop3A_659, %parallel_loop3A_660 : i32
      %parallel_loop3A_662 = arith.constant 63 : i32
      %parallel_loop3A_663 = arith.andi %parallel_loop3A_659, %parallel_loop3A_662 : i32
      %parallel_loop3A_664 = arith.constant 16 : i32
      %parallel_loop3A_665 = arith.muli %parallel_loop3A_659, %parallel_loop3A_664 : i32
      %parallel_loop3A_666 = tpu.assume_multiple %parallel_loop3A_665, 8 : i32
      %parallel_loop3A_667 = arith.index_cast %parallel_loop3A_666 : i32 to index
      %parallel_loop3A_668 = tpu.vector_load %arg7[%parallel_loop3A_667] {strides = array<i32>} : memref<16384xf32, #tpu.memory_space<vmem>>, vector<16xf32>,
      %parallel_loop3A_669 = vector.shape_cast %parallel_loop3A_668 : vector<16xf32> to vector<16xf32>
      %parallel_loop3A_670 = tpu.bitcast %parallel_loop3A_669 : vector<16xf32> -> vector<16xi32>
      %parallel_loop3A_671 = arith.constant 16 : i32
      %parallel_loop3A_672 = vector.broadcast %parallel_loop3A_671 : i32 to vector<16xi32>
      %parallel_loop3A_673 = arith.shli %parallel_loop3A_670, %parallel_loop3A_672 : vector<16xi32>
      %parallel_loop3A_674 = tpu.bitcast %parallel_loop3A_673 : vector<16xi32> -> vector<16xf32>
      %parallel_loop3A_675 = arith.constant -65536 : i32
      %parallel_loop3A_676 = vector.broadcast %parallel_loop3A_675 : i32 to vector<16xi32>
      %parallel_loop3A_677 = arith.andi %parallel_loop3A_670, %parallel_loop3A_676 : vector<16xi32>
      %parallel_loop3A_678 = tpu.bitcast %parallel_loop3A_677 : vector<16xi32> -> vector<16xf32>
      %parallel_loop3A_679 = arith.constant 32 : i32
      %parallel_loop3A_680 = arith.muli %parallel_loop3A_663, %parallel_loop3A_679 : i32
      %parallel_loop3A_681 = arith.index_cast %parallel_loop3A_661 : i32 to index
      %parallel_loop3A_682 = arith.index_cast %parallel_loop3A_680 : i32 to index
      %parallel_loop3A_683 = tpu.vector_load %arg9[%parallel_loop3A_681, %parallel_loop3A_682] {strides = array<i32>} : memref<16x2048xf32, #tpu.memory_space<vmem>>, vector<1x16xf32>,
      %parallel_loop3A_684 = vector.shape_cast %parallel_loop3A_683 : vector<1x16xf32> to vector<16xf32>
      %parallel_loop3A_685 = vector.shape_cast %parallel_loop3A_674 : vector<16xf32> to vector<1x16xf32>
      tpu.vector_store %arg9[%parallel_loop3A_681, %parallel_loop3A_682], %parallel_loop3A_685 {add = true, strides = array<i32>} : memref<16x2048xf32, #tpu.memory_space<vmem>>, vector<1x16xf32>,
      %parallel_loop3A_686 = arith.constant 32 : i32
      %parallel_loop3A_687 = arith.muli %parallel_loop3A_663, %parallel_loop3A_686 : i32
      %parallel_loop3A_688 = arith.constant 16 : i32
      %parallel_loop3A_689 = arith.addi %parallel_loop3A_687, %parallel_loop3A_688 : i32
      %parallel_loop3A_690 = arith.index_cast %parallel_loop3A_661 : i32 to index
      %parallel_loop3A_691 = arith.index_cast %parallel_loop3A_689 : i32 to index
      %parallel_loop3A_692 = tpu.vector_load %arg9[%parallel_loop3A_690, %parallel_loop3A_691] {strides = array<i32>} : memref<16x2048xf32, #tpu.memory_space<vmem>>, vector<1x16xf32>,
      %parallel_loop3A_693 = vector.shape_cast %parallel_loop3A_692 : vector<1x16xf32> to vector<16xf32>
      %parallel_loop3A_694 = vector.shape_cast %parallel_loop3A_678 : vector<16xf32> to vector<1x16xf32>
      tpu.vector_store %arg9[%parallel_loop3A_690, %parallel_loop3A_691], %parallel_loop3A_694 {add = true, strides = array<i32>} : memref<16x2048xf32, #tpu.memory_space<vmem>>, vector<1x16xf32>,
    } {sc.loop_unroll_factor = 4 : i64, sc.parallel_access}
    %add3A_375 = arith.constant 16 : i32
    %add3A_376 = arith.addi %mul3A_2, %add3A_375 : i32
    %dma_start3A_377 = arith.constant 3 : i32
    %dma_start3A_378 = arith.constant 0 : i32
    %dma_start3A_379 = tpu.memref_slice %arg5[%dma_start3A_377, %add3A_376, %dma_start3A_378] : memref<4x2048x2048xf32, #tpu.memory_space<hbm>> -> memref<1x16x2048xf32, #tpu.memory_space<hbm>>
    %dma_start3A_380 = tpu.memref_squeeze %dma_start3A_379 : memref<1x16x2048xf32, #tpu.memory_space<hbm>> -> memref<16x2048xf32, #tpu.memory_space<hbm>>
    %dma_start3A_381 = arith.constant 0 : i32
    %dma_start3A_382 = tpu.memref_slice %arg5[%dma_start3A_377, %add3A_376, %dma_start3A_381] : memref<4x2048x2048xf32, #tpu.memory_space<hbm>> -> memref<1x16x2048xf32, #tpu.memory_space<hbm>>
    %dma_start3A_383 = tpu.memref_squeeze %dma_start3A_382 : memref<1x16x2048xf32, #tpu.memory_space<hbm>> -> memref<16x2048xf32, #tpu.memory_space<hbm>>
    tpu.enqueue_dma source(%arg9 : memref<16x2048xf32, #tpu.memory_space<vmem>>) target(%dma_start3A_383 : memref<16x2048xf32, #tpu.memory_space<hbm>>) target_semaphore(%arg15 : memref<!tpu.dma_semaphore, #tpu.memory_space<semaphore_mem>>)
    %add3A_384 = arith.constant 32 : i32
    %add3A_385 = arith.addi %mul3A_2, %add3A_384 : i32
    %mul3A_386 = arith.constant 1024 : i32
    %mul3A_387 = arith.muli %add3A_385, %mul3A_386 : i32
    %multiple_of3A_388 = tpu.assume_multiple %mul3A_387, 8 : i32
    %dma_start3A_389 = tpu.memref_slice %arg4[%multiple_of3A_388] : memref<2097152xf32, #tpu.memory_space<hbm>> -> memref<16384xf32, #tpu.memory_space<hbm>>
    %dma_start3A_390 = tpu.memref_slice %arg4[%multiple_of3A_388] : memref<2097152xf32, #tpu.memory_space<hbm>> -> memref<16384xf32, #tpu.memory_space<hbm>>
    tpu.enqueue_dma source(%dma_start3A_390 : memref<16384xf32, #tpu.memory_space<hbm>>) target(%arg7 : memref<16384xf32, #tpu.memory_space<vmem>>) target_semaphore(%arg17 : memref<!tpu.dma_semaphore, #tpu.memory_space<semaphore_mem>>)
    %dma_wait3A_391 = arith.constant 3 : i32
    %dma_wait3A_392 = arith.constant 0 : i32
    %dma_wait3A_393 = tpu.memref_slice %arg5[%dma_wait3A_391, %add3A_376, %dma_wait3A_392] : memref<4x2048x2048xf32, #tpu.memory_space<hbm>> -> memref<1x16x2048xf32, #tpu.memory_space<hbm>>
    %dma_wait3A_394 = tpu.memref_squeeze %dma_wait3A_393 : memref<1x16x2048xf32, #tpu.memory_space<hbm>> -> memref<16x2048xf32, #tpu.memory_space<hbm>>
    %dma_wait3A_395 = arith.constant 0 : i32
    %dma_wait3A_396 = tpu.memref_slice %arg5[%dma_wait3A_391, %add3A_376, %dma_wait3A_395] : memref<4x2048x2048xf32, #tpu.memory_space<hbm>> -> memref<1x16x2048xf32, #tpu.memory_space<hbm>>
    %dma_wait3A_397 = tpu.memref_squeeze %dma_wait3A_396 : memref<1x16x2048xf32, #tpu.memory_space<hbm>> -> memref<16x2048xf32, #tpu.memory_space<hbm>>
    tpu.wait_dma2 semaphore(%arg15 : memref<!tpu.dma_semaphore, #tpu.memory_space<semaphore_mem>>) src(%arg9 : memref<16x2048xf32, #tpu.memory_space<vmem>>) dst(%dma_wait3A_397 : memref<16x2048xf32, #tpu.memory_space<hbm>>)
    %dma_start3A_398 = arith.constant 2 : i32
    %dma_start3A_399 = arith.constant 32 : i32
    %dma_start3A_400 = tpu.memref_slice %arg6[%dma_start3A_398, %dma_start3A_399] : memref<4x64xi32, #tpu.memory_space<vmem>> -> memref<1x16xi32, #tpu.memory_space<vmem>>
    %dma_start3A_401 = tpu.memref_squeeze %dma_start3A_400 : memref<1x16xi32, #tpu.memory_space<vmem>> -> memref<16xi32, #tpu.memory_space<vmem>>
    %dma_start3A_402 = arith.constant 0 : i32
    %dma_start3A_403 = arith.constant 0 : i32
    %dma_start3A_404 = tpu.memref_slice %arg3[%dma_start3A_402, %dma_start3A_403] : memref<100000x2048xf32, #tpu.memory_space<hbm>> -> memref<100000x2048xf32, #tpu.memory_space<hbm>>
    tpu.enqueue_indirect_dma source(%dma_start3A_404 : memref<100000x2048xf32, #tpu.memory_space<hbm>>) target(%arg9 : memref<16x2048xf32, #tpu.memory_space<vmem>>) offsets(%dma_start3A_401 : memref<16xi32, #tpu.memory_space<vmem>>) semaphore(%arg12 : memref<!tpu.dma_semaphore, #tpu.memory_space<semaphore_mem>>)
    %dma_wait3A_405 = tpu.memref_slice %arg4[%multiple_of3A_388] : memref<2097152xf32, #tpu.memory_space<hbm>> -> memref<16384xf32, #tpu.memory_space<hbm>>
    %dma_wait3A_406 = tpu.memref_slice %arg4[%multiple_of3A_388] : memref<2097152xf32, #tpu.memory_space<hbm>> -> memref<16384xf32, #tpu.memory_space<hbm>>
    tpu.wait_dma2 semaphore(%arg17 : memref<!tpu.dma_semaphore, #tpu.memory_space<semaphore_mem>>) src(%dma_wait3A_406 : memref<16384xf32, #tpu.memory_space<hbm>>) dst(%arg7 : memref<16384xf32, #tpu.memory_space<vmem>>)
    %dma_wait3A_407 = arith.constant 0 : i32
    %dma_wait3A_408 = arith.constant 32 : i32
    %dma_wait3A_409 = tpu.memref_slice %arg6[%dma_wait3A_407, %dma_wait3A_408] : memref<4x64xi32, #tpu.memory_space<vmem>> -> memref<1x16xi32, #tpu.memory_space<vmem>>
    %dma_wait3A_410 = tpu.memref_squeeze %dma_wait3A_409 : memref<1x16xi32, #tpu.memory_space<vmem>> -> memref<16xi32, #tpu.memory_space<vmem>>
    %dma_wait3A_411 = arith.constant 0 : i32
    %dma_wait3A_412 = arith.constant 0 : i32
    %dma_wait3A_413 = tpu.memref_slice %arg3[%dma_wait3A_411, %dma_wait3A_412] : memref<100000x2048xf32, #tpu.memory_space<hbm>> -> memref<100000x2048xf32, #tpu.memory_space<hbm>>
    tpu.wait_indirect_dma semaphore(%arg13 : memref<!tpu.dma_semaphore, #tpu.memory_space<semaphore_mem>>) src(%dma_wait3A_413 : memref<100000x2048xf32, #tpu.memory_space<hbm>>) dst(%arg10 : memref<16x2048xf32, #tpu.memory_space<vmem>>)
    %parallel_loop3A_414 = arith.constant 0 : i32
    %parallel_loop3A_415 = arith.constant 1024 : i32
    %parallel_loop3A_416 = arith.constant 1 : i32
    scf.for %parallel_loop3A_659 = %parallel_loop3A_414 to %parallel_loop3A_415 step %parallel_loop3A_416  : i32 {
      %parallel_loop3A_660 = arith.constant 6 : i32
      %parallel_loop3A_661 = arith.shrsi %parallel_loop3A_659, %parallel_loop3A_660 : i32
      %parallel_loop3A_662 = arith.constant 63 : i32
      %parallel_loop3A_663 = arith.andi %parallel_loop3A_659, %parallel_loop3A_662 : i32
      %parallel_loop3A_664 = arith.constant 16 : i32
      %parallel_loop3A_665 = arith.muli %parallel_loop3A_659, %parallel_loop3A_664 : i32
      %parallel_loop3A_666 = tpu.assume_multiple %parallel_loop3A_665, 8 : i32
      %parallel_loop3A_667 = arith.index_cast %parallel_loop3A_666 : i32 to index
      %parallel_loop3A_668 = tpu.vector_load %arg7[%parallel_loop3A_667] {strides = array<i32>} : memref<16384xf32, #tpu.memory_space<vmem>>, vector<16xf32>,
      %parallel_loop3A_669 = vector.shape_cast %parallel_loop3A_668 : vector<16xf32> to vector<16xf32>
      %parallel_loop3A_670 = tpu.bitcast %parallel_loop3A_669 : vector<16xf32> -> vector<16xi32>
      %parallel_loop3A_671 = arith.constant 16 : i32
      %parallel_loop3A_672 = vector.broadcast %parallel_loop3A_671 : i32 to vector<16xi32>
      %parallel_loop3A_673 = arith.shli %parallel_loop3A_670, %parallel_loop3A_672 : vector<16xi32>
      %parallel_loop3A_674 = tpu.bitcast %parallel_loop3A_673 : vector<16xi32> -> vector<16xf32>
      %parallel_loop3A_675 = arith.constant -65536 : i32
      %parallel_loop3A_676 = vector.broadcast %parallel_loop3A_675 : i32 to vector<16xi32>
      %parallel_loop3A_677 = arith.andi %parallel_loop3A_670, %parallel_loop3A_676 : vector<16xi32>
      %parallel_loop3A_678 = tpu.bitcast %parallel_loop3A_677 : vector<16xi32> -> vector<16xf32>
      %parallel_loop3A_679 = arith.constant 32 : i32
      %parallel_loop3A_680 = arith.muli %parallel_loop3A_663, %parallel_loop3A_679 : i32
      %parallel_loop3A_681 = arith.index_cast %parallel_loop3A_661 : i32 to index
      %parallel_loop3A_682 = arith.index_cast %parallel_loop3A_680 : i32 to index
      %parallel_loop3A_683 = tpu.vector_load %arg10[%parallel_loop3A_681, %parallel_loop3A_682] {strides = array<i32>} : memref<16x2048xf32, #tpu.memory_space<vmem>>, vector<1x16xf32>,
      %parallel_loop3A_684 = vector.shape_cast %parallel_loop3A_683 : vector<1x16xf32> to vector<16xf32>
      %parallel_loop3A_685 = vector.shape_cast %parallel_loop3A_674 : vector<16xf32> to vector<1x16xf32>
      tpu.vector_store %arg10[%parallel_loop3A_681, %parallel_loop3A_682], %parallel_loop3A_685 {add = true, strides = array<i32>} : memref<16x2048xf32, #tpu.memory_space<vmem>>, vector<1x16xf32>,
      %parallel_loop3A_686 = arith.constant 32 : i32
      %parallel_loop3A_687 = arith.muli %parallel_loop3A_663, %parallel_loop3A_686 : i32
      %parallel_loop3A_688 = arith.constant 16 : i32
      %parallel_loop3A_689 = arith.addi %parallel_loop3A_687, %parallel_loop3A_688 : i32
      %parallel_loop3A_690 = arith.index_cast %parallel_loop3A_661 : i32 to index
      %parallel_loop3A_691 = arith.index_cast %parallel_loop3A_689 : i32 to index
      %parallel_loop3A_692 = tpu.vector_load %arg10[%parallel_loop3A_690, %parallel_loop3A_691] {strides = array<i32>} : memref<16x2048xf32, #tpu.memory_space<vmem>>, vector<1x16xf32>,
      %parallel_loop3A_693 = vector.shape_cast %parallel_loop3A_692 : vector<1x16xf32> to vector<16xf32>
      %parallel_loop3A_694 = vector.shape_cast %parallel_loop3A_678 : vector<16xf32> to vector<1x16xf32>
      tpu.vector_store %arg10[%parallel_loop3A_690, %parallel_loop3A_691], %parallel_loop3A_694 {add = true, strides = array<i32>} : memref<16x2048xf32, #tpu.memory_space<vmem>>, vector<1x16xf32>,
    } {sc.loop_unroll_factor = 4 : i64, sc.parallel_access}
    %add3A_417 = arith.constant 32 : i32
    %add3A_418 = arith.addi %mul3A_2, %add3A_417 : i32
    %dma_start3A_419 = arith.constant 0 : i32
    %dma_start3A_420 = arith.constant 0 : i32
    %dma_start3A_421 = tpu.memref_slice %arg5[%dma_start3A_419, %add3A_418, %dma_start3A_420] : memref<4x2048x2048xf32, #tpu.memory_space<hbm>> -> memref<1x16x2048xf32, #tpu.memory_space<hbm>>
    %dma_start3A_422 = tpu.memref_squeeze %dma_start3A_421 : memref<1x16x2048xf32, #tpu.memory_space<hbm>> -> memref<16x2048xf32, #tpu.memory_space<hbm>>
    %dma_start3A_423 = arith.constant 0 : i32
    %dma_start3A_424 = tpu.memref_slice %arg5[%dma_start3A_419, %add3A_418, %dma_start3A_423] : memref<4x2048x2048xf32, #tpu.memory_space<hbm>> -> memref<1x16x2048xf32, #tpu.memory_space<hbm>>
    %dma_start3A_425 = tpu.memref_squeeze %dma_start3A_424 : memref<1x16x2048xf32, #tpu.memory_space<hbm>> -> memref<16x2048xf32, #tpu.memory_space<hbm>>
    tpu.enqueue_dma source(%arg10 : memref<16x2048xf32, #tpu.memory_space<vmem>>) target(%dma_start3A_425 : memref<16x2048xf32, #tpu.memory_space<hbm>>) target_semaphore(%arg16 : memref<!tpu.dma_semaphore, #tpu.memory_space<semaphore_mem>>)
    %dma_wait3A_426 = arith.constant 0 : i32
    %dma_wait3A_427 = arith.constant 0 : i32
    %dma_wait3A_428 = tpu.memref_slice %arg5[%dma_wait3A_426, %add3A_418, %dma_wait3A_427] : memref<4x2048x2048xf32, #tpu.memory_space<hbm>> -> memref<1x16x2048xf32, #tpu.memory_space<hbm>>
    %dma_wait3A_429 = tpu.memref_squeeze %dma_wait3A_428 : memref<1x16x2048xf32, #tpu.memory_space<hbm>> -> memref<16x2048xf32, #tpu.memory_space<hbm>>
    %dma_wait3A_430 = arith.constant 0 : i32
    %dma_wait3A_431 = tpu.memref_slice %arg5[%dma_wait3A_426, %add3A_418, %dma_wait3A_430] : memref<4x2048x2048xf32, #tpu.memory_space<hbm>> -> memref<1x16x2048xf32, #tpu.memory_space<hbm>>
    %dma_wait3A_432 = tpu.memref_squeeze %dma_wait3A_431 : memref<1x16x2048xf32, #tpu.memory_space<hbm>> -> memref<16x2048xf32, #tpu.memory_space<hbm>>
    tpu.wait_dma2 semaphore(%arg16 : memref<!tpu.dma_semaphore, #tpu.memory_space<semaphore_mem>>) src(%arg10 : memref<16x2048xf32, #tpu.memory_space<vmem>>) dst(%dma_wait3A_432 : memref<16x2048xf32, #tpu.memory_space<hbm>>)
    %dma_start3A_433 = arith.constant 3 : i32
    %dma_start3A_434 = arith.constant 32 : i32
    %dma_start3A_435 = tpu.memref_slice %arg6[%dma_start3A_433, %dma_start3A_434] : memref<4x64xi32, #tpu.memory_space<vmem>> -> memref<1x16xi32, #tpu.memory_space<vmem>>
    %dma_start3A_436 = tpu.memref_squeeze %dma_start3A_435 : memref<1x16xi32, #tpu.memory_space<vmem>> -> memref<16xi32, #tpu.memory_space<vmem>>
    %dma_start3A_437 = arith.constant 0 : i32
    %dma_start3A_438 = arith.constant 0 : i32
    %dma_start3A_439 = tpu.memref_slice %arg3[%dma_start3A_437, %dma_start3A_438] : memref<100000x2048xf32, #tpu.memory_space<hbm>> -> memref<100000x2048xf32, #tpu.memory_space<hbm>>
    tpu.enqueue_indirect_dma source(%dma_start3A_439 : memref<100000x2048xf32, #tpu.memory_space<hbm>>) target(%arg10 : memref<16x2048xf32, #tpu.memory_space<vmem>>) offsets(%dma_start3A_436 : memref<16xi32, #tpu.memory_space<vmem>>) semaphore(%arg13 : memref<!tpu.dma_semaphore, #tpu.memory_space<semaphore_mem>>)
    %dma_wait3A_440 = arith.constant 1 : i32
    %dma_wait3A_441 = arith.constant 32 : i32
    %dma_wait3A_442 = tpu.memref_slice %arg6[%dma_wait3A_440, %dma_wait3A_441] : memref<4x64xi32, #tpu.memory_space<vmem>> -> memref<1x16xi32, #tpu.memory_space<vmem>>
    %dma_wait3A_443 = tpu.memref_squeeze %dma_wait3A_442 : memref<1x16xi32, #tpu.memory_space<vmem>> -> memref<16xi32, #tpu.memory_space<vmem>>
    %dma_wait3A_444 = arith.constant 0 : i32
    %dma_wait3A_445 = arith.constant 0 : i32
    %dma_wait3A_446 = tpu.memref_slice %arg3[%dma_wait3A_444, %dma_wait3A_445] : memref<100000x2048xf32, #tpu.memory_space<hbm>> -> memref<100000x2048xf32, #tpu.memory_space<hbm>>
    tpu.wait_indirect_dma semaphore(%arg11 : memref<!tpu.dma_semaphore, #tpu.memory_space<semaphore_mem>>) src(%dma_wait3A_446 : memref<100000x2048xf32, #tpu.memory_space<hbm>>) dst(%arg8 : memref<16x2048xf32, #tpu.memory_space<vmem>>)
    %parallel_loop3A_447 = arith.constant 0 : i32
    %parallel_loop3A_448 = arith.constant 1024 : i32
    %parallel_loop3A_449 = arith.constant 1 : i32
    scf.for %parallel_loop3A_659 = %parallel_loop3A_447 to %parallel_loop3A_448 step %parallel_loop3A_449  : i32 {
      %parallel_loop3A_660 = arith.constant 6 : i32
      %parallel_loop3A_661 = arith.shrsi %parallel_loop3A_659, %parallel_loop3A_660 : i32
      %parallel_loop3A_662 = arith.constant 63 : i32
      %parallel_loop3A_663 = arith.andi %parallel_loop3A_659, %parallel_loop3A_662 : i32
      %parallel_loop3A_664 = arith.constant 16 : i32
      %parallel_loop3A_665 = arith.muli %parallel_loop3A_659, %parallel_loop3A_664 : i32
      %parallel_loop3A_666 = tpu.assume_multiple %parallel_loop3A_665, 8 : i32
      %parallel_loop3A_667 = arith.index_cast %parallel_loop3A_666 : i32 to index
      %parallel_loop3A_668 = tpu.vector_load %arg7[%parallel_loop3A_667] {strides = array<i32>} : memref<16384xf32, #tpu.memory_space<vmem>>, vector<16xf32>,
      %parallel_loop3A_669 = vector.shape_cast %parallel_loop3A_668 : vector<16xf32> to vector<16xf32>
      %parallel_loop3A_670 = tpu.bitcast %parallel_loop3A_669 : vector<16xf32> -> vector<16xi32>
      %parallel_loop3A_671 = arith.constant 16 : i32
      %parallel_loop3A_672 = vector.broadcast %parallel_loop3A_671 : i32 to vector<16xi32>
      %parallel_loop3A_673 = arith.shli %parallel_loop3A_670, %parallel_loop3A_672 : vector<16xi32>
      %parallel_loop3A_674 = tpu.bitcast %parallel_loop3A_673 : vector<16xi32> -> vector<16xf32>
      %parallel_loop3A_675 = arith.constant -65536 : i32
      %parallel_loop3A_676 = vector.broadcast %parallel_loop3A_675 : i32 to vector<16xi32>
      %parallel_loop3A_677 = arith.andi %parallel_loop3A_670, %parallel_loop3A_676 : vector<16xi32>
      %parallel_loop3A_678 = tpu.bitcast %parallel_loop3A_677 : vector<16xi32> -> vector<16xf32>
      %parallel_loop3A_679 = arith.constant 32 : i32
      %parallel_loop3A_680 = arith.muli %parallel_loop3A_663, %parallel_loop3A_679 : i32
      %parallel_loop3A_681 = arith.index_cast %parallel_loop3A_661 : i32 to index
      %parallel_loop3A_682 = arith.index_cast %parallel_loop3A_680 : i32 to index
      %parallel_loop3A_683 = tpu.vector_load %arg8[%parallel_loop3A_681, %parallel_loop3A_682] {strides = array<i32>} : memref<16x2048xf32, #tpu.memory_space<vmem>>, vector<1x16xf32>,
      %parallel_loop3A_684 = vector.shape_cast %parallel_loop3A_683 : vector<1x16xf32> to vector<16xf32>
      %parallel_loop3A_685 = vector.shape_cast %parallel_loop3A_674 : vector<16xf32> to vector<1x16xf32>
      tpu.vector_store %arg8[%parallel_loop3A_681, %parallel_loop3A_682], %parallel_loop3A_685 {add = true, strides = array<i32>} : memref<16x2048xf32, #tpu.memory_space<vmem>>, vector<1x16xf32>,
      %parallel_loop3A_686 = arith.constant 32 : i32
      %parallel_loop3A_687 = arith.muli %parallel_loop3A_663, %parallel_loop3A_686 : i32
      %parallel_loop3A_688 = arith.constant 16 : i32
      %parallel_loop3A_689 = arith.addi %parallel_loop3A_687, %parallel_loop3A_688 : i32
      %parallel_loop3A_690 = arith.index_cast %parallel_loop3A_661 : i32 to index
      %parallel_loop3A_691 = arith.index_cast %parallel_loop3A_689 : i32 to index
      %parallel_loop3A_692 = tpu.vector_load %arg8[%parallel_loop3A_690, %parallel_loop3A_691] {strides = array<i32>} : memref<16x2048xf32, #tpu.memory_space<vmem>>, vector<1x16xf32>,
      %parallel_loop3A_693 = vector.shape_cast %parallel_loop3A_692 : vector<1x16xf32> to vector<16xf32>
      %parallel_loop3A_694 = vector.shape_cast %parallel_loop3A_678 : vector<16xf32> to vector<1x16xf32>
      tpu.vector_store %arg8[%parallel_loop3A_690, %parallel_loop3A_691], %parallel_loop3A_694 {add = true, strides = array<i32>} : memref<16x2048xf32, #tpu.memory_space<vmem>>, vector<1x16xf32>,
    } {sc.loop_unroll_factor = 4 : i64, sc.parallel_access}
    %add3A_450 = arith.constant 32 : i32
    %add3A_451 = arith.addi %mul3A_2, %add3A_450 : i32
    %dma_start3A_452 = arith.constant 1 : i32
    %dma_start3A_453 = arith.constant 0 : i32
    %dma_start3A_454 = tpu.memref_slice %arg5[%dma_start3A_452, %add3A_451, %dma_start3A_453] : memref<4x2048x2048xf32, #tpu.memory_space<hbm>> -> memref<1x16x2048xf32, #tpu.memory_space<hbm>>
    %dma_start3A_455 = tpu.memref_squeeze %dma_start3A_454 : memref<1x16x2048xf32, #tpu.memory_space<hbm>> -> memref<16x2048xf32, #tpu.memory_space<hbm>>
    %dma_start3A_456 = arith.constant 0 : i32
    %dma_start3A_457 = tpu.memref_slice %arg5[%dma_start3A_452, %add3A_451, %dma_start3A_456] : memref<4x2048x2048xf32, #tpu.memory_space<hbm>> -> memref<1x16x2048xf32, #tpu.memory_space<hbm>>
    %dma_start3A_458 = tpu.memref_squeeze %dma_start3A_457 : memref<1x16x2048xf32, #tpu.memory_space<hbm>> -> memref<16x2048xf32, #tpu.memory_space<hbm>>
    tpu.enqueue_dma source(%arg8 : memref<16x2048xf32, #tpu.memory_space<vmem>>) target(%dma_start3A_458 : memref<16x2048xf32, #tpu.memory_space<hbm>>) target_semaphore(%arg14 : memref<!tpu.dma_semaphore, #tpu.memory_space<semaphore_mem>>)
    %dma_wait3A_459 = arith.constant 1 : i32
    %dma_wait3A_460 = arith.constant 0 : i32
    %dma_wait3A_461 = tpu.memref_slice %arg5[%dma_wait3A_459, %add3A_451, %dma_wait3A_460] : memref<4x2048x2048xf32, #tpu.memory_space<hbm>> -> memref<1x16x2048xf32, #tpu.memory_space<hbm>>
    %dma_wait3A_462 = tpu.memref_squeeze %dma_wait3A_461 : memref<1x16x2048xf32, #tpu.memory_space<hbm>> -> memref<16x2048xf32, #tpu.memory_space<hbm>>
    %dma_wait3A_463 = arith.constant 0 : i32
    %dma_wait3A_464 = tpu.memref_slice %arg5[%dma_wait3A_459, %add3A_451, %dma_wait3A_463] : memref<4x2048x2048xf32, #tpu.memory_space<hbm>> -> memref<1x16x2048xf32, #tpu.memory_space<hbm>>
    %dma_wait3A_465 = tpu.memref_squeeze %dma_wait3A_464 : memref<1x16x2048xf32, #tpu.memory_space<hbm>> -> memref<16x2048xf32, #tpu.memory_space<hbm>>
    tpu.wait_dma2 semaphore(%arg14 : memref<!tpu.dma_semaphore, #tpu.memory_space<semaphore_mem>>) src(%arg8 : memref<16x2048xf32, #tpu.memory_space<vmem>>) dst(%dma_wait3A_465 : memref<16x2048xf32, #tpu.memory_space<hbm>>)
    %dma_start3A_466 = arith.constant 0 : i32
    %dma_start3A_467 = arith.constant 48 : i32
    %dma_start3A_468 = tpu.memref_slice %arg6[%dma_start3A_466, %dma_start3A_467] : memref<4x64xi32, #tpu.memory_space<vmem>> -> memref<1x16xi32, #tpu.memory_space<vmem>>
    %dma_start3A_469 = tpu.memref_squeeze %dma_start3A_468 : memref<1x16xi32, #tpu.memory_space<vmem>> -> memref<16xi32, #tpu.memory_space<vmem>>
    %dma_start3A_470 = arith.constant 0 : i32
    %dma_start3A_471 = arith.constant 0 : i32
    %dma_start3A_472 = tpu.memref_slice %arg3[%dma_start3A_470, %dma_start3A_471] : memref<100000x2048xf32, #tpu.memory_space<hbm>> -> memref<100000x2048xf32, #tpu.memory_space<hbm>>
    tpu.enqueue_indirect_dma source(%dma_start3A_472 : memref<100000x2048xf32, #tpu.memory_space<hbm>>) target(%arg8 : memref<16x2048xf32, #tpu.memory_space<vmem>>) offsets(%dma_start3A_469 : memref<16xi32, #tpu.memory_space<vmem>>) semaphore(%arg11 : memref<!tpu.dma_semaphore, #tpu.memory_space<semaphore_mem>>)
    %dma_wait3A_473 = arith.constant 2 : i32
    %dma_wait3A_474 = arith.constant 32 : i32
    %dma_wait3A_475 = tpu.memref_slice %arg6[%dma_wait3A_473, %dma_wait3A_474] : memref<4x64xi32, #tpu.memory_space<vmem>> -> memref<1x16xi32, #tpu.memory_space<vmem>>
    %dma_wait3A_476 = tpu.memref_squeeze %dma_wait3A_475 : memref<1x16xi32, #tpu.memory_space<vmem>> -> memref<16xi32, #tpu.memory_space<vmem>>
    %dma_wait3A_477 = arith.constant 0 : i32
    %dma_wait3A_478 = arith.constant 0 : i32
    %dma_wait3A_479 = tpu.memref_slice %arg3[%dma_wait3A_477, %dma_wait3A_478] : memref<100000x2048xf32, #tpu.memory_space<hbm>> -> memref<100000x2048xf32, #tpu.memory_space<hbm>>
    tpu.wait_indirect_dma semaphore(%arg12 : memref<!tpu.dma_semaphore, #tpu.memory_space<semaphore_mem>>) src(%dma_wait3A_479 : memref<100000x2048xf32, #tpu.memory_space<hbm>>) dst(%arg9 : memref<16x2048xf32, #tpu.memory_space<vmem>>)
    %parallel_loop3A_480 = arith.constant 0 : i32
    %parallel_loop3A_481 = arith.constant 1024 : i32
    %parallel_loop3A_482 = arith.constant 1 : i32
    scf.for %parallel_loop3A_659 = %parallel_loop3A_480 to %parallel_loop3A_481 step %parallel_loop3A_482  : i32 {
      %parallel_loop3A_660 = arith.constant 6 : i32
      %parallel_loop3A_661 = arith.shrsi %parallel_loop3A_659, %parallel_loop3A_660 : i32
      %parallel_loop3A_662 = arith.constant 63 : i32
      %parallel_loop3A_663 = arith.andi %parallel_loop3A_659, %parallel_loop3A_662 : i32
      %parallel_loop3A_664 = arith.constant 16 : i32
      %parallel_loop3A_665 = arith.muli %parallel_loop3A_659, %parallel_loop3A_664 : i32
      %parallel_loop3A_666 = tpu.assume_multiple %parallel_loop3A_665, 8 : i32
      %parallel_loop3A_667 = arith.index_cast %parallel_loop3A_666 : i32 to index
      %parallel_loop3A_668 = tpu.vector_load %arg7[%parallel_loop3A_667] {strides = array<i32>} : memref<16384xf32, #tpu.memory_space<vmem>>, vector<16xf32>,
      %parallel_loop3A_669 = vector.shape_cast %parallel_loop3A_668 : vector<16xf32> to vector<16xf32>
      %parallel_loop3A_670 = tpu.bitcast %parallel_loop3A_669 : vector<16xf32> -> vector<16xi32>
      %parallel_loop3A_671 = arith.constant 16 : i32
      %parallel_loop3A_672 = vector.broadcast %parallel_loop3A_671 : i32 to vector<16xi32>
      %parallel_loop3A_673 = arith.shli %parallel_loop3A_670, %parallel_loop3A_672 : vector<16xi32>
      %parallel_loop3A_674 = tpu.bitcast %parallel_loop3A_673 : vector<16xi32> -> vector<16xf32>
      %parallel_loop3A_675 = arith.constant -65536 : i32
      %parallel_loop3A_676 = vector.broadcast %parallel_loop3A_675 : i32 to vector<16xi32>
      %parallel_loop3A_677 = arith.andi %parallel_loop3A_670, %parallel_loop3A_676 : vector<16xi32>
      %parallel_loop3A_678 = tpu.bitcast %parallel_loop3A_677 : vector<16xi32> -> vector<16xf32>
      %parallel_loop3A_679 = arith.constant 32 : i32
      %parallel_loop3A_680 = arith.muli %parallel_loop3A_663, %parallel_loop3A_679 : i32
      %parallel_loop3A_681 = arith.index_cast %parallel_loop3A_661 : i32 to index
      %parallel_loop3A_682 = arith.index_cast %parallel_loop3A_680 : i32 to index
      %parallel_loop3A_683 = tpu.vector_load %arg9[%parallel_loop3A_681, %parallel_loop3A_682] {strides = array<i32>} : memref<16x2048xf32, #tpu.memory_space<vmem>>, vector<1x16xf32>,
      %parallel_loop3A_684 = vector.shape_cast %parallel_loop3A_683 : vector<1x16xf32> to vector<16xf32>
      %parallel_loop3A_685 = vector.shape_cast %parallel_loop3A_674 : vector<16xf32> to vector<1x16xf32>
      tpu.vector_store %arg9[%parallel_loop3A_681, %parallel_loop3A_682], %parallel_loop3A_685 {add = true, strides = array<i32>} : memref<16x2048xf32, #tpu.memory_space<vmem>>, vector<1x16xf32>,
      %parallel_loop3A_686 = arith.constant 32 : i32
      %parallel_loop3A_687 = arith.muli %parallel_loop3A_663, %parallel_loop3A_686 : i32
      %parallel_loop3A_688 = arith.constant 16 : i32
      %parallel_loop3A_689 = arith.addi %parallel_loop3A_687, %parallel_loop3A_688 : i32
      %parallel_loop3A_690 = arith.index_cast %parallel_loop3A_661 : i32 to index
      %parallel_loop3A_691 = arith.index_cast %parallel_loop3A_689 : i32 to index
      %parallel_loop3A_692 = tpu.vector_load %arg9[%parallel_loop3A_690, %parallel_loop3A_691] {strides = array<i32>} : memref<16x2048xf32, #tpu.memory_space<vmem>>, vector<1x16xf32>,
      %parallel_loop3A_693 = vector.shape_cast %parallel_loop3A_692 : vector<1x16xf32> to vector<16xf32>
      %parallel_loop3A_694 = vector.shape_cast %parallel_loop3A_678 : vector<16xf32> to vector<1x16xf32>
      tpu.vector_store %arg9[%parallel_loop3A_690, %parallel_loop3A_691], %parallel_loop3A_694 {add = true, strides = array<i32>} : memref<16x2048xf32, #tpu.memory_space<vmem>>, vector<1x16xf32>,
    } {sc.loop_unroll_factor = 4 : i64, sc.parallel_access}
    %add3A_483 = arith.constant 32 : i32
    %add3A_484 = arith.addi %mul3A_2, %add3A_483 : i32
    %dma_start3A_485 = arith.constant 2 : i32
    %dma_start3A_486 = arith.constant 0 : i32
    %dma_start3A_487 = tpu.memref_slice %arg5[%dma_start3A_485, %add3A_484, %dma_start3A_486] : memref<4x2048x2048xf32, #tpu.memory_space<hbm>> -> memref<1x16x2048xf32, #tpu.memory_space<hbm>>
    %dma_start3A_488 = tpu.memref_squeeze %dma_start3A_487 : memref<1x16x2048xf32, #tpu.memory_space<hbm>> -> memref<16x2048xf32, #tpu.memory_space<hbm>>
    %dma_start3A_489 = arith.constant 0 : i32
    %dma_start3A_490 = tpu.memref_slice %arg5[%dma_start3A_485, %add3A_484, %dma_start3A_489] : memref<4x2048x2048xf32, #tpu.memory_space<hbm>> -> memref<1x16x2048xf32, #tpu.memory_space<hbm>>
    %dma_start3A_491 = tpu.memref_squeeze %dma_start3A_490 : memref<1x16x2048xf32, #tpu.memory_space<hbm>> -> memref<16x2048xf32, #tpu.memory_space<hbm>>
    tpu.enqueue_dma source(%arg9 : memref<16x2048xf32, #tpu.memory_space<vmem>>) target(%dma_start3A_491 : memref<16x2048xf32, #tpu.memory_space<hbm>>) target_semaphore(%arg15 : memref<!tpu.dma_semaphore, #tpu.memory_space<semaphore_mem>>)
    %dma_wait3A_492 = arith.constant 2 : i32
    %dma_wait3A_493 = arith.constant 0 : i32
    %dma_wait3A_494 = tpu.memref_slice %arg5[%dma_wait3A_492, %add3A_484, %dma_wait3A_493] : memref<4x2048x2048xf32, #tpu.memory_space<hbm>> -> memref<1x16x2048xf32, #tpu.memory_space<hbm>>
    %dma_wait3A_495 = tpu.memref_squeeze %dma_wait3A_494 : memref<1x16x2048xf32, #tpu.memory_space<hbm>> -> memref<16x2048xf32, #tpu.memory_space<hbm>>
    %dma_wait3A_496 = arith.constant 0 : i32
    %dma_wait3A_497 = tpu.memref_slice %arg5[%dma_wait3A_492, %add3A_484, %dma_wait3A_496] : memref<4x2048x2048xf32, #tpu.memory_space<hbm>> -> memref<1x16x2048xf32, #tpu.memory_space<hbm>>
    %dma_wait3A_498 = tpu.memref_squeeze %dma_wait3A_497 : memref<1x16x2048xf32, #tpu.memory_space<hbm>> -> memref<16x2048xf32, #tpu.memory_space<hbm>>
    tpu.wait_dma2 semaphore(%arg15 : memref<!tpu.dma_semaphore, #tpu.memory_space<semaphore_mem>>) src(%arg9 : memref<16x2048xf32, #tpu.memory_space<vmem>>) dst(%dma_wait3A_498 : memref<16x2048xf32, #tpu.memory_space<hbm>>)
    %dma_start3A_499 = arith.constant 1 : i32
    %dma_start3A_500 = arith.constant 48 : i32
    %dma_start3A_501 = tpu.memref_slice %arg6[%dma_start3A_499, %dma_start3A_500] : memref<4x64xi32, #tpu.memory_space<vmem>> -> memref<1x16xi32, #tpu.memory_space<vmem>>
    %dma_start3A_502 = tpu.memref_squeeze %dma_start3A_501 : memref<1x16xi32, #tpu.memory_space<vmem>> -> memref<16xi32, #tpu.memory_space<vmem>>
    %dma_start3A_503 = arith.constant 0 : i32
    %dma_start3A_504 = arith.constant 0 : i32
    %dma_start3A_505 = tpu.memref_slice %arg3[%dma_start3A_503, %dma_start3A_504] : memref<100000x2048xf32, #tpu.memory_space<hbm>> -> memref<100000x2048xf32, #tpu.memory_space<hbm>>
    tpu.enqueue_indirect_dma source(%dma_start3A_505 : memref<100000x2048xf32, #tpu.memory_space<hbm>>) target(%arg9 : memref<16x2048xf32, #tpu.memory_space<vmem>>) offsets(%dma_start3A_502 : memref<16xi32, #tpu.memory_space<vmem>>) semaphore(%arg12 : memref<!tpu.dma_semaphore, #tpu.memory_space<semaphore_mem>>)
    %dma_wait3A_506 = arith.constant 3 : i32
    %dma_wait3A_507 = arith.constant 32 : i32
    %dma_wait3A_508 = tpu.memref_slice %arg6[%dma_wait3A_506, %dma_wait3A_507] : memref<4x64xi32, #tpu.memory_space<vmem>> -> memref<1x16xi32, #tpu.memory_space<vmem>>
    %dma_wait3A_509 = tpu.memref_squeeze %dma_wait3A_508 : memref<1x16xi32, #tpu.memory_space<vmem>> -> memref<16xi32, #tpu.memory_space<vmem>>
    %dma_wait3A_510 = arith.constant 0 : i32
    %dma_wait3A_511 = arith.constant 0 : i32
    %dma_wait3A_512 = tpu.memref_slice %arg3[%dma_wait3A_510, %dma_wait3A_511] : memref<100000x2048xf32, #tpu.memory_space<hbm>> -> memref<100000x2048xf32, #tpu.memory_space<hbm>>
    tpu.wait_indirect_dma semaphore(%arg13 : memref<!tpu.dma_semaphore, #tpu.memory_space<semaphore_mem>>) src(%dma_wait3A_512 : memref<100000x2048xf32, #tpu.memory_space<hbm>>) dst(%arg10 : memref<16x2048xf32, #tpu.memory_space<vmem>>)
    %parallel_loop3A_513 = arith.constant 0 : i32
    %parallel_loop3A_514 = arith.constant 1024 : i32
    %parallel_loop3A_515 = arith.constant 1 : i32
    scf.for %parallel_loop3A_659 = %parallel_loop3A_513 to %parallel_loop3A_514 step %parallel_loop3A_515  : i32 {
      %parallel_loop3A_660 = arith.constant 6 : i32
      %parallel_loop3A_661 = arith.shrsi %parallel_loop3A_659, %parallel_loop3A_660 : i32
      %parallel_loop3A_662 = arith.constant 63 : i32
      %parallel_loop3A_663 = arith.andi %parallel_loop3A_659, %parallel_loop3A_662 : i32
      %parallel_loop3A_664 = arith.constant 16 : i32
      %parallel_loop3A_665 = arith.muli %parallel_loop3A_659, %parallel_loop3A_664 : i32
      %parallel_loop3A_666 = tpu.assume_multiple %parallel_loop3A_665, 8 : i32
      %parallel_loop3A_667 = arith.index_cast %parallel_loop3A_666 : i32 to index
      %parallel_loop3A_668 = tpu.vector_load %arg7[%parallel_loop3A_667] {strides = array<i32>} : memref<16384xf32, #tpu.memory_space<vmem>>, vector<16xf32>,
      %parallel_loop3A_669 = vector.shape_cast %parallel_loop3A_668 : vector<16xf32> to vector<16xf32>
      %parallel_loop3A_670 = tpu.bitcast %parallel_loop3A_669 : vector<16xf32> -> vector<16xi32>
      %parallel_loop3A_671 = arith.constant 16 : i32
      %parallel_loop3A_672 = vector.broadcast %parallel_loop3A_671 : i32 to vector<16xi32>
      %parallel_loop3A_673 = arith.shli %parallel_loop3A_670, %parallel_loop3A_672 : vector<16xi32>
      %parallel_loop3A_674 = tpu.bitcast %parallel_loop3A_673 : vector<16xi32> -> vector<16xf32>
      %parallel_loop3A_675 = arith.constant -65536 : i32
      %parallel_loop3A_676 = vector.broadcast %parallel_loop3A_675 : i32 to vector<16xi32>
      %parallel_loop3A_677 = arith.andi %parallel_loop3A_670, %parallel_loop3A_676 : vector<16xi32>
      %parallel_loop3A_678 = tpu.bitcast %parallel_loop3A_677 : vector<16xi32> -> vector<16xf32>
      %parallel_loop3A_679 = arith.constant 32 : i32
      %parallel_loop3A_680 = arith.muli %parallel_loop3A_663, %parallel_loop3A_679 : i32
      %parallel_loop3A_681 = arith.index_cast %parallel_loop3A_661 : i32 to index
      %parallel_loop3A_682 = arith.index_cast %parallel_loop3A_680 : i32 to index
      %parallel_loop3A_683 = tpu.vector_load %arg10[%parallel_loop3A_681, %parallel_loop3A_682] {strides = array<i32>} : memref<16x2048xf32, #tpu.memory_space<vmem>>, vector<1x16xf32>,
      %parallel_loop3A_684 = vector.shape_cast %parallel_loop3A_683 : vector<1x16xf32> to vector<16xf32>
      %parallel_loop3A_685 = vector.shape_cast %parallel_loop3A_674 : vector<16xf32> to vector<1x16xf32>
      tpu.vector_store %arg10[%parallel_loop3A_681, %parallel_loop3A_682], %parallel_loop3A_685 {add = true, strides = array<i32>} : memref<16x2048xf32, #tpu.memory_space<vmem>>, vector<1x16xf32>,
      %parallel_loop3A_686 = arith.constant 32 : i32
      %parallel_loop3A_687 = arith.muli %parallel_loop3A_663, %parallel_loop3A_686 : i32
      %parallel_loop3A_688 = arith.constant 16 : i32
      %parallel_loop3A_689 = arith.addi %parallel_loop3A_687, %parallel_loop3A_688 : i32
      %parallel_loop3A_690 = arith.index_cast %parallel_loop3A_661 : i32 to index
      %parallel_loop3A_691 = arith.index_cast %parallel_loop3A_689 : i32 to index
      %parallel_loop3A_692 = tpu.vector_load %arg10[%parallel_loop3A_690, %parallel_loop3A_691] {strides = array<i32>} : memref<16x2048xf32, #tpu.memory_space<vmem>>, vector<1x16xf32>,
      %parallel_loop3A_693 = vector.shape_cast %parallel_loop3A_692 : vector<1x16xf32> to vector<16xf32>
      %parallel_loop3A_694 = vector.shape_cast %parallel_loop3A_678 : vector<16xf32> to vector<1x16xf32>
      tpu.vector_store %arg10[%parallel_loop3A_690, %parallel_loop3A_691], %parallel_loop3A_694 {add = true, strides = array<i32>} : memref<16x2048xf32, #tpu.memory_space<vmem>>, vector<1x16xf32>,
    } {sc.loop_unroll_factor = 4 : i64, sc.parallel_access}
    %add3A_516 = arith.constant 32 : i32
    %add3A_517 = arith.addi %mul3A_2, %add3A_516 : i32
    %dma_start3A_518 = arith.constant 3 : i32
    %dma_start3A_519 = arith.constant 0 : i32
    %dma_start3A_520 = tpu.memref_slice %arg5[%dma_start3A_518, %add3A_517, %dma_start3A_519] : memref<4x2048x2048xf32, #tpu.memory_space<hbm>> -> memref<1x16x2048xf32, #tpu.memory_space<hbm>>
    %dma_start3A_521 = tpu.memref_squeeze %dma_start3A_520 : memref<1x16x2048xf32, #tpu.memory_space<hbm>> -> memref<16x2048xf32, #tpu.memory_space<hbm>>
    %dma_start3A_522 = arith.constant 0 : i32
    %dma_start3A_523 = tpu.memref_slice %arg5[%dma_start3A_518, %add3A_517, %dma_start3A_522] : memref<4x2048x2048xf32, #tpu.memory_space<hbm>> -> memref<1x16x2048xf32, #tpu.memory_space<hbm>>
    %dma_start3A_524 = tpu.memref_squeeze %dma_start3A_523 : memref<1x16x2048xf32, #tpu.memory_space<hbm>> -> memref<16x2048xf32, #tpu.memory_space<hbm>>
    tpu.enqueue_dma source(%arg10 : memref<16x2048xf32, #tpu.memory_space<vmem>>) target(%dma_start3A_524 : memref<16x2048xf32, #tpu.memory_space<hbm>>) target_semaphore(%arg16 : memref<!tpu.dma_semaphore, #tpu.memory_space<semaphore_mem>>)
    %add3A_525 = arith.constant 48 : i32
    %add3A_526 = arith.addi %mul3A_2, %add3A_525 : i32
    %mul3A_527 = arith.constant 1024 : i32
    %mul3A_528 = arith.muli %add3A_526, %mul3A_527 : i32
    %multiple_of3A_529 = tpu.assume_multiple %mul3A_528, 8 : i32
    %dma_start3A_530 = tpu.memref_slice %arg4[%multiple_of3A_529] : memref<2097152xf32, #tpu.memory_space<hbm>> -> memref<16384xf32, #tpu.memory_space<hbm>>
    %dma_start3A_531 = tpu.memref_slice %arg4[%multiple_of3A_529] : memref<2097152xf32, #tpu.memory_space<hbm>> -> memref<16384xf32, #tpu.memory_space<hbm>>
    tpu.enqueue_dma source(%dma_start3A_531 : memref<16384xf32, #tpu.memory_space<hbm>>) target(%arg7 : memref<16384xf32, #tpu.memory_space<vmem>>) target_semaphore(%arg17 : memref<!tpu.dma_semaphore, #tpu.memory_space<semaphore_mem>>)
    %dma_wait3A_532 = arith.constant 3 : i32
    %dma_wait3A_533 = arith.constant 0 : i32
    %dma_wait3A_534 = tpu.memref_slice %arg5[%dma_wait3A_532, %add3A_517, %dma_wait3A_533] : memref<4x2048x2048xf32, #tpu.memory_space<hbm>> -> memref<1x16x2048xf32, #tpu.memory_space<hbm>>
    %dma_wait3A_535 = tpu.memref_squeeze %dma_wait3A_534 : memref<1x16x2048xf32, #tpu.memory_space<hbm>> -> memref<16x2048xf32, #tpu.memory_space<hbm>>
    %dma_wait3A_536 = arith.constant 0 : i32
    %dma_wait3A_537 = tpu.memref_slice %arg5[%dma_wait3A_532, %add3A_517, %dma_wait3A_536] : memref<4x2048x2048xf32, #tpu.memory_space<hbm>> -> memref<1x16x2048xf32, #tpu.memory_space<hbm>>
    %dma_wait3A_538 = tpu.memref_squeeze %dma_wait3A_537 : memref<1x16x2048xf32, #tpu.memory_space<hbm>> -> memref<16x2048xf32, #tpu.memory_space<hbm>>
    tpu.wait_dma2 semaphore(%arg16 : memref<!tpu.dma_semaphore, #tpu.memory_space<semaphore_mem>>) src(%arg10 : memref<16x2048xf32, #tpu.memory_space<vmem>>) dst(%dma_wait3A_538 : memref<16x2048xf32, #tpu.memory_space<hbm>>)
    %dma_start3A_539 = arith.constant 2 : i32
    %dma_start3A_540 = arith.constant 48 : i32
    %dma_start3A_541 = tpu.memref_slice %arg6[%dma_start3A_539, %dma_start3A_540] : memref<4x64xi32, #tpu.memory_space<vmem>> -> memref<1x16xi32, #tpu.memory_space<vmem>>
    %dma_start3A_542 = tpu.memref_squeeze %dma_start3A_541 : memref<1x16xi32, #tpu.memory_space<vmem>> -> memref<16xi32, #tpu.memory_space<vmem>>
    %dma_start3A_543 = arith.constant 0 : i32
    %dma_start3A_544 = arith.constant 0 : i32
    %dma_start3A_545 = tpu.memref_slice %arg3[%dma_start3A_543, %dma_start3A_544] : memref<100000x2048xf32, #tpu.memory_space<hbm>> -> memref<100000x2048xf32, #tpu.memory_space<hbm>>
    tpu.enqueue_indirect_dma source(%dma_start3A_545 : memref<100000x2048xf32, #tpu.memory_space<hbm>>) target(%arg10 : memref<16x2048xf32, #tpu.memory_space<vmem>>) offsets(%dma_start3A_542 : memref<16xi32, #tpu.memory_space<vmem>>) semaphore(%arg13 : memref<!tpu.dma_semaphore, #tpu.memory_space<semaphore_mem>>)
    %dma_wait3A_546 = tpu.memref_slice %arg4[%multiple_of3A_529] : memref<2097152xf32, #tpu.memory_space<hbm>> -> memref<16384xf32, #tpu.memory_space<hbm>>
    %dma_wait3A_547 = tpu.memref_slice %arg4[%multiple_of3A_529] : memref<2097152xf32, #tpu.memory_space<hbm>> -> memref<16384xf32, #tpu.memory_space<hbm>>
    tpu.wait_dma2 semaphore(%arg17 : memref<!tpu.dma_semaphore, #tpu.memory_space<semaphore_mem>>) src(%dma_wait3A_547 : memref<16384xf32, #tpu.memory_space<hbm>>) dst(%arg7 : memref<16384xf32, #tpu.memory_space<vmem>>)
    %dma_wait3A_548 = arith.constant 0 : i32
    %dma_wait3A_549 = arith.constant 48 : i32
    %dma_wait3A_550 = tpu.memref_slice %arg6[%dma_wait3A_548, %dma_wait3A_549] : memref<4x64xi32, #tpu.memory_space<vmem>> -> memref<1x16xi32, #tpu.memory_space<vmem>>
    %dma_wait3A_551 = tpu.memref_squeeze %dma_wait3A_550 : memref<1x16xi32, #tpu.memory_space<vmem>> -> memref<16xi32, #tpu.memory_space<vmem>>
    %dma_wait3A_552 = arith.constant 0 : i32
    %dma_wait3A_553 = arith.constant 0 : i32
    %dma_wait3A_554 = tpu.memref_slice %arg3[%dma_wait3A_552, %dma_wait3A_553] : memref<100000x2048xf32, #tpu.memory_space<hbm>> -> memref<100000x2048xf32, #tpu.memory_space<hbm>>
    tpu.wait_indirect_dma semaphore(%arg11 : memref<!tpu.dma_semaphore, #tpu.memory_space<semaphore_mem>>) src(%dma_wait3A_554 : memref<100000x2048xf32, #tpu.memory_space<hbm>>) dst(%arg8 : memref<16x2048xf32, #tpu.memory_space<vmem>>)
    %parallel_loop3A_555 = arith.constant 0 : i32
    %parallel_loop3A_556 = arith.constant 1024 : i32
    %parallel_loop3A_557 = arith.constant 1 : i32
    scf.for %parallel_loop3A_659 = %parallel_loop3A_555 to %parallel_loop3A_556 step %parallel_loop3A_557  : i32 {
      %parallel_loop3A_660 = arith.constant 6 : i32
      %parallel_loop3A_661 = arith.shrsi %parallel_loop3A_659, %parallel_loop3A_660 : i32
      %parallel_loop3A_662 = arith.constant 63 : i32
      %parallel_loop3A_663 = arith.andi %parallel_loop3A_659, %parallel_loop3A_662 : i32
      %parallel_loop3A_664 = arith.constant 16 : i32
      %parallel_loop3A_665 = arith.muli %parallel_loop3A_659, %parallel_loop3A_664 : i32
      %parallel_loop3A_666 = tpu.assume_multiple %parallel_loop3A_665, 8 : i32
      %parallel_loop3A_667 = arith.index_cast %parallel_loop3A_666 : i32 to index
      %parallel_loop3A_668 = tpu.vector_load %arg7[%parallel_loop3A_667] {strides = array<i32>} : memref<16384xf32, #tpu.memory_space<vmem>>, vector<16xf32>,
      %parallel_loop3A_669 = vector.shape_cast %parallel_loop3A_668 : vector<16xf32> to vector<16xf32>
      %parallel_loop3A_670 = tpu.bitcast %parallel_loop3A_669 : vector<16xf32> -> vector<16xi32>
      %parallel_loop3A_671 = arith.constant 16 : i32
      %parallel_loop3A_672 = vector.broadcast %parallel_loop3A_671 : i32 to vector<16xi32>
      %parallel_loop3A_673 = arith.shli %parallel_loop3A_670, %parallel_loop3A_672 : vector<16xi32>
      %parallel_loop3A_674 = tpu.bitcast %parallel_loop3A_673 : vector<16xi32> -> vector<16xf32>
      %parallel_loop3A_675 = arith.constant -65536 : i32
      %parallel_loop3A_676 = vector.broadcast %parallel_loop3A_675 : i32 to vector<16xi32>
      %parallel_loop3A_677 = arith.andi %parallel_loop3A_670, %parallel_loop3A_676 : vector<16xi32>
      %parallel_loop3A_678 = tpu.bitcast %parallel_loop3A_677 : vector<16xi32> -> vector<16xf32>
      %parallel_loop3A_679 = arith.constant 32 : i32
      %parallel_loop3A_680 = arith.muli %parallel_loop3A_663, %parallel_loop3A_679 : i32
      %parallel_loop3A_681 = arith.index_cast %parallel_loop3A_661 : i32 to index
      %parallel_loop3A_682 = arith.index_cast %parallel_loop3A_680 : i32 to index
      %parallel_loop3A_683 = tpu.vector_load %arg8[%parallel_loop3A_681, %parallel_loop3A_682] {strides = array<i32>} : memref<16x2048xf32, #tpu.memory_space<vmem>>, vector<1x16xf32>,
      %parallel_loop3A_684 = vector.shape_cast %parallel_loop3A_683 : vector<1x16xf32> to vector<16xf32>
      %parallel_loop3A_685 = vector.shape_cast %parallel_loop3A_674 : vector<16xf32> to vector<1x16xf32>
      tpu.vector_store %arg8[%parallel_loop3A_681, %parallel_loop3A_682], %parallel_loop3A_685 {add = true, strides = array<i32>} : memref<16x2048xf32, #tpu.memory_space<vmem>>, vector<1x16xf32>,
      %parallel_loop3A_686 = arith.constant 32 : i32
      %parallel_loop3A_687 = arith.muli %parallel_loop3A_663, %parallel_loop3A_686 : i32
      %parallel_loop3A_688 = arith.constant 16 : i32
      %parallel_loop3A_689 = arith.addi %parallel_loop3A_687, %parallel_loop3A_688 : i32
      %parallel_loop3A_690 = arith.index_cast %parallel_loop3A_661 : i32 to index
      %parallel_loop3A_691 = arith.index_cast %parallel_loop3A_689 : i32 to index
      %parallel_loop3A_692 = tpu.vector_load %arg8[%parallel_loop3A_690, %parallel_loop3A_691] {strides = array<i32>} : memref<16x2048xf32, #tpu.memory_space<vmem>>, vector<1x16xf32>,
      %parallel_loop3A_693 = vector.shape_cast %parallel_loop3A_692 : vector<1x16xf32> to vector<16xf32>
      %parallel_loop3A_694 = vector.shape_cast %parallel_loop3A_678 : vector<16xf32> to vector<1x16xf32>
      tpu.vector_store %arg8[%parallel_loop3A_690, %parallel_loop3A_691], %parallel_loop3A_694 {add = true, strides = array<i32>} : memref<16x2048xf32, #tpu.memory_space<vmem>>, vector<1x16xf32>,
    } {sc.loop_unroll_factor = 4 : i64, sc.parallel_access}
    %add3A_558 = arith.constant 48 : i32
    %add3A_559 = arith.addi %mul3A_2, %add3A_558 : i32
    %dma_start3A_560 = arith.constant 0 : i32
    %dma_start3A_561 = arith.constant 0 : i32
    %dma_start3A_562 = tpu.memref_slice %arg5[%dma_start3A_560, %add3A_559, %dma_start3A_561] : memref<4x2048x2048xf32, #tpu.memory_space<hbm>> -> memref<1x16x2048xf32, #tpu.memory_space<hbm>>
    %dma_start3A_563 = tpu.memref_squeeze %dma_start3A_562 : memref<1x16x2048xf32, #tpu.memory_space<hbm>> -> memref<16x2048xf32, #tpu.memory_space<hbm>>
    %dma_start3A_564 = arith.constant 0 : i32
    %dma_start3A_565 = tpu.memref_slice %arg5[%dma_start3A_560, %add3A_559, %dma_start3A_564] : memref<4x2048x2048xf32, #tpu.memory_space<hbm>> -> memref<1x16x2048xf32, #tpu.memory_space<hbm>>
    %dma_start3A_566 = tpu.memref_squeeze %dma_start3A_565 : memref<1x16x2048xf32, #tpu.memory_space<hbm>> -> memref<16x2048xf32, #tpu.memory_space<hbm>>
    tpu.enqueue_dma source(%arg8 : memref<16x2048xf32, #tpu.memory_space<vmem>>) target(%dma_start3A_566 : memref<16x2048xf32, #tpu.memory_space<hbm>>) target_semaphore(%arg14 : memref<!tpu.dma_semaphore, #tpu.memory_space<semaphore_mem>>)
    %dma_wait3A_567 = arith.constant 0 : i32
    %dma_wait3A_568 = arith.constant 0 : i32
    %dma_wait3A_569 = tpu.memref_slice %arg5[%dma_wait3A_567, %add3A_559, %dma_wait3A_568] : memref<4x2048x2048xf32, #tpu.memory_space<hbm>> -> memref<1x16x2048xf32, #tpu.memory_space<hbm>>
    %dma_wait3A_570 = tpu.memref_squeeze %dma_wait3A_569 : memref<1x16x2048xf32, #tpu.memory_space<hbm>> -> memref<16x2048xf32, #tpu.memory_space<hbm>>
    %dma_wait3A_571 = arith.constant 0 : i32
    %dma_wait3A_572 = tpu.memref_slice %arg5[%dma_wait3A_567, %add3A_559, %dma_wait3A_571] : memref<4x2048x2048xf32, #tpu.memory_space<hbm>> -> memref<1x16x2048xf32, #tpu.memory_space<hbm>>
    %dma_wait3A_573 = tpu.memref_squeeze %dma_wait3A_572 : memref<1x16x2048xf32, #tpu.memory_space<hbm>> -> memref<16x2048xf32, #tpu.memory_space<hbm>>
    tpu.wait_dma2 semaphore(%arg14 : memref<!tpu.dma_semaphore, #tpu.memory_space<semaphore_mem>>) src(%arg8 : memref<16x2048xf32, #tpu.memory_space<vmem>>) dst(%dma_wait3A_573 : memref<16x2048xf32, #tpu.memory_space<hbm>>)
    %dma_start3A_574 = arith.constant 3 : i32
    %dma_start3A_575 = arith.constant 48 : i32
    %dma_start3A_576 = tpu.memref_slice %arg6[%dma_start3A_574, %dma_start3A_575] : memref<4x64xi32, #tpu.memory_space<vmem>> -> memref<1x16xi32, #tpu.memory_space<vmem>>
    %dma_start3A_577 = tpu.memref_squeeze %dma_start3A_576 : memref<1x16xi32, #tpu.memory_space<vmem>> -> memref<16xi32, #tpu.memory_space<vmem>>
    %dma_start3A_578 = arith.constant 0 : i32
    %dma_start3A_579 = arith.constant 0 : i32
    %dma_start3A_580 = tpu.memref_slice %arg3[%dma_start3A_578, %dma_start3A_579] : memref<100000x2048xf32, #tpu.memory_space<hbm>> -> memref<100000x2048xf32, #tpu.memory_space<hbm>>
    tpu.enqueue_indirect_dma source(%dma_start3A_580 : memref<100000x2048xf32, #tpu.memory_space<hbm>>) target(%arg8 : memref<16x2048xf32, #tpu.memory_space<vmem>>) offsets(%dma_start3A_577 : memref<16xi32, #tpu.memory_space<vmem>>) semaphore(%arg11 : memref<!tpu.dma_semaphore, #tpu.memory_space<semaphore_mem>>)
    %dma_wait3A_581 = arith.constant 1 : i32
    %dma_wait3A_582 = arith.constant 48 : i32
    %dma_wait3A_583 = tpu.memref_slice %arg6[%dma_wait3A_581, %dma_wait3A_582] : memref<4x64xi32, #tpu.memory_space<vmem>> -> memref<1x16xi32, #tpu.memory_space<vmem>>
    %dma_wait3A_584 = tpu.memref_squeeze %dma_wait3A_583 : memref<1x16xi32, #tpu.memory_space<vmem>> -> memref<16xi32, #tpu.memory_space<vmem>>
    %dma_wait3A_585 = arith.constant 0 : i32
    %dma_wait3A_586 = arith.constant 0 : i32
    %dma_wait3A_587 = tpu.memref_slice %arg3[%dma_wait3A_585, %dma_wait3A_586] : memref<100000x2048xf32, #tpu.memory_space<hbm>> -> memref<100000x2048xf32, #tpu.memory_space<hbm>>
    tpu.wait_indirect_dma semaphore(%arg12 : memref<!tpu.dma_semaphore, #tpu.memory_space<semaphore_mem>>) src(%dma_wait3A_587 : memref<100000x2048xf32, #tpu.memory_space<hbm>>) dst(%arg9 : memref<16x2048xf32, #tpu.memory_space<vmem>>)
    %parallel_loop3A_588 = arith.constant 0 : i32
    %parallel_loop3A_589 = arith.constant 1024 : i32
    %parallel_loop3A_590 = arith.constant 1 : i32
    scf.for %parallel_loop3A_659 = %parallel_loop3A_588 to %parallel_loop3A_589 step %parallel_loop3A_590  : i32 {
      %parallel_loop3A_660 = arith.constant 6 : i32
      %parallel_loop3A_661 = arith.shrsi %parallel_loop3A_659, %parallel_loop3A_660 : i32
      %parallel_loop3A_662 = arith.constant 63 : i32
      %parallel_loop3A_663 = arith.andi %parallel_loop3A_659, %parallel_loop3A_662 : i32
      %parallel_loop3A_664 = arith.constant 16 : i32
      %parallel_loop3A_665 = arith.muli %parallel_loop3A_659, %parallel_loop3A_664 : i32
      %parallel_loop3A_666 = tpu.assume_multiple %parallel_loop3A_665, 8 : i32
      %parallel_loop3A_667 = arith.index_cast %parallel_loop3A_666 : i32 to index
      %parallel_loop3A_668 = tpu.vector_load %arg7[%parallel_loop3A_667] {strides = array<i32>} : memref<16384xf32, #tpu.memory_space<vmem>>, vector<16xf32>,
      %parallel_loop3A_669 = vector.shape_cast %parallel_loop3A_668 : vector<16xf32> to vector<16xf32>
      %parallel_loop3A_670 = tpu.bitcast %parallel_loop3A_669 : vector<16xf32> -> vector<16xi32>
      %parallel_loop3A_671 = arith.constant 16 : i32
      %parallel_loop3A_672 = vector.broadcast %parallel_loop3A_671 : i32 to vector<16xi32>
      %parallel_loop3A_673 = arith.shli %parallel_loop3A_670, %parallel_loop3A_672 : vector<16xi32>
      %parallel_loop3A_674 = tpu.bitcast %parallel_loop3A_673 : vector<16xi32> -> vector<16xf32>
      %parallel_loop3A_675 = arith.constant -65536 : i32
      %parallel_loop3A_676 = vector.broadcast %parallel_loop3A_675 : i32 to vector<16xi32>
      %parallel_loop3A_677 = arith.andi %parallel_loop3A_670, %parallel_loop3A_676 : vector<16xi32>
      %parallel_loop3A_678 = tpu.bitcast %parallel_loop3A_677 : vector<16xi32> -> vector<16xf32>
      %parallel_loop3A_679 = arith.constant 32 : i32
      %parallel_loop3A_680 = arith.muli %parallel_loop3A_663, %parallel_loop3A_679 : i32
      %parallel_loop3A_681 = arith.index_cast %parallel_loop3A_661 : i32 to index
      %parallel_loop3A_682 = arith.index_cast %parallel_loop3A_680 : i32 to index
      %parallel_loop3A_683 = tpu.vector_load %arg9[%parallel_loop3A_681, %parallel_loop3A_682] {strides = array<i32>} : memref<16x2048xf32, #tpu.memory_space<vmem>>, vector<1x16xf32>,
      %parallel_loop3A_684 = vector.shape_cast %parallel_loop3A_683 : vector<1x16xf32> to vector<16xf32>
      %parallel_loop3A_685 = vector.shape_cast %parallel_loop3A_674 : vector<16xf32> to vector<1x16xf32>
      tpu.vector_store %arg9[%parallel_loop3A_681, %parallel_loop3A_682], %parallel_loop3A_685 {add = true, strides = array<i32>} : memref<16x2048xf32, #tpu.memory_space<vmem>>, vector<1x16xf32>,
      %parallel_loop3A_686 = arith.constant 32 : i32
      %parallel_loop3A_687 = arith.muli %parallel_loop3A_663, %parallel_loop3A_686 : i32
      %parallel_loop3A_688 = arith.constant 16 : i32
      %parallel_loop3A_689 = arith.addi %parallel_loop3A_687, %parallel_loop3A_688 : i32
      %parallel_loop3A_690 = arith.index_cast %parallel_loop3A_661 : i32 to index
      %parallel_loop3A_691 = arith.index_cast %parallel_loop3A_689 : i32 to index
      %parallel_loop3A_692 = tpu.vector_load %arg9[%parallel_loop3A_690, %parallel_loop3A_691] {strides = array<i32>} : memref<16x2048xf32, #tpu.memory_space<vmem>>, vector<1x16xf32>,
      %parallel_loop3A_693 = vector.shape_cast %parallel_loop3A_692 : vector<1x16xf32> to vector<16xf32>
      %parallel_loop3A_694 = vector.shape_cast %parallel_loop3A_678 : vector<16xf32> to vector<1x16xf32>
      tpu.vector_store %arg9[%parallel_loop3A_690, %parallel_loop3A_691], %parallel_loop3A_694 {add = true, strides = array<i32>} : memref<16x2048xf32, #tpu.memory_space<vmem>>, vector<1x16xf32>,
    } {sc.loop_unroll_factor = 4 : i64, sc.parallel_access}
    %add3A_591 = arith.constant 48 : i32
    %add3A_592 = arith.addi %mul3A_2, %add3A_591 : i32
    %dma_start3A_593 = arith.constant 1 : i32
    %dma_start3A_594 = arith.constant 0 : i32
    %dma_start3A_595 = tpu.memref_slice %arg5[%dma_start3A_593, %add3A_592, %dma_start3A_594] : memref<4x2048x2048xf32, #tpu.memory_space<hbm>> -> memref<1x16x2048xf32, #tpu.memory_space<hbm>>
    %dma_start3A_596 = tpu.memref_squeeze %dma_start3A_595 : memref<1x16x2048xf32, #tpu.memory_space<hbm>> -> memref<16x2048xf32, #tpu.memory_space<hbm>>
    %dma_start3A_597 = arith.constant 0 : i32
    %dma_start3A_598 = tpu.memref_slice %arg5[%dma_start3A_593, %add3A_592, %dma_start3A_597] : memref<4x2048x2048xf32, #tpu.memory_space<hbm>> -> memref<1x16x2048xf32, #tpu.memory_space<hbm>>
    %dma_start3A_599 = tpu.memref_squeeze %dma_start3A_598 : memref<1x16x2048xf32, #tpu.memory_space<hbm>> -> memref<16x2048xf32, #tpu.memory_space<hbm>>
    tpu.enqueue_dma source(%arg9 : memref<16x2048xf32, #tpu.memory_space<vmem>>) target(%dma_start3A_599 : memref<16x2048xf32, #tpu.memory_space<hbm>>) target_semaphore(%arg15 : memref<!tpu.dma_semaphore, #tpu.memory_space<semaphore_mem>>)
    %dma_wait3A_600 = arith.constant 2 : i32
    %dma_wait3A_601 = arith.constant 48 : i32
    %dma_wait3A_602 = tpu.memref_slice %arg6[%dma_wait3A_600, %dma_wait3A_601] : memref<4x64xi32, #tpu.memory_space<vmem>> -> memref<1x16xi32, #tpu.memory_space<vmem>>
    %dma_wait3A_603 = tpu.memref_squeeze %dma_wait3A_602 : memref<1x16xi32, #tpu.memory_space<vmem>> -> memref<16xi32, #tpu.memory_space<vmem>>
    %dma_wait3A_604 = arith.constant 0 : i32
    %dma_wait3A_605 = arith.constant 0 : i32
    %dma_wait3A_606 = tpu.memref_slice %arg3[%dma_wait3A_604, %dma_wait3A_605] : memref<100000x2048xf32, #tpu.memory_space<hbm>> -> memref<100000x2048xf32, #tpu.memory_space<hbm>>
    tpu.wait_indirect_dma semaphore(%arg13 : memref<!tpu.dma_semaphore, #tpu.memory_space<semaphore_mem>>) src(%dma_wait3A_606 : memref<100000x2048xf32, #tpu.memory_space<hbm>>) dst(%arg10 : memref<16x2048xf32, #tpu.memory_space<vmem>>)
    %parallel_loop3A_607 = arith.constant 0 : i32
    %parallel_loop3A_608 = arith.constant 1024 : i32
    %parallel_loop3A_609 = arith.constant 1 : i32
    scf.for %parallel_loop3A_659 = %parallel_loop3A_607 to %parallel_loop3A_608 step %parallel_loop3A_609  : i32 {
      %parallel_loop3A_660 = arith.constant 6 : i32
      %parallel_loop3A_661 = arith.shrsi %parallel_loop3A_659, %parallel_loop3A_660 : i32
      %parallel_loop3A_662 = arith.constant 63 : i32
      %parallel_loop3A_663 = arith.andi %parallel_loop3A_659, %parallel_loop3A_662 : i32
      %parallel_loop3A_664 = arith.constant 16 : i32
      %parallel_loop3A_665 = arith.muli %parallel_loop3A_659, %parallel_loop3A_664 : i32
      %parallel_loop3A_666 = tpu.assume_multiple %parallel_loop3A_665, 8 : i32
      %parallel_loop3A_667 = arith.index_cast %parallel_loop3A_666 : i32 to index
      %parallel_loop3A_668 = tpu.vector_load %arg7[%parallel_loop3A_667] {strides = array<i32>} : memref<16384xf32, #tpu.memory_space<vmem>>, vector<16xf32>,
      %parallel_loop3A_669 = vector.shape_cast %parallel_loop3A_668 : vector<16xf32> to vector<16xf32>
      %parallel_loop3A_670 = tpu.bitcast %parallel_loop3A_669 : vector<16xf32> -> vector<16xi32>
      %parallel_loop3A_671 = arith.constant 16 : i32
      %parallel_loop3A_672 = vector.broadcast %parallel_loop3A_671 : i32 to vector<16xi32>
      %parallel_loop3A_673 = arith.shli %parallel_loop3A_670, %parallel_loop3A_672 : vector<16xi32>
      %parallel_loop3A_674 = tpu.bitcast %parallel_loop3A_673 : vector<16xi32> -> vector<16xf32>
      %parallel_loop3A_675 = arith.constant -65536 : i32
      %parallel_loop3A_676 = vector.broadcast %parallel_loop3A_675 : i32 to vector<16xi32>
      %parallel_loop3A_677 = arith.andi %parallel_loop3A_670, %parallel_loop3A_676 : vector<16xi32>
      %parallel_loop3A_678 = tpu.bitcast %parallel_loop3A_677 : vector<16xi32> -> vector<16xf32>
      %parallel_loop3A_679 = arith.constant 32 : i32
      %parallel_loop3A_680 = arith.muli %parallel_loop3A_663, %parallel_loop3A_679 : i32
      %parallel_loop3A_681 = arith.index_cast %parallel_loop3A_661 : i32 to index
      %parallel_loop3A_682 = arith.index_cast %parallel_loop3A_680 : i32 to index
      %parallel_loop3A_683 = tpu.vector_load %arg10[%parallel_loop3A_681, %parallel_loop3A_682] {strides = array<i32>} : memref<16x2048xf32, #tpu.memory_space<vmem>>, vector<1x16xf32>,
      %parallel_loop3A_684 = vector.shape_cast %parallel_loop3A_683 : vector<1x16xf32> to vector<16xf32>
      %parallel_loop3A_685 = vector.shape_cast %parallel_loop3A_674 : vector<16xf32> to vector<1x16xf32>
      tpu.vector_store %arg10[%parallel_loop3A_681, %parallel_loop3A_682], %parallel_loop3A_685 {add = true, strides = array<i32>} : memref<16x2048xf32, #tpu.memory_space<vmem>>, vector<1x16xf32>,
      %parallel_loop3A_686 = arith.constant 32 : i32
      %parallel_loop3A_687 = arith.muli %parallel_loop3A_663, %parallel_loop3A_686 : i32
      %parallel_loop3A_688 = arith.constant 16 : i32
      %parallel_loop3A_689 = arith.addi %parallel_loop3A_687, %parallel_loop3A_688 : i32
      %parallel_loop3A_690 = arith.index_cast %parallel_loop3A_661 : i32 to index
      %parallel_loop3A_691 = arith.index_cast %parallel_loop3A_689 : i32 to index
      %parallel_loop3A_692 = tpu.vector_load %arg10[%parallel_loop3A_690, %parallel_loop3A_691] {strides = array<i32>} : memref<16x2048xf32, #tpu.memory_space<vmem>>, vector<1x16xf32>,
      %parallel_loop3A_693 = vector.shape_cast %parallel_loop3A_692 : vector<1x16xf32> to vector<16xf32>
      %parallel_loop3A_694 = vector.shape_cast %parallel_loop3A_678 : vector<16xf32> to vector<1x16xf32>
      tpu.vector_store %arg10[%parallel_loop3A_690, %parallel_loop3A_691], %parallel_loop3A_694 {add = true, strides = array<i32>} : memref<16x2048xf32, #tpu.memory_space<vmem>>, vector<1x16xf32>,
    } {sc.loop_unroll_factor = 4 : i64, sc.parallel_access}
    %add3A_610 = arith.constant 48 : i32
    %add3A_611 = arith.addi %mul3A_2, %add3A_610 : i32
    %dma_start3A_612 = arith.constant 2 : i32
    %dma_start3A_613 = arith.constant 0 : i32
    %dma_start3A_614 = tpu.memref_slice %arg5[%dma_start3A_612, %add3A_611, %dma_start3A_613] : memref<4x2048x2048xf32, #tpu.memory_space<hbm>> -> memref<1x16x2048xf32, #tpu.memory_space<hbm>>
    %dma_start3A_615 = tpu.memref_squeeze %dma_start3A_614 : memref<1x16x2048xf32, #tpu.memory_space<hbm>> -> memref<16x2048xf32, #tpu.memory_space<hbm>>
    %dma_start3A_616 = arith.constant 0 : i32
    %dma_start3A_617 = tpu.memref_slice %arg5[%dma_start3A_612, %add3A_611, %dma_start3A_616] : memref<4x2048x2048xf32, #tpu.memory_space<hbm>> -> memref<1x16x2048xf32, #tpu.memory_space<hbm>>
    %dma_start3A_618 = tpu.memref_squeeze %dma_start3A_617 : memref<1x16x2048xf32, #tpu.memory_space<hbm>> -> memref<16x2048xf32, #tpu.memory_space<hbm>>
    tpu.enqueue_dma source(%arg10 : memref<16x2048xf32, #tpu.memory_space<vmem>>) target(%dma_start3A_618 : memref<16x2048xf32, #tpu.memory_space<hbm>>) target_semaphore(%arg16 : memref<!tpu.dma_semaphore, #tpu.memory_space<semaphore_mem>>)
    %dma_wait3A_619 = arith.constant 3 : i32
    %dma_wait3A_620 = arith.constant 48 : i32
    %dma_wait3A_621 = tpu.memref_slice %arg6[%dma_wait3A_619, %dma_wait3A_620] : memref<4x64xi32, #tpu.memory_space<vmem>> -> memref<1x16xi32, #tpu.memory_space<vmem>>
    %dma_wait3A_622 = tpu.memref_squeeze %dma_wait3A_621 : memref<1x16xi32, #tpu.memory_space<vmem>> -> memref<16xi32, #tpu.memory_space<vmem>>
    %dma_wait3A_623 = arith.constant 0 : i32
    %dma_wait3A_624 = arith.constant 0 : i32
    %dma_wait3A_625 = tpu.memref_slice %arg3[%dma_wait3A_623, %dma_wait3A_624] : memref<100000x2048xf32, #tpu.memory_space<hbm>> -> memref<100000x2048xf32, #tpu.memory_space<hbm>>
    tpu.wait_indirect_dma semaphore(%arg11 : memref<!tpu.dma_semaphore, #tpu.memory_space<semaphore_mem>>) src(%dma_wait3A_625 : memref<100000x2048xf32, #tpu.memory_space<hbm>>) dst(%arg8 : memref<16x2048xf32, #tpu.memory_space<vmem>>)
    %parallel_loop3A_626 = arith.constant 0 : i32
    %parallel_loop3A_627 = arith.constant 1024 : i32
    %parallel_loop3A_628 = arith.constant 1 : i32
    scf.for %parallel_loop3A_659 = %parallel_loop3A_626 to %parallel_loop3A_627 step %parallel_loop3A_628  : i32 {
      %parallel_loop3A_660 = arith.constant 6 : i32
      %parallel_loop3A_661 = arith.shrsi %parallel_loop3A_659, %parallel_loop3A_660 : i32
      %parallel_loop3A_662 = arith.constant 63 : i32
      %parallel_loop3A_663 = arith.andi %parallel_loop3A_659, %parallel_loop3A_662 : i32
      %parallel_loop3A_664 = arith.constant 16 : i32
      %parallel_loop3A_665 = arith.muli %parallel_loop3A_659, %parallel_loop3A_664 : i32
      %parallel_loop3A_666 = tpu.assume_multiple %parallel_loop3A_665, 8 : i32
      %parallel_loop3A_667 = arith.index_cast %parallel_loop3A_666 : i32 to index
      %parallel_loop3A_668 = tpu.vector_load %arg7[%parallel_loop3A_667] {strides = array<i32>} : memref<16384xf32, #tpu.memory_space<vmem>>, vector<16xf32>,
      %parallel_loop3A_669 = vector.shape_cast %parallel_loop3A_668 : vector<16xf32> to vector<16xf32>
      %parallel_loop3A_670 = tpu.bitcast %parallel_loop3A_669 : vector<16xf32> -> vector<16xi32>
      %parallel_loop3A_671 = arith.constant 16 : i32
      %parallel_loop3A_672 = vector.broadcast %parallel_loop3A_671 : i32 to vector<16xi32>
      %parallel_loop3A_673 = arith.shli %parallel_loop3A_670, %parallel_loop3A_672 : vector<16xi32>
      %parallel_loop3A_674 = tpu.bitcast %parallel_loop3A_673 : vector<16xi32> -> vector<16xf32>
      %parallel_loop3A_675 = arith.constant -65536 : i32
      %parallel_loop3A_676 = vector.broadcast %parallel_loop3A_675 : i32 to vector<16xi32>
      %parallel_loop3A_677 = arith.andi %parallel_loop3A_670, %parallel_loop3A_676 : vector<16xi32>
      %parallel_loop3A_678 = tpu.bitcast %parallel_loop3A_677 : vector<16xi32> -> vector<16xf32>
      %parallel_loop3A_679 = arith.constant 32 : i32
      %parallel_loop3A_680 = arith.muli %parallel_loop3A_663, %parallel_loop3A_679 : i32
      %parallel_loop3A_681 = arith.index_cast %parallel_loop3A_661 : i32 to index
      %parallel_loop3A_682 = arith.index_cast %parallel_loop3A_680 : i32 to index
      %parallel_loop3A_683 = tpu.vector_load %arg8[%parallel_loop3A_681, %parallel_loop3A_682] {strides = array<i32>} : memref<16x2048xf32, #tpu.memory_space<vmem>>, vector<1x16xf32>,
      %parallel_loop3A_684 = vector.shape_cast %parallel_loop3A_683 : vector<1x16xf32> to vector<16xf32>
      %parallel_loop3A_685 = vector.shape_cast %parallel_loop3A_674 : vector<16xf32> to vector<1x16xf32>
      tpu.vector_store %arg8[%parallel_loop3A_681, %parallel_loop3A_682], %parallel_loop3A_685 {add = true, strides = array<i32>} : memref<16x2048xf32, #tpu.memory_space<vmem>>, vector<1x16xf32>,
      %parallel_loop3A_686 = arith.constant 32 : i32
      %parallel_loop3A_687 = arith.muli %parallel_loop3A_663, %parallel_loop3A_686 : i32
      %parallel_loop3A_688 = arith.constant 16 : i32
      %parallel_loop3A_689 = arith.addi %parallel_loop3A_687, %parallel_loop3A_688 : i32
      %parallel_loop3A_690 = arith.index_cast %parallel_loop3A_661 : i32 to index
      %parallel_loop3A_691 = arith.index_cast %parallel_loop3A_689 : i32 to index
      %parallel_loop3A_692 = tpu.vector_load %arg8[%parallel_loop3A_690, %parallel_loop3A_691] {strides = array<i32>} : memref<16x2048xf32, #tpu.memory_space<vmem>>, vector<1x16xf32>,
      %parallel_loop3A_693 = vector.shape_cast %parallel_loop3A_692 : vector<1x16xf32> to vector<16xf32>
      %parallel_loop3A_694 = vector.shape_cast %parallel_loop3A_678 : vector<16xf32> to vector<1x16xf32>
      tpu.vector_store %arg8[%parallel_loop3A_690, %parallel_loop3A_691], %parallel_loop3A_694 {add = true, strides = array<i32>} : memref<16x2048xf32, #tpu.memory_space<vmem>>, vector<1x16xf32>,
    } {sc.loop_unroll_factor = 4 : i64, sc.parallel_access}
    %add3A_629 = arith.constant 48 : i32
    %add3A_630 = arith.addi %mul3A_2, %add3A_629 : i32
    %dma_start3A_631 = arith.constant 3 : i32
    %dma_start3A_632 = arith.constant 0 : i32
    %dma_start3A_633 = tpu.memref_slice %arg5[%dma_start3A_631, %add3A_630, %dma_start3A_632] : memref<4x2048x2048xf32, #tpu.memory_space<hbm>> -> memref<1x16x2048xf32, #tpu.memory_space<hbm>>
    %dma_start3A_634 = tpu.memref_squeeze %dma_start3A_633 : memref<1x16x2048xf32, #tpu.memory_space<hbm>> -> memref<16x2048xf32, #tpu.memory_space<hbm>>
    %dma_start3A_635 = arith.constant 0 : i32
    %dma_start3A_636 = tpu.memref_slice %arg5[%dma_start3A_631, %add3A_630, %dma_start3A_635] : memref<4x2048x2048xf32, #tpu.memory_space<hbm>> -> memref<1x16x2048xf32, #tpu.memory_space<hbm>>
    %dma_start3A_637 = tpu.memref_squeeze %dma_start3A_636 : memref<1x16x2048xf32, #tpu.memory_space<hbm>> -> memref<16x2048xf32, #tpu.memory_space<hbm>>
    tpu.enqueue_dma source(%arg8 : memref<16x2048xf32, #tpu.memory_space<vmem>>) target(%dma_start3A_637 : memref<16x2048xf32, #tpu.memory_space<hbm>>) target_semaphore(%arg14 : memref<!tpu.dma_semaphore, #tpu.memory_space<semaphore_mem>>)
    %dma_wait3A_638 = arith.constant 3 : i32
    %dma_wait3A_639 = arith.constant 0 : i32
    %dma_wait3A_640 = tpu.memref_slice %arg5[%dma_wait3A_638, %add3A_630, %dma_wait3A_639] : memref<4x2048x2048xf32, #tpu.memory_space<hbm>> -> memref<1x16x2048xf32, #tpu.memory_space<hbm>>
    %dma_wait3A_641 = tpu.memref_squeeze %dma_wait3A_640 : memref<1x16x2048xf32, #tpu.memory_space<hbm>> -> memref<16x2048xf32, #tpu.memory_space<hbm>>
    %dma_wait3A_642 = arith.constant 0 : i32
    %dma_wait3A_643 = tpu.memref_slice %arg5[%dma_wait3A_638, %add3A_630, %dma_wait3A_642] : memref<4x2048x2048xf32, #tpu.memory_space<hbm>> -> memref<1x16x2048xf32, #tpu.memory_space<hbm>>
    %dma_wait3A_644 = tpu.memref_squeeze %dma_wait3A_643 : memref<1x16x2048xf32, #tpu.memory_space<hbm>> -> memref<16x2048xf32, #tpu.memory_space<hbm>>
    tpu.wait_dma2 semaphore(%arg14 : memref<!tpu.dma_semaphore, #tpu.memory_space<semaphore_mem>>) src(%arg8 : memref<16x2048xf32, #tpu.memory_space<vmem>>) dst(%dma_wait3A_644 : memref<16x2048xf32, #tpu.memory_space<hbm>>)
    %dma_wait3A_645 = arith.constant 1 : i32
    %dma_wait3A_646 = arith.constant 0 : i32
    %dma_wait3A_647 = tpu.memref_slice %arg5[%dma_wait3A_645, %add3A_592, %dma_wait3A_646] : memref<4x2048x2048xf32, #tpu.memory_space<hbm>> -> memref<1x16x2048xf32, #tpu.memory_space<hbm>>
    %dma_wait3A_648 = tpu.memref_squeeze %dma_wait3A_647 : memref<1x16x2048xf32, #tpu.memory_space<hbm>> -> memref<16x2048xf32, #tpu.memory_space<hbm>>
    %dma_wait3A_649 = arith.constant 0 : i32
    %dma_wait3A_650 = tpu.memref_slice %arg5[%dma_wait3A_645, %add3A_592, %dma_wait3A_649] : memref<4x2048x2048xf32, #tpu.memory_space<hbm>> -> memref<1x16x2048xf32, #tpu.memory_space<hbm>>
    %dma_wait3A_651 = tpu.memref_squeeze %dma_wait3A_650 : memref<1x16x2048xf32, #tpu.memory_space<hbm>> -> memref<16x2048xf32, #tpu.memory_space<hbm>>
    tpu.wait_dma2 semaphore(%arg15 : memref<!tpu.dma_semaphore, #tpu.memory_space<semaphore_mem>>) src(%arg9 : memref<16x2048xf32, #tpu.memory_space<vmem>>) dst(%dma_wait3A_651 : memref<16x2048xf32, #tpu.memory_space<hbm>>)
    %dma_wait3A_652 = arith.constant 2 : i32
    %dma_wait3A_653 = arith.constant 0 : i32
    %dma_wait3A_654 = tpu.memref_slice %arg5[%dma_wait3A_652, %add3A_611, %dma_wait3A_653] : memref<4x2048x2048xf32, #tpu.memory_space<hbm>> -> memref<1x16x2048xf32, #tpu.memory_space<hbm>>
    %dma_wait3A_655 = tpu.memref_squeeze %dma_wait3A_654 : memref<1x16x2048xf32, #tpu.memory_space<hbm>> -> memref<16x2048xf32, #tpu.memory_space<hbm>>
    %dma_wait3A_656 = arith.constant 0 : i32
    %dma_wait3A_657 = tpu.memref_slice %arg5[%dma_wait3A_652, %add3A_611, %dma_wait3A_656] : memref<4x2048x2048xf32, #tpu.memory_space<hbm>> -> memref<1x16x2048xf32, #tpu.memory_space<hbm>>
    %dma_wait3A_658 = tpu.memref_squeeze %dma_wait3A_657 : memref<1x16x2048xf32, #tpu.memory_space<hbm>> -> memref<16x2048xf32, #tpu.memory_space<hbm>>
    tpu.wait_dma2 semaphore(%arg16 : memref<!tpu.dma_semaphore, #tpu.memory_space<semaphore_mem>>) src(%arg10 : memref<16x2048xf32, #tpu.memory_space<vmem>>) dst(%dma_wait3A_658 : memref<16x2048xf32, #tpu.memory_space<hbm>>)
    return
  }
}

</mosaic_0001>

<sc_bundles>
// kernel: kernel.3.cloned.1.call-start
scs
__scs_entry_jumppad:
0x0: {  	(pc) =	sbr.rel $0x88, $3  }
0x1: {  	(tag) =	ssettag $0x0;
	lr =	simm.s32 $0x1  }
0x2: {  	[smem:$0x3F9F] =	sst lr;
	_ =	strace $0xD0000000  }
0x3: {  	_ = 	snop  }
0x4: {  	_ = 	snop  }
0x5: {  	_ = 	snop  }
0x6: {  	_ = 	snop  }
0x7: {  	_ = 	snop  }
__scs_overlays_trampoline_lowered:
0x8: {  	[smem:$0x3FAE] =	sst s0  }
0x9: {  	[smem:$0x3FAF] =	sst s1  }
0xa: {  	[smem:$0x3FB0] =	sst s2  }
0xb: {  	[smem:$0x3FB1] =	sst s3  }
0xc: {  	[smem:$0x3FB2] =	sst s4  }
0xd: {  	[smem:$0x3FB3] =	sst s5  }
0xe: {  	[smem:$0x3FB4] =	sst s6  }
0xf: {  	[smem:$0x3FB5] =	sst s7  }
0x10: {  	[smem:$0x3FB6] =	sst s8  }
0x11: {  	[smem:$0x3FB7] =	sst s9;
	s0 =	simm.s32 @!p0 $0x0  }
0x12: {  	s1 =	sld [smem:$0x3F9D];
	s0 =	simm.s32 @p0 $0x1  }
0x13: {  	[smem:$0x3FB8] =	sst s0;
	s0 =	simm.s32 @!p1 $0x0  }
0x14: {  	s2 =	sld [smem:$0x3F9C];
	s0 =	simm.s32 @p1 $0x1  }
0x15: {  	[smem:$0x3FB9] =	sst s0;
	s0 =	simm.s32 @!p2 $0x0  }
0x16: {  	s3 =	sld [smem:$0x3FDB];
	s0 =	simm.s32 @p2 $0x1  }
0x17: {  	s4 =	simm.s32 $0x1BF5;
	[smem:$0x3FBB] =	sst s0  }
0x18: {  	s0 =	sld [smem:$0x3F9E];
	_ =	swait.ge [sflag:s4], $0x0  }
0x19: {  	s7 =	sld [smem:$0x3F9F]  }
0x1a: {  	s8 =	sadd.s32 $0xFFFFE003, lr  }
0x1b: {  	s9 =	sadd.s32 $0xFFFFFEF7, lr;
	s5 =	simm.s32 $0xFFFFFFFF;
	p2 =	slt.u32 s8, $0xFFFFF086  }
0x1c: {  	p1 =	slt.u32 s9, $0xF7A;
	s5 =	simm.s32 @!p2 $0x0  }
0x1d: {  	s5 =	simm.s32 @p1 $0x1;
	p0 =	seq.s32 s7, s2  }
0x1e: {  	s7 =	smul.u32 @!p0 $0xF7A, s2;
	p2 =	seq.s32 @!p0 s5, $0x0  }
0x1f: {  	s9 =	smul.u32 $0xF7A, s1;
	s8 =	simm.s32 @!p0 $0x1BF5;
	p2 =	por !p2, p0  }
0x20: {  	[sflag:s8] =	ssyncset.s32 @!p0 $0xFFFFF086;
	s6 =	sadd.s32 @!p0 s3, s7;
	s7 =	simm.s32 @!p0 $0x108  }
0x21: {  	s3 =	sadd.s32 s3, s9;
	s6 =	sadd.s32 @!p0 $0x88, s6;
	s7 =	simm.s32 @p2 $0x1082  }
0x22: {  	[simem:s7], [sflag:s8] =	dma.local @!p0 [hbm:s6], $0xF7A  }
0x23: {  	s9 =	sor.u32 $0xD0000000, s2;
	s6 =	simm.s32 $0x108;
	_ =	swait.ge @!p0 [sflag:s8], $0x0  }
0x24: {  	s3 =	sadd.s32 $0x88, s3;
	s6 =	simm.s32 @!p1 $0x1082;
	[sflag:s4] =	ssyncset.s32 $0xFFFFF086  }
0x25: {  	[simem:s6], [sflag:s4] =	dma.local [hbm:s3], $0xF7A  }
0x26: {  	[smem:$0x3F9F] =	sst s1;
	(tag) =	ssettag s2;
	_ =	strace s9  }
0x27: {  	s1 =	sld [smem:$0x3FAF]  }
0x28: {  	s2 =	sld [smem:$0x3FB0]  }
0x29: {  	s4 =	sld [smem:$0x3FB2]  }
0x2a: {  	p0 =	seq.s32 s5, $0x0;
	s5 =	sld [smem:$0x3FB3]  }
0x2b: {  	s6 =	sld [smem:$0x3FB4]  }
0x2c: {  	s7 =	sld [smem:$0x3FB5]  }
0x2d: {  	s3 =	simm.s32 $0x108;
	s8 =	sld [smem:$0x3FB6]  }
0x2e: {  	s3 =	simm.s32 @!p0 $0x1082;
	s9 =	sld [smem:$0x3FB7]  }
0x2f: {  	lr =	sadd.s32 s0, s3;
	s0 =	sld [smem:$0x3FAE]  }
0x30: {  	s3 =	sld [smem:$0x3FB1]  }
0x31: {  	[smem:$0x3FBA] =	sst s10  }
0x32: {  	s10 =	sld [smem:$0x3FB8];
	_ =	sdelay $0x3  }
0x33: {  	p0 =	seq.s32 s10, $0x1;
	s10 =	sld [smem:$0x3FBA];
	_ =	sdelay $0x3  }
0x34: {  	[smem:$0x3FBA] =	sst s10  }
0x35: {  	s10 =	sld [smem:$0x3FB9];
	_ =	sdelay $0x3  }
0x36: {  	p1 =	seq.s32 s10, $0x1;
	s10 =	sld [smem:$0x3FBA];
	_ =	sdelay $0x3  }
0x37: {  	[smem:$0x3FBA] =	sst s10  }
0x38: {  	s10 =	sld [smem:$0x3FBB]  }
0x39: {  	_ = 	snop;
	(pc) =	sbr.ind lr, $3  }
0x3a: {  	_ = 	snop  }
0x3b: {  	_ = 	snop  }
0x3c: {  	p2 =	seq.s32 s10, $0x1;
	s10 =	sld [smem:$0x3FBA]  }
0x3d: {  	_ =	shalt  }
0x3e: {  	_ =	shalt  }
0x3f: {  	_ =	shalt  }
0x40: {  	_ =	shalt  }
0x41: {  	_ =	shalt  }
0x42: {  	_ =	shalt  }
0x43: {  	_ =	shalt  }
0x44: {  	_ =	shalt  }
0x45: {  	_ =	shalt  }
0x46: {  	_ =	shalt  }
0x47: {  	_ =	shalt  }
0x48: {  	_ =	shalt  }
0x49: {  	_ =	shalt  }
0x4a: {  	_ =	shalt  }
0x4b: {  	_ =	shalt  }
0x4c: {  	_ =	shalt  }
0x4d: {  	_ =	shalt  }
0x4e: {  	_ =	shalt  }
0x4f: {  	_ =	shalt  }
0x50: {  	_ =	shalt  }
0x51: {  	_ =	shalt  }
0x52: {  	_ =	shalt  }
0x53: {  	_ =	shalt  }
0x54: {  	_ =	shalt  }
0x55: {  	_ =	shalt  }
0x56: {  	_ =	shalt  }
0x57: {  	_ =	shalt  }
0x58: {  	_ =	shalt  }
0x59: {  	_ =	shalt  }
0x5a: {  	_ =	shalt  }
0x5b: {  	_ =	shalt  }
0x5c: {  	_ =	shalt  }
0x5d: {  	_ =	shalt  }
0x5e: {  	_ =	shalt  }
0x5f: {  	_ =	shalt  }
0x60: {  	_ =	shalt  }
0x61: {  	_ =	shalt  }
0x62: {  	_ =	shalt  }
0x63: {  	_ =	shalt  }
0x64: {  	_ =	shalt  }
0x65: {  	_ =	shalt  }
0x66: {  	_ =	shalt  }
0x67: {  	_ =	shalt  }
0x68: {  	_ =	shalt  }
0x69: {  	_ =	shalt  }
0x6a: {  	_ =	shalt  }
0x6b: {  	_ =	shalt  }
0x6c: {  	_ =	shalt  }
0x6d: {  	_ =	shalt  }
0x6e: {  	_ =	shalt  }
0x6f: {  	_ =	shalt  }
0x70: {  	_ =	shalt  }
0x71: {  	_ =	shalt  }
0x72: {  	_ =	shalt  }
0x73: {  	_ =	shalt  }
0x74: {  	_ =	shalt  }
0x75: {  	_ =	shalt  }
0x76: {  	_ =	shalt  }
0x77: {  	_ =	shalt  }
0x78: {  	_ =	shalt  }
0x79: {  	_ =	shalt  }
0x7a: {  	_ =	shalt  }
0x7b: {  	_ =	shalt  }
0x7c: {  	_ =	shalt  }
0x7d: {  	_ =	shalt  }
0x7e: {  	_ =	shalt  }
0x7f: {  	_ =	shalt  }
0x80: {  	_ =	shalt  }
0x81: {  	_ =	shalt  }
0x82: {  	_ =	shalt  }
0x83: {  	_ =	shalt  }
0x84: {  	_ =	shalt  }
0x85: {  	_ =	shalt  }
0x86: {  	_ =	shalt  }
0x87: {  	_ =	shalt  }
.Lfunc_end0:
.L_simem_size_0:
called_computation_lowered:
.L_overlay_start_0:
0x88: {  	s2 =	sld [smem:$0x3FD9]  }
0x89: {  	s3 =	sld [smem:$0x3FFE];
	_ =	sdelay $0x1  }
0x8a: {  	s1 =	srdreg.scid  }
0x8b: {  	s0 =	sand.u32 $0x1, s1  }
0x8c: {  	s17 =	sshll.u32 s0, $0xA;
	s2 =	sadd.s32 s3, s2  }
0x8d: {  	s2 =	sadd.s32 s2, s17  }
0x8e: {  	[smem:$0x3FC6] =	sst s2  }
0x8f: {  	_ = 	snop  }
0x90: {  	s2 =	sld [smem:$0x3FC9]  }
0x91: {  	s18 =	sld [smem:$0x3FC8]  }
0x92: {  	s4 =	sld [smem:$0x3FD0];
	(tm) =	ssettm $0x1  }
0x93: {  	s5 =	sld [smem:$0x3FFB];
	_ =	sdelay $0x3  }
0x94: {  	_ =	strace s5  }
0x95: {  	s5 =	sld [smem:$0x3FFC];
	_ =	sdelay $0x3  }
0x96: {  	_ =	strace s5  }
0x97: {  	s5 =	sld [smem:$0x3FFD];
	_ =	sdelay $0x3  }
0x98: {  	_ =	strace s5  }
0x99: {  	_ =	strace $0x8FFFFFFF  }
0x9a: {  	s19 =	sld [smem:$0x3FDB];
	_ =	sdelay $0x1  }
0x9b: {  	s6 =	simm.s32 $_scs_section_size  }
0x9c: {  	s7 =	simm.s32 $_size__tile_overlayer_lowered;
	s8 =	simm.s32 $_tile_overlayer_lowered  }
0x9d: {  	s22 =	simm.s32 $0x1BFF;
	s21 =	sshll.u32 s8, $0x1;
	s5 =	sadd.s32 s6, s19  }
0x9e: {  	s9 =	simm.s32 $0x0;
	s20 =	sshll.u32 s7, $0x1;
	s7 =	sadd.s32 s21, s5  }
0x9f: {  	[timem:s9], [sflag:s22] =	dma.local [hbm:s7], s20  }
0xa0: {  	_ =	swait.ge [sflag:s22], s20  }
0xa1: {  	s6 =	ssub.s32 $0x0, s20;
	[sflag:s22] =	ssyncset.done $0x0  }
0xa2: {  	[sflag:s22] =	ssyncadd.s32 s6;
	_ =	sdelay $0x1  }
0xa3: {  	s23 =	simm.s32 $0x1B8B  }
0xa4: {  	_ =	swait.ge [sflag:s23], $0x1  }
0xa5: {  	[sflag:s23] =	ssyncset.done $0x0  }
0xa6: {  	s25 =	simm.s32 $0x1B8E;
	s24 =	sld [smem:$0x3FFE];
	[sflag:s23] =	ssyncadd.s32 $0xFFFFFFFF  }
0xa7: {  	s26 =	simm.s32 $execute0_lowered;
	[smem:$0x3FD2] =	sst s25  }
0xa8: {  	s7 =	sshll.u32 s26, $0x1;
	_ =	strace $0x80000046;
	[dreg:$0x1] =	wrdreg $0xFFFFFFFF  }
0xa9: {  	s28 =	simm.s32 $_size_execute0_lowered;
	s5 =	sadd.s32 s5, s7;
	[dreg:$0x0] =	wrdreg $0x0  }
0xaa: {  	s7 =	sshll.u32 s28, $0x1;
	[dreg:$0x2] =	wrdreg s5  }
0xab: {  	[dreg:$0x3] =	wrdreg s7  }
0xac: {  	[dreg:$0x4] =	wrdreg $0xC0  }
0xad: {  	_ =	task [dreg:s9], $0x5FFFF  }
0xae: {  	[dreg:$0x1] =	wrdreg $0xFFFFFFFF  }
0xaf: {  	[dreg:$0x0] =	wrdreg $0x60  }
0xb0: {  	[dreg:$0x2] =	wrdreg s2  }
0xb1: {  	[dreg:$0x3] =	wrdreg s18  }
0xb2: {  	[dreg:$0x4] =	wrdreg s24  }
0xb3: {  	[dreg:$0x5] =	wrdreg s4  }
0xb4: {  	[dreg:$0x6] =	wrdreg $0x9  }
0xb5: {  	_ =	task.clear_ibuf [dreg:s9], $0x7FFFF;
	_ =	strace $0x90000046  }
0xb6: {  	s29 =	simm.s32 $0x9;
	_ =	strace $0x80000048  }
0xb7: {  	_ =	swait.ge [sflag:s29], $0x1  }
0xb8: {  	[sflag:s29] =	ssyncadd.s32 $0xFFFFFFFF  }
0xb9: {  	_ =	strace $0x90000048  }
0xba: {  	_ =	sfence  }
0xbb: {  	s30 =	sld [smem:$0x0];
	_ =	sdelay $0x2  }
0xbc: {  	s31 =	sshll.u32 s1, $0xD;
	s1 =	sshrl.u32 s1, $0x2  }
0xbd: {  	s3 =	sand.u32 $0x4000, s31;
	s1 =	sadd.s32 s1, s30  }
0xbe: {  	s0 =	sor.u32 s3, s0;
	s1 =	sshll.u32 s1, $0x11  }
0xbf: {  	s0 =	sor.u32 s1, s0  }
0xc0: {  	s0 =	sadd.s32 $0x8F2B, s0  }
0xc1: {  	[sflag:s0] =	ssyncadd.remote.s32 $0x1  }
0xc2: {  	_ =	sfence.sel $0xFFFF  }
0xc3: {  	[dreg:$0x0] =	wrdreg $0xFFFFFFFF;
	(pc) =	sbr.abs _section_cstart, $3  }
0xc4: {  	[dreg:$0x1] =	wrdreg $0xFFFFFFFF  }
0xc5: {  	_ =	task.clear_ibuf [dreg:s9], $0x2FFFF;
	_ =	strace $0x9FFFFFFF  }
0xc6: {  	(tm) =	ssettm $0x7FFFFFFF  }
0xc7: {  	_ =	shalt  }
tec
execute0_lowered:
.L_overlay_start_1:
0x0: {  	(tag) =	ssettag $0x1  }
0x1: {  	s0 =	rddreg [dreg:$0x0]  }
0x2: {  	s2 =	rddreg [dreg:$0x2]  }
0x3: {  	s3 =	rddreg [dreg:$0x3]  }
0x4: {  	s4 =	srdreg.scid;
	s5 =	stileid.u32;
	s1 =	simm.s32 $0x0  }
0x5: {  	s28 =	simm.s32 $0x14200;
	s29 =	simm.s32 $0x1;
	s4 =	sand.u32 $0x1, s4  }
0x6: {  	s5 =	sshll.u32 s5, $0x1;
	[smem:$0x7FF] =	sst s1;
	s2 =	sadd.s32 $0x400, s2  }
0x7: {  	s22 =	sadd.s32 $0x100000, s3;
	s25 =	sadd.s32 $0x180000, s3;
	s5 =	sor.u32 s4, s5  }
0x8: {  	s4 =	ssub.s32 $0x2, s4;
	s6 =	sshll.u32 s5, $0x6;
	s7 =	sshll.u32 s5, $0x8  }
0x9: {  	s8 =	sshrl.u32 s4, $0x1;
	s18 =	sshll.u32 s5, $0xD;
	s5 =	sshll.u32 s5, $0xE  }
0xa: {  	s9 =	sand.u32 $0x40, s6;
	s10 =	sand.u32 $0x1E00, s7;
	s4 =	ssub.s32 s4, s8  }
0xb: {  	s20 =	sadd.s32 s3, s5;
	s23 =	sor.u32 $0x10, s6;
	s24 =	sadd.s32 s5, s22  }
0xc: {  	s15 =	sor.u32 $0x20, s6;
	s6 =	sor.u32 $0x30, s6;
	s17 =	sor.u32 s9, s10  }
0xd: {  	s7 =	sor.u32 s7, s9;
	s9 =	sadd.s32 s2, s18;
	[dreg:$0x9] =	wrdreg s20  }
0xe: {  	[dreg:$0xb] =	wrdreg s24;
	s26 =	sshll.u32 s23, $0x7;
	s12 =	sshll.u32 s23, $0x8  }
0xf: {  	s20 =	sshll.u32 s6, $0x8;
	s23 =	rddreg [dreg:$0x1];
	s8 =	sshrl.u32 s17, $0x3  }
0x10: {  	s7 =	sshrl.u32 s7, $0x3;
	[dreg:$0x5] =	wrdreg s9;
	s10 =	sadd.s32 s2, s26  }
0x11: {  	s14 =	sadd.s32 s12, s22;
	s24 =	sadd.s32 s20, s25;
	[dreg:$0xd] =	wrdreg s10  }
0x12: {  	s11 =	sadd.s32 s0, s8;
	s19 =	sor.u32 $0x20, s7;
	[dreg:$0x10] =	wrdreg s14  }
0x13: {  	s7 =	sor.u32 $0x30, s7;
	[dreg:$0x1b] =	wrdreg s24;
	s8 =	sadd.s32 s0, s19  }
0x14: {  	s16 =	sshll.u32 s15, $0x7;
	s0 =	sadd.s32 s0, s7;
	[dreg:$0x7] =	wrdreg s8  }
0x15: {  	[dreg:$0x8] =	wrdreg s0;
	s0 =	sadd.s32 $0x80000, s3;
	s8 =	sadd.s32 s3, s12  }
0x16: {  	s17 =	sshll.u32 s6, $0x7;
	s21 =	sadd.s32 s5, s0;
	[dreg:$0xe] =	wrdreg s8  }
0x17: {  	s30 =	sadd.s32 $0x100, s23;
	s5 =	sadd.s32 s5, s25;
	[dreg:$0xa] =	wrdreg s21  }
0x18: {  	s31 =	sadd.s32 $0x200, s23;
	s13 =	sadd.s32 s12, s0;
	[dreg:$0xc] =	wrdreg s5  }
0x19: {  	s9 =	simm.s32 $0x2;
	s8 =	sadd.s32 s2, s16;
	[dreg:$0xf] =	wrdreg s13  }
0x1a: {  	s14 =	simm.s32 $0x4200;
	s5 =	sadd.s32 s12, s25;
	[dreg:$0x12] =	wrdreg s8  }
0x1b: {  	s2 =	sadd.s32 s2, s17;
	[dreg:$0x11] =	wrdreg s5;
	s5 =	sshll.u32 s15, $0x8  }
0x1c: {  	s10 =	simm.s32 $0x5;
	[dreg:$0x14] =	wrdreg s2;
	s18 =	sadd.s32 s3, s5  }
0x1d: {  	s26 =	sadd.s32 $0x10, s11;
	s19 =	sadd.s32 s5, s0;
	[dreg:$0x13] =	wrdreg s18  }
0x1e: {  	s7 =	simm.s32 $0x0;
	s21 =	sadd.s32 s5, s22;
	[dreg:$0x15] =	wrdreg s19  }
0x1f: {  	s2 =	sadd.s32 $0x500, s23;
	s5 =	sadd.s32 s5, s25;
	[dreg:$0x16] =	wrdreg s21  }
0x20: {  	s8 =	simm.s32 $0xC200;
	s3 =	sadd.s32 s3, s20;
	[dreg:$0x17] =	wrdreg s5  }
0x21: {  	s13 =	simm.s32 $0x15200;
	s0 =	sadd.s32 s20, s0;
	[dreg:$0x18] =	wrdreg s3  }
0x22: {  	s12 =	simm.s32 $0x6;
	s22 =	sadd.s32 s20, s22;
	[dreg:$0x19] =	wrdreg s0  }
0x23: {  	s25 =	smax.u32 s4, $0x1;
	s4 =	sadd.s32 $0x600, s23;
	[dreg:$0x1a] =	wrdreg s22  }
0x24: {  	v2 =	vlaneseq.u32;
	s19 =	sadd.s32 $0x300, s23;
	_ =	strace $0x80000047;
	[dreg:$0x1c] =	wrdreg s25  }
0x25: {  	vm0 =	vmmov $0xffff;
	v1 =	vshrl.u32 v2, $0x3;
	s0 =	sadd.s32 $0x400, s23;
	s5 =	sadd.s32 $0x700, s23;
	[dreg:$0x6] =	wrdreg s11  }
0x26: {  	v0 =	vand.u32 $0x7, v2;
	v2 =	vor.u32 $0x8, v2;
	v1 =	vmul.u32 $0x8, v1;
	s3 =	simm.s32 $0x4;
	[dreg:$0x1d] =	wrdreg s26;
	s11 =	simm.s32 $0x3  }
.LBB2_1:
0x27: {  	[dreg:$0x1e] =	wrdreg s7  }
0x28: {  	s6 =	rddreg [dreg:$0x5];
	s20 =	simm.s32 $0x200  }
0x29: {  	[tilespmem:s20], [sflag:$0x7] =	stream.linear.gather [hbm4b:s6+s1], $0x4000, $0x38;
	[tilespmem:$0x1C200] =	vst v63  }
0x2a: {  	s21 =	rddreg [dreg:$0x6]  }
0x2b: {  	[tilespmem:s1], [sflag:$0x8] =	stream.linear.gather [hbm4b:s21+s1], $0x40, $0x38;
	[tilespmem:$0x1C200] =	vst v63  }
0x2c: {  	s22 =	rddreg [dreg:$0x1d];
	s24 =	simm.s32 $0x80  }
0x2d: {  	[tilespmem:s24], [sflag:$0x8] =	stream.linear.gather [hbm4b:s22+s1], $0x40, $0x38;
	[tilespmem:$0x1C200] =	vst v63  }
0x2e: {  	s25 =	rddreg [dreg:$0x7];
	s26 =	simm.s32 $0x100  }
0x2f: {  	[tilespmem:s26], [sflag:$0x8] =	stream.linear.gather [hbm4b:s25+s1], $0x40, $0x38;
	[tilespmem:$0x1C200] =	vst v63  }
0x30: {  	s15 =	rddreg [dreg:$0x8];
	s16 =	simm.s32 $0x180;
	s17 =	simm.s32 $0x8  }
0x31: {  	[tilespmem:s16], [sflag:$0x8] =	stream.linear.gather [hbm4b:s15+s1], $0x40, $0x38;
	[tilespmem:$0x1C200] =	vst v63  }
0x32: {  	_ =	swait.ge [sflag:s17], $0x40  }
0x33: {  	[sflag:s17] =	ssyncset.done $0x0  }
0x34: {  	[sflag:s17] =	ssyncadd.s32 $0xFFFFFFC0  }
0x35: {  	_ =	swait.ge [sflag:s17], $0x40  }
0x36: {  	[sflag:s17] =	ssyncset.done $0x0  }
0x37: {  	[sflag:s17] =	ssyncadd.s32 $0xFFFFFFC0  }
0x38: {  	_ =	swait.ge [sflag:s17], $0x40  }
0x39: {  	[sflag:s17] =	ssyncset.done $0x0  }
0x3a: {  	[sflag:s17] =	ssyncadd.s32 $0xFFFFFFC0  }
0x3b: {  	_ =	swait.ge [sflag:s17], $0x40  }
0x3c: {  	[sflag:s17] =	ssyncset.done $0x0  }
0x3d: {  	[sflag:s17] =	ssyncadd.s32 $0xFFFFFFC0  }
0x3e: {  	v3 =	vld [tilespmem:$0x0];
	_ =	sdelay $0x4  }
0x3f: {  	v4 =	vshll.u32 v3, $0x4  }
0x40: {  	v3 =	vand.u32 $0x7, v3;
	v4 =	vand.u32 $0xFFFFFF80, v4  }
0x41: {  	v3 =	vor.u32 v3, v4  }
0x42: {  	v4 =	vperm.xlane v3, v0;
	_ =	sdelay $0x1  }
0x43: {  	v4 =	vadd.s32 v1, v4;
	_ =	sdelay $0x4  }
0x44: {  	[tilespmem:s14], [sflag:$0x1] =	stream.indirect_vreg.gather [hbm4b:s23+s1], $0x80, v4, vm0, $0xb8;
	[tilespmem:$0x1C200] =	vst v63  }
0x45: {  	s18 =	simm.s32 $0x4A00  }
0x46: {  	[tilespmem:s18], [sflag:$0x1] =	stream.indirect_vreg.gather [hbm4b:s30+s1], $0x80, v4, vm0, $0xb8;
	[tilespmem:$0x1C200] =	vst v63  }
0x47: {  	s20 =	simm.s32 $0x5200  }
0x48: {  	[tilespmem:s20], [sflag:$0x1] =	stream.indirect_vreg.gather [hbm4b:s31+s1], $0x80, v4, vm0, $0xb8;
	[tilespmem:$0x1C200] =	vst v63  }
0x49: {  	s21 =	simm.s32 $0x5A00  }
0x4a: {  	[tilespmem:s21], [sflag:$0x1] =	stream.indirect_vreg.gather [hbm4b:s19+s1], $0x80, v4, vm0, $0xb8;
	[tilespmem:$0x1C200] =	vst v63  }
0x4b: {  	s22 =	simm.s32 $0x6200  }
0x4c: {  	[tilespmem:s22], [sflag:$0x1] =	stream.indirect_vreg.gather [hbm4b:s0+s1], $0x80, v4, vm0, $0xb8;
	[tilespmem:$0x1C200] =	vst v63  }
0x4d: {  	s24 =	simm.s32 $0x6A00;
	v3 =	vperm.xlane v3, v2  }
0x4e: {  	[tilespmem:s24], [sflag:$0x1] =	stream.indirect_vreg.gather [hbm4b:s2+s1], $0x80, v4, vm0, $0xb8;
	[tilespmem:$0x1C200] =	vst v63  }
0x4f: {  	s25 =	simm.s32 $0x7200;
	v3 =	vadd.s32 v1, v3  }
0x50: {  	[tilespmem:s25], [sflag:$0x1] =	stream.indirect_vreg.gather [hbm4b:s4+s1], $0x80, v4, vm0, $0xb8;
	[tilespmem:$0x1C200] =	vst v63  }
0x51: {  	s26 =	simm.s32 $0x7A00  }
0x52: {  	[tilespmem:s26], [sflag:$0x1] =	stream.indirect_vreg.gather [hbm4b:s5+s1], $0x80, v4, vm0, $0xb8;
	[tilespmem:$0x1C200] =	vst v63  }
0x53: {  	s7 =	simm.s32 $0x8200  }
0x54: {  	[tilespmem:s7], [sflag:$0x1] =	stream.indirect_vreg.gather [hbm4b:s23+s1], $0x80, v3, vm0, $0xb8;
	[tilespmem:$0x1C200] =	vst v63  }
0x55: {  	s14 =	simm.s32 $0x8A00  }
0x56: {  	[tilespmem:s14], [sflag:$0x1] =	stream.indirect_vreg.gather [hbm4b:s30+s1], $0x80, v3, vm0, $0xb8;
	[tilespmem:$0x1C200] =	vst v63  }
0x57: {  	s15 =	simm.s32 $0x9200  }
0x58: {  	[tilespmem:s15], [sflag:$0x1] =	stream.indirect_vreg.gather [hbm4b:s31+s1], $0x80, v3, vm0, $0xb8;
	[tilespmem:$0x1C200] =	vst v63  }
0x59: {  	s16 =	simm.s32 $0x9A00  }
0x5a: {  	[tilespmem:s16], [sflag:$0x1] =	stream.indirect_vreg.gather [hbm4b:s19+s1], $0x80, v3, vm0, $0xb8;
	[tilespmem:$0x1C200] =	vst v63  }
0x5b: {  	s17 =	simm.s32 $0xA200  }
0x5c: {  	[tilespmem:s17], [sflag:$0x1] =	stream.indirect_vreg.gather [hbm4b:s0+s1], $0x80, v3, vm0, $0xb8;
	[tilespmem:$0x1C200] =	vst v63  }
0x5d: {  	s18 =	simm.s32 $0xAA00  }
0x5e: {  	[tilespmem:s18], [sflag:$0x1] =	stream.indirect_vreg.gather [hbm4b:s2+s1], $0x80, v3, vm0, $0xb8;
	[tilespmem:$0x1C200] =	vst v63  }
0x5f: {  	s20 =	simm.s32 $0xB200  }
0x60: {  	[tilespmem:s20], [sflag:$0x1] =	stream.indirect_vreg.gather [hbm4b:s4+s1], $0x80, v3, vm0, $0xb8;
	[tilespmem:$0x1C200] =	vst v63  }
0x61: {  	s21 =	simm.s32 $0xBA00  }
0x62: {  	[tilespmem:s21], [sflag:$0x1] =	stream.indirect_vreg.gather [hbm4b:s5+s1], $0x80, v3, vm0, $0xb8;
	[tilespmem:$0x1C200] =	vst v63  }
0x63: {  	v3 =	vld [tilespmem:$0x80];
	_ =	sdelay $0x4  }
0x64: {  	v4 =	vshll.u32 v3, $0x4  }
0x65: {  	v3 =	vand.u32 $0x7, v3;
	v4 =	vand.u32 $0xFFFFFF80, v4  }
0x66: {  	v3 =	vor.u32 v3, v4  }
0x67: {  	v4 =	vperm.xlane v3, v0;
	_ =	sdelay $0x1  }
0x68: {  	v4 =	vadd.s32 v1, v4;
	_ =	sdelay $0x4  }
0x69: {  	[tilespmem:s8], [sflag:$0x2] =	stream.indirect_vreg.gather [hbm4b:s23+s1], $0x80, v4, vm0, $0xb8;
	[tilespmem:$0x1C200] =	vst v63  }
0x6a: {  	s22 =	simm.s32 $0xCA00  }
0x6b: {  	[tilespmem:s22], [sflag:$0x2] =	stream.indirect_vreg.gather [hbm4b:s30+s1], $0x80, v4, vm0, $0xb8;
	[tilespmem:$0x1C200] =	vst v63  }
0x6c: {  	s24 =	simm.s32 $0xD200  }
0x6d: {  	[tilespmem:s24], [sflag:$0x2] =	stream.indirect_vreg.gather [hbm4b:s31+s1], $0x80, v4, vm0, $0xb8;
	[tilespmem:$0x1C200] =	vst v63  }
0x6e: {  	s25 =	simm.s32 $0xDA00  }
0x6f: {  	[tilespmem:s25], [sflag:$0x2] =	stream.indirect_vreg.gather [hbm4b:s19+s1], $0x80, v4, vm0, $0xb8;
	[tilespmem:$0x1C200] =	vst v63  }
0x70: {  	s26 =	simm.s32 $0xE200  }
0x71: {  	[tilespmem:s26], [sflag:$0x2] =	stream.indirect_vreg.gather [hbm4b:s0+s1], $0x80, v4, vm0, $0xb8;
	[tilespmem:$0x1C200] =	vst v63  }
0x72: {  	s7 =	simm.s32 $0xEA00;
	v3 =	vperm.xlane v3, v2  }
0x73: {  	[tilespmem:s7], [sflag:$0x2] =	stream.indirect_vreg.gather [hbm4b:s2+s1], $0x80, v4, vm0, $0xb8;
	[tilespmem:$0x1C200] =	vst v63  }
0x74: {  	v3 =	vadd.s32 v1, v3;
	s8 =	simm.s32 $0xF200  }
0x75: {  	[tilespmem:s8], [sflag:$0x2] =	stream.indirect_vreg.gather [hbm4b:s4+s1], $0x80, v4, vm0, $0xb8;
	[tilespmem:$0x1C200] =	vst v63  }
0x76: {  	s14 =	simm.s32 $0xFA00  }
0x77: {  	[tilespmem:s14], [sflag:$0x2] =	stream.indirect_vreg.gather [hbm4b:s5+s1], $0x80, v4, vm0, $0xb8;
	[tilespmem:$0x1C200] =	vst v63  }
0x78: {  	s15 =	simm.s32 $0x10200  }
0x79: {  	[tilespmem:s15], [sflag:$0x2] =	stream.indirect_vreg.gather [hbm4b:s23+s1], $0x80, v3, vm0, $0xb8;
	[tilespmem:$0x1C200] =	vst v63  }
0x7a: {  	s16 =	simm.s32 $0x10A00  }
0x7b: {  	[tilespmem:s16], [sflag:$0x2] =	stream.indirect_vreg.gather [hbm4b:s30+s1], $0x80, v3, vm0, $0xb8;
	[tilespmem:$0x1C200] =	vst v63  }
0x7c: {  	s17 =	simm.s32 $0x11200  }
0x7d: {  	[tilespmem:s17], [sflag:$0x2] =	stream.indirect_vreg.gather [hbm4b:s31+s1], $0x80, v3, vm0, $0xb8;
	[tilespmem:$0x1C200] =	vst v63  }
0x7e: {  	s18 =	simm.s32 $0x11A00  }
0x7f: {  	[tilespmem:s18], [sflag:$0x2] =	stream.indirect_vreg.gather [hbm4b:s19+s1], $0x80, v3, vm0, $0xb8;
	[tilespmem:$0x1C200] =	vst v63  }
0x80: {  	s20 =	simm.s32 $0x12200  }
0x81: {  	[tilespmem:s20], [sflag:$0x2] =	stream.indirect_vreg.gather [hbm4b:s0+s1], $0x80, v3, vm0, $0xb8;
	[tilespmem:$0x1C200] =	vst v63  }
0x82: {  	s21 =	simm.s32 $0x12A00  }
0x83: {  	[tilespmem:s21], [sflag:$0x2] =	stream.indirect_vreg.gather [hbm4b:s2+s1], $0x80, v3, vm0, $0xb8;
	[tilespmem:$0x1C200] =	vst v63  }
0x84: {  	s22 =	simm.s32 $0x13200  }
0x85: {  	[tilespmem:s22], [sflag:$0x2] =	stream.indirect_vreg.gather [hbm4b:s4+s1], $0x80, v3, vm0, $0xb8;
	[tilespmem:$0x1C200] =	vst v63  }
0x86: {  	s24 =	simm.s32 $0x13A00  }
0x87: {  	[tilespmem:s24], [sflag:$0x2] =	stream.indirect_vreg.gather [hbm4b:s5+s1], $0x80, v3, vm0, $0xb8;
	[tilespmem:$0x1C200] =	vst v63  }
0x88: {  	v3 =	vld [tilespmem:$0x100];
	_ =	sdelay $0x4  }
0x89: {  	v4 =	vshll.u32 v3, $0x4  }
0x8a: {  	v3 =	vand.u32 $0x7, v3;
	v4 =	vand.u32 $0xFFFFFF80, v4  }
0x8b: {  	v3 =	vor.u32 v3, v4  }
0x8c: {  	v4 =	vperm.xlane v3, v0;
	_ =	sdelay $0x1  }
0x8d: {  	v4 =	vadd.s32 v1, v4;
	_ =	sdelay $0x4  }
0x8e: {  	[tilespmem:s28], [sflag:$0x3] =	stream.indirect_vreg.gather [hbm4b:s23+s1], $0x80, v4, vm0, $0xb8;
	[tilespmem:$0x1C200] =	vst v63  }
0x8f: {  	s28 =	simm.s32 $0x14A00  }
0x90: {  	[tilespmem:s28], [sflag:$0x3] =	stream.indirect_vreg.gather [hbm4b:s30+s1], $0x80, v4, vm0, $0xb8;
	[tilespmem:$0x1C200] =	vst v63  }
0x91: {  	_ = 	snop  }
0x92: {  	[tilespmem:s13], [sflag:$0x3] =	stream.indirect_vreg.gather [hbm4b:s31+s1], $0x80, v4, vm0, $0xb8;
	[tilespmem:$0x1C200] =	vst v63  }
0x93: {  	s25 =	simm.s32 $0x15A00  }
0x94: {  	[tilespmem:s25], [sflag:$0x3] =	stream.indirect_vreg.gather [hbm4b:s19+s1], $0x80, v4, vm0, $0xb8;
	[tilespmem:$0x1C200] =	vst v63  }
0x95: {  	s26 =	simm.s32 $0x16200  }
0x96: {  	[tilespmem:s26], [sflag:$0x3] =	stream.indirect_vreg.gather [hbm4b:s0+s1], $0x80, v4, vm0, $0xb8;
	[tilespmem:$0x1C200] =	vst v63  }
0x97: {  	s7 =	simm.s32 $0x16A00;
	v3 =	vperm.xlane v3, v2  }
0x98: {  	[tilespmem:s7], [sflag:$0x3] =	stream.indirect_vreg.gather [hbm4b:s2+s1], $0x80, v4, vm0, $0xb8;
	[tilespmem:$0x1C200] =	vst v63  }
0x99: {  	s8 =	simm.s32 $0x17200;
	v3 =	vadd.s32 v1, v3  }
0x9a: {  	[tilespmem:s8], [sflag:$0x3] =	stream.indirect_vreg.gather [hbm4b:s4+s1], $0x80, v4, vm0, $0xb8;
	[tilespmem:$0x1C200] =	vst v63  }
0x9b: {  	s14 =	simm.s32 $0x17A00  }
0x9c: {  	[tilespmem:s14], [sflag:$0x3] =	stream.indirect_vreg.gather [hbm4b:s5+s1], $0x80, v4, vm0, $0xb8;
	[tilespmem:$0x1C200] =	vst v63  }
0x9d: {  	s15 =	simm.s32 $0x18200  }
0x9e: {  	[tilespmem:s15], [sflag:$0x3] =	stream.indirect_vreg.gather [hbm4b:s23+s1], $0x80, v3, vm0, $0xb8;
	[tilespmem:$0x1C200] =	vst v63  }
0x9f: {  	s16 =	simm.s32 $0x18A00  }
0xa0: {  	[tilespmem:s16], [sflag:$0x3] =	stream.indirect_vreg.gather [hbm4b:s30+s1], $0x80, v3, vm0, $0xb8;
	[tilespmem:$0x1C200] =	vst v63  }
0xa1: {  	s17 =	simm.s32 $0x19200  }
0xa2: {  	[tilespmem:s17], [sflag:$0x3] =	stream.indirect_vreg.gather [hbm4b:s31+s1], $0x80, v3, vm0, $0xb8;
	[tilespmem:$0x1C200] =	vst v63  }
0xa3: {  	s18 =	simm.s32 $0x19A00  }
0xa4: {  	[tilespmem:s18], [sflag:$0x3] =	stream.indirect_vreg.gather [hbm4b:s19+s1], $0x80, v3, vm0, $0xb8;
	[tilespmem:$0x1C200] =	vst v63  }
0xa5: {  	s20 =	simm.s32 $0x1A200  }
0xa6: {  	[tilespmem:s20], [sflag:$0x3] =	stream.indirect_vreg.gather [hbm4b:s0+s1], $0x80, v3, vm0, $0xb8;
	[tilespmem:$0x1C200] =	vst v63  }
0xa7: {  	s21 =	simm.s32 $0x1AA00  }
0xa8: {  	[tilespmem:s21], [sflag:$0x3] =	stream.indirect_vreg.gather [hbm4b:s2+s1], $0x80, v3, vm0, $0xb8;
	[tilespmem:$0x1C200] =	vst v63  }
0xa9: {  	s22 =	simm.s32 $0x1B200  }
0xaa: {  	[tilespmem:s22], [sflag:$0x3] =	stream.indirect_vreg.gather [hbm4b:s4+s1], $0x80, v3, vm0, $0xb8;
	[tilespmem:$0x1C200] =	vst v63  }
0xab: {  	s24 =	simm.s32 $0x1BA00;
	s25 =	simm.s32 $0x7  }
0xac: {  	[tilespmem:s24], [sflag:$0x3] =	stream.indirect_vreg.gather [hbm4b:s5+s1], $0x80, v3, vm0, $0xb8;
	[tilespmem:$0x1C200] =	vst v63  }
0xad: {  	_ =	swait.ge [sflag:s25], $0x4000  }
0xae: {  	[sflag:s25] =	ssyncset.done $0x0  }
0xaf: {  	[sflag:s25] =	ssyncadd.s32 $0xFFFFC000  }
0xb0: {  	s26 =	simm.s32 $0x0;
	_ =	swait.ge [sflag:s29], $0x8000  }
0xb1: {  	s14 =	sand.u32 $0x4000, s26;
	[sflag:s29] =	ssyncset.done $0x0  }
0xb2: {  	s14 =	sadd.s32 $0x4200, s14;
	s18 =	simm.s32 $0x220;
	[sflag:s29] =	ssyncadd.s32 $0xFFFF8000  }
0xb3: {  	s15 =	simm.s32 $0x0;
	s16 =	sand.u32 $0xF000, s1;
	s17 =	sand.u32 $0x3C00, s1;
	v5 =	vld [tilespmem:s18+$0x10]  }
0xb4: {  	s15 =	sand.u32 $0x380, s15;
	s16 =	sshrl.u32 s16, $0x2;
	s17 =	sor.u32 s17, s14;
	v6 =	vld [tilespmem:s18+$0xFFFFFFE0]  }
0xb5: {  	s20 =	sor.u32 s16, s14;
	s14 =	sadd.s32 s15, s17;
	v3 =	vld [tilespmem:s18+$0xFFFFFFF0]  }
0xb6: {  	s16 =	simm.s32 $0x0;
	s15 =	sadd.s32 s15, s20;
	s17 =	sor.u32 $0x40, s14  }
0xb7: {  	s20 =	simm.s32 $0x0;
	s21 =	sor.u32 $0x50, s14;
	s22 =	simm.s32 $0x0;
	v4 =	vld [tilespmem:s18+$0x0]  }
0xb8: {  	s24 =	sor.u32 $0x60, s14;
	s25 =	sor.u32 $0x20, s14;
	s18 =	simm.s32 $0x260;
	v7 =	vshll.u32 v5, $0x10;
	v5 =	vand.u32 $0xFFFF0000, v5  }
.LBB2_2:
0xb9: {  	s16 =	sadd.s32 $0x4, s16;
	v8 =	vld [tilespmem:s18+$0x10];
	s20 =	sadd.s32 $0x1000, s20;
	s22 =	sadd.s32 $0x400, s22;
	v9 =	vmov v6  }
0xba: {  	s26 =	sshll.u32 s16, $0x5;
	s6 =	sshll.u32 s16, $0x1;
	p0 =	slt.u32 s16, $0x3FC;
	v6 =	vshll.u32 v3, $0x10;
	[tilespmem:s24+$0x0] =	vst.add.f32.msk $0xffff, v7;
	v7 =	vmov v3  }
0xbb: {  	s24 =	sand.u32 $0xF000, s20;
	v3 =	vshll.u32 v9, $0x10;
	s26 =	sand.u32 $0x4000, s26;
	[tilespmem:s25+$0x0] =	vst.add.f32.msk $0xffff, v6  }
0xbc: {  	s24 =	sshrl.u32 s24, $0x2;
	s25 =	sadd.s32 $0x4200, s26;
	s26 =	sand.u32 $0x3C00, s22;
	[tilespmem:s15+$0x0] =	vst.add.f32.msk $0xffff, v3;
	v3 =	vshll.u32 v4, $0x10  }
0xbd: {  	s6 =	sand.u32 $0x380, s6;
	v4 =	vand.u32 $0xFFFF0000, v4;
	s24 =	sor.u32 s24, s25;
	s25 =	sor.u32 s26, s25;
	[tilespmem:s17+$0x0] =	vst.add.f32.msk $0xffff, v3  }
0xbe: {  	s17 =	sor.u32 $0x70, s14;
	s26 =	sadd.s32 s6, s24;
	s6 =	sadd.s32 s6, s25;
	[tilespmem:s21+$0x0] =	vst.add.f32.msk $0xffff, v4  }
0xbf: {  	[tilespmem:s17+$0x0] =	vst.add.f32.msk $0xffff, v5  }
.Ltmp0:
0xc0: {  	s24 =	sor.u32 $0x60, s6;
	v6 =	vld [tilespmem:s18+$0xFFFFFFE0];
	(pc) =	sbr.rel @p0 .LBB2_2-.Ltmp0, $4  }
0xc1: {  	s7 =	sor.u32 $0x30, s14;
	s17 =	sor.u32 $0x40, s6;
	s14 =	smov.u32 s6;
	v3 =	vld [tilespmem:s18+$0xFFFFFFF0]  }
0xc2: {  	v5 =	vand.u32 $0xFFFF0000, v9;
	s6 =	sor.u32 $0x10, s15;
	v9 =	vand.u32 $0xFFFF0000, v7;
	s25 =	sor.u32 $0x20, s14;
	s21 =	sor.u32 $0x50, s14;
	v4 =	vld [tilespmem:s18+$0x0]  }
0xc3: {  	s15 =	smov.u32 s26;
	[tilespmem:s6+$0x0] =	vst.add.f32.msk $0xffff, v5  }
0xc4: {  	v7 =	vshll.u32 v8, $0x10;
	s18 =	sadd.s32 $0x40, s18;
	v5 =	vand.u32 $0xFFFF0000, v8;
	[tilespmem:s7+$0x0] =	vst.add.f32.msk $0xffff, v9  }
0xc5: {  	[tilespmem:s24+$0x0] =	vst.add.f32.msk $0xffff, v7;
	v7 =	vshll.u32 v6, $0x10  }
0xc6: {  	s6 =	sor.u32 $0x70, s14;
	[tilespmem:s15+$0x0] =	vst.add.f32.msk $0xffff, v7  }
0xc7: {  	v8 =	vshll.u32 v3, $0x10;
	[tilespmem:s6+$0x0] =	vst.add.f32.msk $0xffff, v5  }
0xc8: {  	[tilespmem:s25+$0x0] =	vst.add.f32.msk $0xffff, v8;
	v7 =	vshll.u32 v4, $0x10  }
0xc9: {  	s7 =	sor.u32 $0x30, s14;
	v3 =	vand.u32 $0xFFFF0000, v3;
	[tilespmem:s17+$0x0] =	vst.add.f32.msk $0xffff, v7  }
0xca: {  	v4 =	vand.u32 $0xFFFF0000, v4;
	[tilespmem:s7+$0x0] =	vst.add.f32.msk $0xffff, v3  }
0xcb: {  	s16 =	sor.u32 $0x10, s15;
	[tilespmem:s21+$0x0] =	vst.add.f32.msk $0xffff, v4;
	v4 =	vand.u32 $0xFFFF0000, v6  }
0xcc: {  	[tilespmem:s16+$0x0] =	vst.add.f32.msk $0xffff, v4  }
0xcd: {  	s14 =	simm.s32 $0x0;
	s8 =	simm.s32 $0x4200;
	s6 =	rddreg [dreg:$0x9]  }
0xce: {  	[hbm4b:s6+s14] =	stream.linear.scatter [tilespmem:s8], [sflag:$0x4], $0x8000, $0x38;
	[tilespmem:$0x1C200] =	vst v63  }
0xcf: {  	_ =	swait.ge [sflag:s3], $0x8000  }
0xd0: {  	[sflag:s3] =	ssyncset.done $0x0  }
0xd1: {  	[sflag:s3] =	ssyncadd.s32 $0xFFFF8000  }
0xd2: {  	v3 =	vld [tilespmem:$0x180];
	_ =	sdelay $0x4  }
0xd3: {  	v4 =	vshll.u32 v3, $0x4  }
0xd4: {  	v3 =	vand.u32 $0x7, v3;
	v4 =	vand.u32 $0xFFFFFF80, v4  }
0xd5: {  	v3 =	vor.u32 v3, v4  }
0xd6: {  	v4 =	vperm.xlane v3, v0;
	_ =	sdelay $0x1  }
0xd7: {  	v4 =	vadd.s32 v1, v4;
	_ =	sdelay $0x4  }
0xd8: {  	[tilespmem:s8], [sflag:$0x1] =	stream.indirect_vreg.gather [hbm4b:s23+s14], $0x80, v4, vm0, $0xb8;
	[tilespmem:$0x1C200] =	vst v63  }
0xd9: {  	s17 =	simm.s32 $0x4A00  }
0xda: {  	[tilespmem:s17], [sflag:$0x1] =	stream.indirect_vreg.gather [hbm4b:s30+s14], $0x80, v4, vm0, $0xb8;
	[tilespmem:$0x1C200] =	vst v63  }
0xdb: {  	s18 =	simm.s32 $0x5200  }
0xdc: {  	[tilespmem:s18], [sflag:$0x1] =	stream.indirect_vreg.gather [hbm4b:s31+s14], $0x80, v4, vm0, $0xb8;
	[tilespmem:$0x1C200] =	vst v63  }
0xdd: {  	s20 =	simm.s32 $0x5A00  }
0xde: {  	[tilespmem:s20], [sflag:$0x1] =	stream.indirect_vreg.gather [hbm4b:s19+s14], $0x80, v4, vm0, $0xb8;
	[tilespmem:$0x1C200] =	vst v63  }
0xdf: {  	s21 =	simm.s32 $0x6200  }
0xe0: {  	[tilespmem:s21], [sflag:$0x1] =	stream.indirect_vreg.gather [hbm4b:s0+s14], $0x80, v4, vm0, $0xb8;
	[tilespmem:$0x1C200] =	vst v63  }
0xe1: {  	s22 =	simm.s32 $0x6A00;
	v3 =	vperm.xlane v3, v2  }
0xe2: {  	[tilespmem:s22], [sflag:$0x1] =	stream.indirect_vreg.gather [hbm4b:s2+s14], $0x80, v4, vm0, $0xb8;
	[tilespmem:$0x1C200] =	vst v63  }
0xe3: {  	s24 =	simm.s32 $0x7200;
	v3 =	vadd.s32 v1, v3  }
0xe4: {  	[tilespmem:s24], [sflag:$0x1] =	stream.indirect_vreg.gather [hbm4b:s4+s14], $0x80, v4, vm0, $0xb8;
	[tilespmem:$0x1C200] =	vst v63  }
0xe5: {  	s25 =	simm.s32 $0x7A00  }
0xe6: {  	[tilespmem:s25], [sflag:$0x1] =	stream.indirect_vreg.gather [hbm4b:s5+s14], $0x80, v4, vm0, $0xb8;
	[tilespmem:$0x1C200] =	vst v63  }
0xe7: {  	s26 =	simm.s32 $0x8200  }
0xe8: {  	[tilespmem:s26], [sflag:$0x1] =	stream.indirect_vreg.gather [hbm4b:s23+s14], $0x80, v3, vm0, $0xb8;
	[tilespmem:$0x1C200] =	vst v63  }
0xe9: {  	s7 =	simm.s32 $0x8A00  }
0xea: {  	[tilespmem:s7], [sflag:$0x1] =	stream.indirect_vreg.gather [hbm4b:s30+s14], $0x80, v3, vm0, $0xb8;
	[tilespmem:$0x1C200] =	vst v63  }
0xeb: {  	s15 =	simm.s32 $0x9200  }
0xec: {  	[tilespmem:s15], [sflag:$0x1] =	stream.indirect_vreg.gather [hbm4b:s31+s14], $0x80, v3, vm0, $0xb8;
	[tilespmem:$0x1C200] =	vst v63  }
0xed: {  	s16 =	simm.s32 $0x9A00  }
0xee: {  	[tilespmem:s16], [sflag:$0x1] =	stream.indirect_vreg.gather [hbm4b:s19+s14], $0x80, v3, vm0, $0xb8;
	[tilespmem:$0x1C200] =	vst v63  }
0xef: {  	s17 =	simm.s32 $0xA200  }
0xf0: {  	[tilespmem:s17], [sflag:$0x1] =	stream.indirect_vreg.gather [hbm4b:s0+s14], $0x80, v3, vm0, $0xb8;
	[tilespmem:$0x1C200] =	vst v63  }
0xf1: {  	s18 =	simm.s32 $0xAA00  }
0xf2: {  	[tilespmem:s18], [sflag:$0x1] =	stream.indirect_vreg.gather [hbm4b:s2+s14], $0x80, v3, vm0, $0xb8;
	[tilespmem:$0x1C200] =	vst v63  }
0xf3: {  	s20 =	simm.s32 $0xB200  }
0xf4: {  	[tilespmem:s20], [sflag:$0x1] =	stream.indirect_vreg.gather [hbm4b:s4+s14], $0x80, v3, vm0, $0xb8;
	[tilespmem:$0x1C200] =	vst v63  }
0xf5: {  	s21 =	simm.s32 $0xBA00  }
0xf6: {  	[tilespmem:s21], [sflag:$0x1] =	stream.indirect_vreg.gather [hbm4b:s5+s14], $0x80, v3, vm0, $0xb8;
	[tilespmem:$0x1C200] =	vst v63  }
0xf7: {  	_ =	swait.ge [sflag:s9], $0x8000  }
0xf8: {  	[sflag:s9] =	ssyncset.done $0x0  }
0xf9: {  	s22 =	simm.s32 $0x220;
	s24 =	simm.s32 $0x0;
	[sflag:s9] =	ssyncadd.s32 $0xFFFF8000  }
0xfa: {  	s25 =	simm.s32 $0x0;
	s7 =	sand.u32 $0x4000, s24;
	s16 =	sand.u32 $0xF000, s14;
	v5 =	vld [tilespmem:s22+$0x10]  }
0xfb: {  	s26 =	sand.u32 $0x3C00, s14;
	s7 =	sadd.s32 $0xC200, s7;
	s16 =	sshrl.u32 s16, $0x2;
	v6 =	vld [tilespmem:s22+$0xFFFFFFE0]  }
0xfc: {  	s15 =	sand.u32 $0x380, s25;
	s16 =	sor.u32 s16, s7;
	s7 =	sor.u32 s26, s7;
	v3 =	vld [tilespmem:s22+$0xFFFFFFF0]  }
0xfd: {  	s17 =	simm.s32 $0x0;
	s16 =	sadd.s32 s15, s16;
	s15 =	sadd.s32 s15, s7  }
0xfe: {  	s24 =	sor.u32 $0x60, s15;
	s18 =	sor.u32 $0x40, s15;
	s25 =	sor.u32 $0x20, s15;
	v4 =	vld [tilespmem:s22+$0x0]  }
0xff: {  	s20 =	simm.s32 $0x260;
	s21 =	simm.s32 $0x0;
	s22 =	sor.u32 $0x50, s15;
	v7 =	vshll.u32 v5, $0x10;
	v5 =	vand.u32 $0xFFFF0000, v5  }
.LBB2_4:
0x100: {  	s17 =	sadd.s32 $0x4, s17;
	v8 =	vld [tilespmem:s20+$0x10];
	s14 =	sadd.s32 $0x1000, s14;
	s21 =	sadd.s32 $0x400, s21;
	v9 =	vmov v6  }
0x101: {  	s6 =	sshll.u32 s17, $0x5;
	s7 =	sshll.u32 s17, $0x1;
	p0 =	slt.u32 s17, $0x3FC;
	v6 =	vshll.u32 v3, $0x10;
	[tilespmem:s24+$0x0] =	vst.add.f32.msk $0xffff, v7;
	v7 =	vmov v3  }
0x102: {  	s24 =	sand.u32 $0xF000, s14;
	v3 =	vshll.u32 v9, $0x10;
	s6 =	sand.u32 $0x4000, s6;
	[tilespmem:s25+$0x0] =	vst.add.f32.msk $0xffff, v6  }
0x103: {  	s24 =	sshrl.u32 s24, $0x2;
	s25 =	sand.u32 $0x3C00, s21;
	s6 =	sadd.s32 $0xC200, s6;
	[tilespmem:s16+$0x0] =	vst.add.f32.msk $0xffff, v3;
	v3 =	vshll.u32 v4, $0x10  }
0x104: {  	s7 =	sand.u32 $0x380, s7;
	v4 =	vand.u32 $0xFFFF0000, v4;
	s24 =	sor.u32 s24, s6;
	s6 =	sor.u32 s25, s6;
	[tilespmem:s18+$0x0] =	vst.add.f32.msk $0xffff, v3  }
0x105: {  	s26 =	sadd.s32 s7, s24;
	s6 =	sadd.s32 s7, s6;
	[tilespmem:s22+$0x0] =	vst.add.f32.msk $0xffff, v4;
	s7 =	sor.u32 $0x70, s15  }
0x106: {  	[tilespmem:s7+$0x0] =	vst.add.f32.msk $0xffff, v5  }
.Ltmp1:
0x107: {  	s24 =	sor.u32 $0x60, s6;
	v6 =	vld [tilespmem:s20+$0xFFFFFFE0];
	(pc) =	sbr.rel @p0 .LBB2_4-.Ltmp1, $4  }
0x108: {  	s18 =	sor.u32 $0x40, s6;
	s7 =	sor.u32 $0x30, s15;
	s15 =	smov.u32 s6;
	v3 =	vld [tilespmem:s20+$0xFFFFFFF0]  }
0x109: {  	v5 =	vand.u32 $0xFFFF0000, v9;
	s6 =	sor.u32 $0x10, s16;
	v9 =	vand.u32 $0xFFFF0000, v7;
	s25 =	sor.u32 $0x20, s15;
	s22 =	sor.u32 $0x50, s15;
	v4 =	vld [tilespmem:s20+$0x0]  }
0x10a: {  	s16 =	smov.u32 s26;
	[tilespmem:s6+$0x0] =	vst.add.f32.msk $0xffff, v5  }
0x10b: {  	v7 =	vshll.u32 v8, $0x10;
	s20 =	sadd.s32 $0x40, s20;
	v5 =	vand.u32 $0xFFFF0000, v8;
	[tilespmem:s7+$0x0] =	vst.add.f32.msk $0xffff, v9  }
0x10c: {  	[tilespmem:s24+$0x0] =	vst.add.f32.msk $0xffff, v7;
	v7 =	vshll.u32 v6, $0x10  }
0x10d: {  	s6 =	sor.u32 $0x70, s15;
	[tilespmem:s16+$0x0] =	vst.add.f32.msk $0xffff, v7  }
0x10e: {  	v8 =	vshll.u32 v3, $0x10;
	[tilespmem:s6+$0x0] =	vst.add.f32.msk $0xffff, v5  }
0x10f: {  	[tilespmem:s25+$0x0] =	vst.add.f32.msk $0xffff, v8;
	v7 =	vshll.u32 v4, $0x10  }
0x110: {  	s7 =	sor.u32 $0x30, s15;
	v3 =	vand.u32 $0xFFFF0000, v3;
	[tilespmem:s18+$0x0] =	vst.add.f32.msk $0xffff, v7  }
0x111: {  	v4 =	vand.u32 $0xFFFF0000, v4;
	[tilespmem:s7+$0x0] =	vst.add.f32.msk $0xffff, v3  }
0x112: {  	s14 =	sor.u32 $0x10, s16;
	[tilespmem:s22+$0x0] =	vst.add.f32.msk $0xffff, v4;
	v4 =	vand.u32 $0xFFFF0000, v6  }
0x113: {  	[tilespmem:s14+$0x0] =	vst.add.f32.msk $0xffff, v4  }
0x114: {  	s16 =	simm.s32 $0xC200;
	s14 =	simm.s32 $0x0;
	s6 =	rddreg [dreg:$0xa]  }
0x115: {  	[hbm4b:s6+s14] =	stream.linear.scatter [tilespmem:s16], [sflag:$0x5], $0x8000, $0x38;
	[tilespmem:$0x1C200] =	vst v63  }
0x116: {  	_ =	swait.ge [sflag:s10], $0x8000  }
0x117: {  	[sflag:s10] =	ssyncset.done $0x0  }
0x118: {  	[sflag:s10] =	ssyncadd.s32 $0xFFFF8000  }
0x119: {  	v3 =	vld [tilespmem:$0x10];
	_ =	sdelay $0x4  }
0x11a: {  	v4 =	vshll.u32 v3, $0x4  }
0x11b: {  	v3 =	vand.u32 $0x7, v3;
	v4 =	vand.u32 $0xFFFFFF80, v4  }
0x11c: {  	v3 =	vor.u32 v3, v4  }
0x11d: {  	v4 =	vperm.xlane v3, v0;
	_ =	sdelay $0x1  }
0x11e: {  	v4 =	vadd.s32 v1, v4;
	_ =	sdelay $0x4  }
0x11f: {  	[tilespmem:s16], [sflag:$0x2] =	stream.indirect_vreg.gather [hbm4b:s23+s14], $0x80, v4, vm0, $0xb8;
	[tilespmem:$0x1C200] =	vst v63  }
0x120: {  	s17 =	simm.s32 $0xCA00  }
0x121: {  	[tilespmem:s17], [sflag:$0x2] =	stream.indirect_vreg.gather [hbm4b:s30+s14], $0x80, v4, vm0, $0xb8;
	[tilespmem:$0x1C200] =	vst v63  }
0x122: {  	s18 =	simm.s32 $0xD200  }
0x123: {  	[tilespmem:s18], [sflag:$0x2] =	stream.indirect_vreg.gather [hbm4b:s31+s14], $0x80, v4, vm0, $0xb8;
	[tilespmem:$0x1C200] =	vst v63  }
0x124: {  	s20 =	simm.s32 $0xDA00  }
0x125: {  	[tilespmem:s20], [sflag:$0x2] =	stream.indirect_vreg.gather [hbm4b:s19+s14], $0x80, v4, vm0, $0xb8;
	[tilespmem:$0x1C200] =	vst v63  }
0x126: {  	s21 =	simm.s32 $0xE200  }
0x127: {  	[tilespmem:s21], [sflag:$0x2] =	stream.indirect_vreg.gather [hbm4b:s0+s14], $0x80, v4, vm0, $0xb8;
	[tilespmem:$0x1C200] =	vst v63  }
0x128: {  	s22 =	simm.s32 $0xEA00;
	v3 =	vperm.xlane v3, v2  }
0x129: {  	[tilespmem:s22], [sflag:$0x2] =	stream.indirect_vreg.gather [hbm4b:s2+s14], $0x80, v4, vm0, $0xb8;
	[tilespmem:$0x1C200] =	vst v63  }
0x12a: {  	s24 =	simm.s32 $0xF200;
	v3 =	vadd.s32 v1, v3  }
0x12b: {  	[tilespmem:s24], [sflag:$0x2] =	stream.indirect_vreg.gather [hbm4b:s4+s14], $0x80, v4, vm0, $0xb8;
	[tilespmem:$0x1C200] =	vst v63  }
0x12c: {  	s25 =	simm.s32 $0xFA00  }
0x12d: {  	[tilespmem:s25], [sflag:$0x2] =	stream.indirect_vreg.gather [hbm4b:s5+s14], $0x80, v4, vm0, $0xb8;
	[tilespmem:$0x1C200] =	vst v63  }
0x12e: {  	s26 =	simm.s32 $0x10200  }
0x12f: {  	[tilespmem:s26], [sflag:$0x2] =	stream.indirect_vreg.gather [hbm4b:s23+s14], $0x80, v3, vm0, $0xb8;
	[tilespmem:$0x1C200] =	vst v63  }
0x130: {  	s7 =	simm.s32 $0x10A00  }
0x131: {  	[tilespmem:s7], [sflag:$0x2] =	stream.indirect_vreg.gather [hbm4b:s30+s14], $0x80, v3, vm0, $0xb8;
	[tilespmem:$0x1C200] =	vst v63  }
0x132: {  	s15 =	simm.s32 $0x11200  }
0x133: {  	[tilespmem:s15], [sflag:$0x2] =	stream.indirect_vreg.gather [hbm4b:s31+s14], $0x80, v3, vm0, $0xb8;
	[tilespmem:$0x1C200] =	vst v63  }
0x134: {  	s16 =	simm.s32 $0x11A00  }
0x135: {  	[tilespmem:s16], [sflag:$0x2] =	stream.indirect_vreg.gather [hbm4b:s19+s14], $0x80, v3, vm0, $0xb8;
	[tilespmem:$0x1C200] =	vst v63  }
0x136: {  	s17 =	simm.s32 $0x12200  }
0x137: {  	[tilespmem:s17], [sflag:$0x2] =	stream.indirect_vreg.gather [hbm4b:s0+s14], $0x80, v3, vm0, $0xb8;
	[tilespmem:$0x1C200] =	vst v63  }
0x138: {  	s18 =	simm.s32 $0x12A00  }
0x139: {  	[tilespmem:s18], [sflag:$0x2] =	stream.indirect_vreg.gather [hbm4b:s2+s14], $0x80, v3, vm0, $0xb8;
	[tilespmem:$0x1C200] =	vst v63  }
0x13a: {  	s20 =	simm.s32 $0x13200  }
0x13b: {  	[tilespmem:s20], [sflag:$0x2] =	stream.indirect_vreg.gather [hbm4b:s4+s14], $0x80, v3, vm0, $0xb8;
	[tilespmem:$0x1C200] =	vst v63  }
0x13c: {  	s21 =	simm.s32 $0x13A00  }
0x13d: {  	[tilespmem:s21], [sflag:$0x2] =	stream.indirect_vreg.gather [hbm4b:s5+s14], $0x80, v3, vm0, $0xb8;
	[tilespmem:$0x1C200] =	vst v63  }
0x13e: {  	_ =	swait.ge [sflag:s11], $0x8000  }
0x13f: {  	[sflag:s11] =	ssyncset.done $0x0  }
0x140: {  	s22 =	simm.s32 $0x220;
	s24 =	simm.s32 $0x0;
	[sflag:s11] =	ssyncadd.s32 $0xFFFF8000  }
0x141: {  	s25 =	simm.s32 $0x0;
	s26 =	sand.u32 $0xF000, s14;
	s7 =	sand.u32 $0x4000, s24;
	v5 =	vld [tilespmem:s22+$0x10]  }
0x142: {  	s7 =	sadd.s32 $0x14200, s7;
	s16 =	sshrl.u32 s26, $0x2;
	s17 =	sand.u32 $0x3C00, s14;
	v6 =	vld [tilespmem:s22+$0xFFFFFFE0]  }
0x143: {  	s15 =	sand.u32 $0x380, s25;
	s16 =	sor.u32 s16, s7;
	s7 =	sor.u32 s17, s7;
	v3 =	vld [tilespmem:s22+$0xFFFFFFF0]  }
0x144: {  	s16 =	sadd.s32 s15, s16;
	s17 =	simm.s32 $0x0;
	s15 =	sadd.s32 s15, s7  }
0x145: {  	s24 =	sor.u32 $0x60, s15;
	s18 =	sor.u32 $0x40, s15;
	s25 =	sor.u32 $0x20, s15;
	v4 =	vld [tilespmem:s22+$0x0]  }
0x146: {  	s20 =	simm.s32 $0x260;
	s21 =	simm.s32 $0x0;
	s22 =	sor.u32 $0x50, s15;
	v7 =	vshll.u32 v5, $0x10;
	v5 =	vand.u32 $0xFFFF0000, v5  }
.LBB2_6:
0x147: {  	s17 =	sadd.s32 $0x4, s17;
	v8 =	vld [tilespmem:s20+$0x10];
	s14 =	sadd.s32 $0x1000, s14;
	s21 =	sadd.s32 $0x400, s21;
	v9 =	vmov v6  }
0x148: {  	s6 =	sshll.u32 s17, $0x5;
	s7 =	sshll.u32 s17, $0x1;
	p0 =	slt.u32 s17, $0x3FC;
	v6 =	vshll.u32 v3, $0x10;
	[tilespmem:s24+$0x0] =	vst.add.f32.msk $0xffff, v7;
	v7 =	vmov v3  }
0x149: {  	s24 =	sand.u32 $0xF000, s14;
	v3 =	vshll.u32 v9, $0x10;
	s6 =	sand.u32 $0x4000, s6;
	[tilespmem:s25+$0x0] =	vst.add.f32.msk $0xffff, v6  }
0x14a: {  	s24 =	sshrl.u32 s24, $0x2;
	s25 =	sand.u32 $0x3C00, s21;
	s6 =	sadd.s32 $0x14200, s6;
	[tilespmem:s16+$0x0] =	vst.add.f32.msk $0xffff, v3;
	v3 =	vshll.u32 v4, $0x10  }
0x14b: {  	s7 =	sand.u32 $0x380, s7;
	v4 =	vand.u32 $0xFFFF0000, v4;
	s24 =	sor.u32 s24, s6;
	s6 =	sor.u32 s25, s6;
	[tilespmem:s18+$0x0] =	vst.add.f32.msk $0xffff, v3  }
0x14c: {  	s26 =	sadd.s32 s7, s24;
	s6 =	sadd.s32 s7, s6;
	[tilespmem:s22+$0x0] =	vst.add.f32.msk $0xffff, v4;
	s7 =	sor.u32 $0x70, s15  }
0x14d: {  	[tilespmem:s7+$0x0] =	vst.add.f32.msk $0xffff, v5  }
.Ltmp2:
0x14e: {  	s24 =	sor.u32 $0x60, s6;
	v6 =	vld [tilespmem:s20+$0xFFFFFFE0];
	(pc) =	sbr.rel @p0 .LBB2_6-.Ltmp2, $4  }
0x14f: {  	s18 =	sor.u32 $0x40, s6;
	s7 =	sor.u32 $0x30, s15;
	s15 =	smov.u32 s6;
	v3 =	vld [tilespmem:s20+$0xFFFFFFF0]  }
0x150: {  	v5 =	vand.u32 $0xFFFF0000, v9;
	s6 =	sor.u32 $0x10, s16;
	v9 =	vand.u32 $0xFFFF0000, v7;
	s25 =	sor.u32 $0x20, s15;
	s22 =	sor.u32 $0x50, s15;
	v4 =	vld [tilespmem:s20+$0x0]  }
0x151: {  	s16 =	smov.u32 s26;
	[tilespmem:s6+$0x0] =	vst.add.f32.msk $0xffff, v5  }
0x152: {  	v7 =	vshll.u32 v8, $0x10;
	s20 =	sadd.s32 $0x40, s20;
	v5 =	vand.u32 $0xFFFF0000, v8;
	[tilespmem:s7+$0x0] =	vst.add.f32.msk $0xffff, v9  }
0x153: {  	[tilespmem:s24+$0x0] =	vst.add.f32.msk $0xffff, v7;
	v7 =	vshll.u32 v6, $0x10  }
0x154: {  	s6 =	sor.u32 $0x70, s15;
	[tilespmem:s16+$0x0] =	vst.add.f32.msk $0xffff, v7  }
0x155: {  	v8 =	vshll.u32 v3, $0x10;
	[tilespmem:s6+$0x0] =	vst.add.f32.msk $0xffff, v5  }
0x156: {  	[tilespmem:s25+$0x0] =	vst.add.f32.msk $0xffff, v8;
	v7 =	vshll.u32 v4, $0x10  }
0x157: {  	s7 =	sor.u32 $0x30, s15;
	v3 =	vand.u32 $0xFFFF0000, v3;
	[tilespmem:s18+$0x0] =	vst.add.f32.msk $0xffff, v7  }
0x158: {  	v4 =	vand.u32 $0xFFFF0000, v4;
	[tilespmem:s7+$0x0] =	vst.add.f32.msk $0xffff, v3  }
0x159: {  	s17 =	sor.u32 $0x10, s16;
	[tilespmem:s22+$0x0] =	vst.add.f32.msk $0xffff, v4;
	v4 =	vand.u32 $0xFFFF0000, v6  }
0x15a: {  	[tilespmem:s17+$0x0] =	vst.add.f32.msk $0xffff, v4  }
0x15b: {  	s14 =	simm.s32 $0x0;
	s18 =	simm.s32 $0x14200;
	s6 =	rddreg [dreg:$0xb]  }
0x15c: {  	[hbm4b:s6+s14] =	stream.linear.scatter [tilespmem:s18], [sflag:$0x6], $0x8000, $0x38;
	[tilespmem:$0x1C200] =	vst v63  }
0x15d: {  	_ =	swait.ge [sflag:s12], $0x8000  }
0x15e: {  	[sflag:s12] =	ssyncset.done $0x0  }
0x15f: {  	[sflag:s12] =	ssyncadd.s32 $0xFFFF8000  }
0x160: {  	v3 =	vld [tilespmem:$0x90];
	_ =	sdelay $0x4  }
0x161: {  	v4 =	vshll.u32 v3, $0x4  }
0x162: {  	v3 =	vand.u32 $0x7, v3;
	v4 =	vand.u32 $0xFFFFFF80, v4  }
0x163: {  	v3 =	vor.u32 v3, v4  }
0x164: {  	v4 =	vperm.xlane v3, v0;
	_ =	sdelay $0x1  }
0x165: {  	v4 =	vadd.s32 v1, v4;
	_ =	sdelay $0x4  }
0x166: {  	[tilespmem:s18], [sflag:$0x3] =	stream.indirect_vreg.gather [hbm4b:s23+s14], $0x80, v4, vm0, $0xb8;
	[tilespmem:$0x1C200] =	vst v63  }
0x167: {  	_ = 	snop  }
0x168: {  	[tilespmem:s28], [sflag:$0x3] =	stream.indirect_vreg.gather [hbm4b:s30+s14], $0x80, v4, vm0, $0xb8;
	[tilespmem:$0x1C200] =	vst v63  }
0x169: {  	_ = 	snop  }
0x16a: {  	[tilespmem:s13], [sflag:$0x3] =	stream.indirect_vreg.gather [hbm4b:s31+s14], $0x80, v4, vm0, $0xb8;
	[tilespmem:$0x1C200] =	vst v63  }
0x16b: {  	s20 =	simm.s32 $0x15A00  }
0x16c: {  	[tilespmem:s20], [sflag:$0x3] =	stream.indirect_vreg.gather [hbm4b:s19+s14], $0x80, v4, vm0, $0xb8;
	[tilespmem:$0x1C200] =	vst v63  }
0x16d: {  	s21 =	simm.s32 $0x16200  }
0x16e: {  	[tilespmem:s21], [sflag:$0x3] =	stream.indirect_vreg.gather [hbm4b:s0+s14], $0x80, v4, vm0, $0xb8;
	[tilespmem:$0x1C200] =	vst v63  }
0x16f: {  	s22 =	simm.s32 $0x16A00;
	v3 =	vperm.xlane v3, v2  }
0x170: {  	[tilespmem:s22], [sflag:$0x3] =	stream.indirect_vreg.gather [hbm4b:s2+s14], $0x80, v4, vm0, $0xb8;
	[tilespmem:$0x1C200] =	vst v63  }
0x171: {  	s24 =	simm.s32 $0x17200;
	v3 =	vadd.s32 v1, v3  }
0x172: {  	[tilespmem:s24], [sflag:$0x3] =	stream.indirect_vreg.gather [hbm4b:s4+s14], $0x80, v4, vm0, $0xb8;
	[tilespmem:$0x1C200] =	vst v63  }
0x173: {  	s25 =	simm.s32 $0x17A00  }
0x174: {  	[tilespmem:s25], [sflag:$0x3] =	stream.indirect_vreg.gather [hbm4b:s5+s14], $0x80, v4, vm0, $0xb8;
	[tilespmem:$0x1C200] =	vst v63  }
0x175: {  	s26 =	simm.s32 $0x18200  }
0x176: {  	[tilespmem:s26], [sflag:$0x3] =	stream.indirect_vreg.gather [hbm4b:s23+s14], $0x80, v3, vm0, $0xb8;
	[tilespmem:$0x1C200] =	vst v63  }
0x177: {  	s7 =	simm.s32 $0x18A00  }
0x178: {  	[tilespmem:s7], [sflag:$0x3] =	stream.indirect_vreg.gather [hbm4b:s30+s14], $0x80, v3, vm0, $0xb8;
	[tilespmem:$0x1C200] =	vst v63  }
0x179: {  	s15 =	simm.s32 $0x19200  }
0x17a: {  	[tilespmem:s15], [sflag:$0x3] =	stream.indirect_vreg.gather [hbm4b:s31+s14], $0x80, v3, vm0, $0xb8;
	[tilespmem:$0x1C200] =	vst v63  }
0x17b: {  	s16 =	simm.s32 $0x19A00  }
0x17c: {  	[tilespmem:s16], [sflag:$0x3] =	stream.indirect_vreg.gather [hbm4b:s19+s14], $0x80, v3, vm0, $0xb8;
	[tilespmem:$0x1C200] =	vst v63  }
0x17d: {  	s17 =	simm.s32 $0x1A200  }
0x17e: {  	[tilespmem:s17], [sflag:$0x3] =	stream.indirect_vreg.gather [hbm4b:s0+s14], $0x80, v3, vm0, $0xb8;
	[tilespmem:$0x1C200] =	vst v63  }
0x17f: {  	s18 =	simm.s32 $0x1AA00  }
0x180: {  	[tilespmem:s18], [sflag:$0x3] =	stream.indirect_vreg.gather [hbm4b:s2+s14], $0x80, v3, vm0, $0xb8;
	[tilespmem:$0x1C200] =	vst v63  }
0x181: {  	s20 =	simm.s32 $0x1B200  }
0x182: {  	[tilespmem:s20], [sflag:$0x3] =	stream.indirect_vreg.gather [hbm4b:s4+s14], $0x80, v3, vm0, $0xb8;
	[tilespmem:$0x1C200] =	vst v63  }
0x183: {  	s21 =	simm.s32 $0x1BA00  }
0x184: {  	[tilespmem:s21], [sflag:$0x3] =	stream.indirect_vreg.gather [hbm4b:s5+s14], $0x80, v3, vm0, $0xb8;
	[tilespmem:$0x1C200] =	vst v63  }
0x185: {  	_ =	swait.ge [sflag:s29], $0x8000  }
0x186: {  	[sflag:s29] =	ssyncset.done $0x0  }
0x187: {  	s22 =	simm.s32 $0x220;
	s24 =	simm.s32 $0x0;
	[sflag:s29] =	ssyncadd.s32 $0xFFFF8000  }
0x188: {  	s25 =	simm.s32 $0x0;
	s26 =	sand.u32 $0xF000, s14;
	s7 =	sand.u32 $0x4000, s24;
	v5 =	vld [tilespmem:s22+$0x10]  }
0x189: {  	s7 =	sadd.s32 $0x4200, s7;
	s16 =	sshrl.u32 s26, $0x2;
	s17 =	sand.u32 $0x3C00, s14;
	v6 =	vld [tilespmem:s22+$0xFFFFFFE0]  }
0x18a: {  	s15 =	sand.u32 $0x380, s25;
	s16 =	sor.u32 s16, s7;
	s7 =	sor.u32 s17, s7;
	v3 =	vld [tilespmem:s22+$0xFFFFFFF0]  }
0x18b: {  	s16 =	sadd.s32 s15, s16;
	s17 =	simm.s32 $0x0;
	s15 =	sadd.s32 s15, s7  }
0x18c: {  	s24 =	sor.u32 $0x60, s15;
	s18 =	sor.u32 $0x40, s15;
	s25 =	sor.u32 $0x20, s15;
	v4 =	vld [tilespmem:s22+$0x0]  }
0x18d: {  	s20 =	simm.s32 $0x260;
	s21 =	simm.s32 $0x0;
	s22 =	sor.u32 $0x50, s15;
	v7 =	vshll.u32 v5, $0x10;
	v5 =	vand.u32 $0xFFFF0000, v5  }
.LBB2_8:
0x18e: {  	s17 =	sadd.s32 $0x4, s17;
	v8 =	vld [tilespmem:s20+$0x10];
	s14 =	sadd.s32 $0x1000, s14;
	s21 =	sadd.s32 $0x400, s21;
	v9 =	vmov v6  }
0x18f: {  	s6 =	sshll.u32 s17, $0x5;
	s7 =	sshll.u32 s17, $0x1;
	p0 =	slt.u32 s17, $0x3FC;
	v6 =	vshll.u32 v3, $0x10;
	[tilespmem:s24+$0x0] =	vst.add.f32.msk $0xffff, v7;
	v7 =	vmov v3  }
0x190: {  	s24 =	sand.u32 $0xF000, s14;
	v3 =	vshll.u32 v9, $0x10;
	s6 =	sand.u32 $0x4000, s6;
	[tilespmem:s25+$0x0] =	vst.add.f32.msk $0xffff, v6  }
0x191: {  	s24 =	sshrl.u32 s24, $0x2;
	s25 =	sand.u32 $0x3C00, s21;
	s6 =	sadd.s32 $0x4200, s6;
	[tilespmem:s16+$0x0] =	vst.add.f32.msk $0xffff, v3;
	v3 =	vshll.u32 v4, $0x10  }
0x192: {  	s7 =	sand.u32 $0x380, s7;
	v4 =	vand.u32 $0xFFFF0000, v4;
	s24 =	sor.u32 s24, s6;
	s6 =	sor.u32 s25, s6;
	[tilespmem:s18+$0x0] =	vst.add.f32.msk $0xffff, v3  }
0x193: {  	s26 =	sadd.s32 s7, s24;
	s6 =	sadd.s32 s7, s6;
	[tilespmem:s22+$0x0] =	vst.add.f32.msk $0xffff, v4;
	s7 =	sor.u32 $0x70, s15  }
0x194: {  	[tilespmem:s7+$0x0] =	vst.add.f32.msk $0xffff, v5  }
.Ltmp3:
0x195: {  	s24 =	sor.u32 $0x60, s6;
	v6 =	vld [tilespmem:s20+$0xFFFFFFE0];
	(pc) =	sbr.rel @p0 .LBB2_8-.Ltmp3, $4  }
0x196: {  	s18 =	sor.u32 $0x40, s6;
	s7 =	sor.u32 $0x30, s15;
	s15 =	smov.u32 s6;
	v3 =	vld [tilespmem:s20+$0xFFFFFFF0]  }
0x197: {  	v5 =	vand.u32 $0xFFFF0000, v9;
	s6 =	sor.u32 $0x10, s16;
	v9 =	vand.u32 $0xFFFF0000, v7;
	s25 =	sor.u32 $0x20, s15;
	s22 =	sor.u32 $0x50, s15;
	v4 =	vld [tilespmem:s20+$0x0]  }
0x198: {  	s16 =	smov.u32 s26;
	[tilespmem:s6+$0x0] =	vst.add.f32.msk $0xffff, v5  }
0x199: {  	v7 =	vshll.u32 v8, $0x10;
	s20 =	sadd.s32 $0x40, s20;
	v5 =	vand.u32 $0xFFFF0000, v8;
	[tilespmem:s7+$0x0] =	vst.add.f32.msk $0xffff, v9  }
0x19a: {  	[tilespmem:s24+$0x0] =	vst.add.f32.msk $0xffff, v7;
	v7 =	vshll.u32 v6, $0x10  }
0x19b: {  	s6 =	sor.u32 $0x70, s15;
	[tilespmem:s16+$0x0] =	vst.add.f32.msk $0xffff, v7  }
0x19c: {  	v8 =	vshll.u32 v3, $0x10;
	[tilespmem:s6+$0x0] =	vst.add.f32.msk $0xffff, v5  }
0x19d: {  	[tilespmem:s25+$0x0] =	vst.add.f32.msk $0xffff, v8;
	v7 =	vshll.u32 v4, $0x10  }
0x19e: {  	s7 =	sor.u32 $0x30, s15;
	v3 =	vand.u32 $0xFFFF0000, v3;
	[tilespmem:s18+$0x0] =	vst.add.f32.msk $0xffff, v7  }
0x19f: {  	v4 =	vand.u32 $0xFFFF0000, v4;
	[tilespmem:s7+$0x0] =	vst.add.f32.msk $0xffff, v3  }
0x1a0: {  	s26 =	sor.u32 $0x10, s16;
	[tilespmem:s22+$0x0] =	vst.add.f32.msk $0xffff, v4;
	v4 =	vand.u32 $0xFFFF0000, v6  }
0x1a1: {  	[tilespmem:s26+$0x0] =	vst.add.f32.msk $0xffff, v4  }
0x1a2: {  	s14 =	simm.s32 $0x0;
	s6 =	rddreg [dreg:$0xc]  }
0x1a3: {  	[hbm4b:s6+s14] =	stream.linear.scatter [tilespmem:s8], [sflag:$0x4], $0x8000, $0x38;
	[tilespmem:$0x1C200] =	vst v63  }
0x1a4: {  	s15 =	simm.s32 $0x200;
	s7 =	rddreg [dreg:$0xd]  }
0x1a5: {  	[tilespmem:s15], [sflag:$0x7] =	stream.linear.gather [hbm4b:s7+s14], $0x4000, $0x38;
	[tilespmem:$0x1C200] =	vst v63  }
0x1a6: {  	_ =	swait.ge [sflag:s3], $0x8000  }
0x1a7: {  	[sflag:s3] =	ssyncset.done $0x0  }
0x1a8: {  	[sflag:s3] =	ssyncadd.s32 $0xFFFF8000  }
0x1a9: {  	v3 =	vld [tilespmem:$0x110];
	_ =	sdelay $0x4  }
0x1aa: {  	v4 =	vshll.u32 v3, $0x4  }
0x1ab: {  	v3 =	vand.u32 $0x7, v3;
	v4 =	vand.u32 $0xFFFFFF80, v4  }
0x1ac: {  	v3 =	vor.u32 v3, v4  }
0x1ad: {  	v4 =	vperm.xlane v3, v0;
	_ =	sdelay $0x1  }
0x1ae: {  	v4 =	vadd.s32 v1, v4;
	_ =	sdelay $0x4  }
0x1af: {  	[tilespmem:s8], [sflag:$0x1] =	stream.indirect_vreg.gather [hbm4b:s23+s14], $0x80, v4, vm0, $0xb8;
	[tilespmem:$0x1C200] =	vst v63  }
0x1b0: {  	s16 =	simm.s32 $0x4A00  }
0x1b1: {  	[tilespmem:s16], [sflag:$0x1] =	stream.indirect_vreg.gather [hbm4b:s30+s14], $0x80, v4, vm0, $0xb8;
	[tilespmem:$0x1C200] =	vst v63  }
0x1b2: {  	s17 =	simm.s32 $0x5200  }
0x1b3: {  	[tilespmem:s17], [sflag:$0x1] =	stream.indirect_vreg.gather [hbm4b:s31+s14], $0x80, v4, vm0, $0xb8;
	[tilespmem:$0x1C200] =	vst v63  }
0x1b4: {  	s18 =	simm.s32 $0x5A00  }
0x1b5: {  	[tilespmem:s18], [sflag:$0x1] =	stream.indirect_vreg.gather [hbm4b:s19+s14], $0x80, v4, vm0, $0xb8;
	[tilespmem:$0x1C200] =	vst v63  }
0x1b6: {  	s20 =	simm.s32 $0x6200  }
0x1b7: {  	[tilespmem:s20], [sflag:$0x1] =	stream.indirect_vreg.gather [hbm4b:s0+s14], $0x80, v4, vm0, $0xb8;
	[tilespmem:$0x1C200] =	vst v63  }
0x1b8: {  	s21 =	simm.s32 $0x6A00;
	v3 =	vperm.xlane v3, v2  }
0x1b9: {  	[tilespmem:s21], [sflag:$0x1] =	stream.indirect_vreg.gather [hbm4b:s2+s14], $0x80, v4, vm0, $0xb8;
	[tilespmem:$0x1C200] =	vst v63  }
0x1ba: {  	s22 =	simm.s32 $0x7200;
	v3 =	vadd.s32 v1, v3  }
0x1bb: {  	[tilespmem:s22], [sflag:$0x1] =	stream.indirect_vreg.gather [hbm4b:s4+s14], $0x80, v4, vm0, $0xb8;
	[tilespmem:$0x1C200] =	vst v63  }
0x1bc: {  	s24 =	simm.s32 $0x7A00  }
0x1bd: {  	[tilespmem:s24], [sflag:$0x1] =	stream.indirect_vreg.gather [hbm4b:s5+s14], $0x80, v4, vm0, $0xb8;
	[tilespmem:$0x1C200] =	vst v63  }
0x1be: {  	s25 =	simm.s32 $0x8200  }
0x1bf: {  	[tilespmem:s25], [sflag:$0x1] =	stream.indirect_vreg.gather [hbm4b:s23+s14], $0x80, v3, vm0, $0xb8;
	[tilespmem:$0x1C200] =	vst v63  }
0x1c0: {  	s26 =	simm.s32 $0x8A00  }
0x1c1: {  	[tilespmem:s26], [sflag:$0x1] =	stream.indirect_vreg.gather [hbm4b:s30+s14], $0x80, v3, vm0, $0xb8;
	[tilespmem:$0x1C200] =	vst v63  }
0x1c2: {  	s7 =	simm.s32 $0x9200  }
0x1c3: {  	[tilespmem:s7], [sflag:$0x1] =	stream.indirect_vreg.gather [hbm4b:s31+s14], $0x80, v3, vm0, $0xb8;
	[tilespmem:$0x1C200] =	vst v63  }
0x1c4: {  	s15 =	simm.s32 $0x9A00  }
0x1c5: {  	[tilespmem:s15], [sflag:$0x1] =	stream.indirect_vreg.gather [hbm4b:s19+s14], $0x80, v3, vm0, $0xb8;
	[tilespmem:$0x1C200] =	vst v63  }
0x1c6: {  	s16 =	simm.s32 $0xA200  }
0x1c7: {  	[tilespmem:s16], [sflag:$0x1] =	stream.indirect_vreg.gather [hbm4b:s0+s14], $0x80, v3, vm0, $0xb8;
	[tilespmem:$0x1C200] =	vst v63  }
0x1c8: {  	s17 =	simm.s32 $0xAA00  }
0x1c9: {  	[tilespmem:s17], [sflag:$0x1] =	stream.indirect_vreg.gather [hbm4b:s2+s14], $0x80, v3, vm0, $0xb8;
	[tilespmem:$0x1C200] =	vst v63  }
0x1ca: {  	s18 =	simm.s32 $0xB200  }
0x1cb: {  	[tilespmem:s18], [sflag:$0x1] =	stream.indirect_vreg.gather [hbm4b:s4+s14], $0x80, v3, vm0, $0xb8;
	[tilespmem:$0x1C200] =	vst v63  }
0x1cc: {  	s20 =	simm.s32 $0xBA00;
	s21 =	simm.s32 $0x7  }
0x1cd: {  	[tilespmem:s20], [sflag:$0x1] =	stream.indirect_vreg.gather [hbm4b:s5+s14], $0x80, v3, vm0, $0xb8;
	[tilespmem:$0x1C200] =	vst v63  }
0x1ce: {  	_ =	swait.ge [sflag:s21], $0x4000  }
0x1cf: {  	[sflag:s21] =	ssyncset.done $0x0  }
0x1d0: {  	[sflag:s21] =	ssyncadd.s32 $0xFFFFC000  }
0x1d1: {  	_ =	swait.ge [sflag:s9], $0x8000  }
0x1d2: {  	[sflag:s9] =	ssyncset.done $0x0  }
0x1d3: {  	s22 =	simm.s32 $0x220;
	s24 =	simm.s32 $0x0;
	[sflag:s9] =	ssyncadd.s32 $0xFFFF8000  }
0x1d4: {  	s25 =	simm.s32 $0x0;
	s26 =	sand.u32 $0xF000, s14;
	s7 =	sand.u32 $0x4000, s24;
	v5 =	vld [tilespmem:s22+$0x10]  }
0x1d5: {  	s7 =	sadd.s32 $0xC200, s7;
	s16 =	sshrl.u32 s26, $0x2;
	s17 =	sand.u32 $0x3C00, s14;
	v6 =	vld [tilespmem:s22+$0xFFFFFFE0]  }
0x1d6: {  	s15 =	sand.u32 $0x380, s25;
	s16 =	sor.u32 s16, s7;
	s7 =	sor.u32 s17, s7;
	v3 =	vld [tilespmem:s22+$0xFFFFFFF0]  }
0x1d7: {  	s16 =	sadd.s32 s15, s16;
	s17 =	simm.s32 $0x0;
	s15 =	sadd.s32 s15, s7  }
0x1d8: {  	s24 =	sor.u32 $0x60, s15;
	s18 =	sor.u32 $0x40, s15;
	s25 =	sor.u32 $0x20, s15;
	v4 =	vld [tilespmem:s22+$0x0]  }
0x1d9: {  	s20 =	simm.s32 $0x260;
	s21 =	simm.s32 $0x0;
	s22 =	sor.u32 $0x50, s15;
	v7 =	vshll.u32 v5, $0x10;
	v5 =	vand.u32 $0xFFFF0000, v5  }
.LBB2_10:
0x1da: {  	s17 =	sadd.s32 $0x4, s17;
	v8 =	vld [tilespmem:s20+$0x10];
	s14 =	sadd.s32 $0x1000, s14;
	s21 =	sadd.s32 $0x400, s21;
	v9 =	vmov v6  }
0x1db: {  	s6 =	sshll.u32 s17, $0x5;
	s7 =	sshll.u32 s17, $0x1;
	p0 =	slt.u32 s17, $0x3FC;
	v6 =	vshll.u32 v3, $0x10;
	[tilespmem:s24+$0x0] =	vst.add.f32.msk $0xffff, v7;
	v7 =	vmov v3  }
0x1dc: {  	s24 =	sand.u32 $0xF000, s14;
	v3 =	vshll.u32 v9, $0x10;
	s6 =	sand.u32 $0x4000, s6;
	[tilespmem:s25+$0x0] =	vst.add.f32.msk $0xffff, v6  }
0x1dd: {  	s24 =	sshrl.u32 s24, $0x2;
	s25 =	sand.u32 $0x3C00, s21;
	s6 =	sadd.s32 $0xC200, s6;
	[tilespmem:s16+$0x0] =	vst.add.f32.msk $0xffff, v3;
	v3 =	vshll.u32 v4, $0x10  }
0x1de: {  	s7 =	sand.u32 $0x380, s7;
	v4 =	vand.u32 $0xFFFF0000, v4;
	s24 =	sor.u32 s24, s6;
	s6 =	sor.u32 s25, s6;
	[tilespmem:s18+$0x0] =	vst.add.f32.msk $0xffff, v3  }
0x1df: {  	s26 =	sadd.s32 s7, s24;
	s6 =	sadd.s32 s7, s6;
	[tilespmem:s22+$0x0] =	vst.add.f32.msk $0xffff, v4;
	s7 =	sor.u32 $0x70, s15  }
0x1e0: {  	[tilespmem:s7+$0x0] =	vst.add.f32.msk $0xffff, v5  }
.Ltmp4:
0x1e1: {  	s24 =	sor.u32 $0x60, s6;
	v6 =	vld [tilespmem:s20+$0xFFFFFFE0];
	(pc) =	sbr.rel @p0 .LBB2_10-.Ltmp4, $4  }
0x1e2: {  	s18 =	sor.u32 $0x40, s6;
	s7 =	sor.u32 $0x30, s15;
	s15 =	smov.u32 s6;
	v3 =	vld [tilespmem:s20+$0xFFFFFFF0]  }
0x1e3: {  	v5 =	vand.u32 $0xFFFF0000, v9;
	s6 =	sor.u32 $0x10, s16;
	v9 =	vand.u32 $0xFFFF0000, v7;
	s25 =	sor.u32 $0x20, s15;
	s22 =	sor.u32 $0x50, s15;
	v4 =	vld [tilespmem:s20+$0x0]  }
0x1e4: {  	s16 =	smov.u32 s26;
	[tilespmem:s6+$0x0] =	vst.add.f32.msk $0xffff, v5  }
0x1e5: {  	v7 =	vshll.u32 v8, $0x10;
	s20 =	sadd.s32 $0x40, s20;
	v5 =	vand.u32 $0xFFFF0000, v8;
	[tilespmem:s7+$0x0] =	vst.add.f32.msk $0xffff, v9  }
0x1e6: {  	[tilespmem:s24+$0x0] =	vst.add.f32.msk $0xffff, v7;
	v7 =	vshll.u32 v6, $0x10  }
0x1e7: {  	s6 =	sor.u32 $0x70, s15;
	[tilespmem:s16+$0x0] =	vst.add.f32.msk $0xffff, v7  }
0x1e8: {  	v8 =	vshll.u32 v3, $0x10;
	[tilespmem:s6+$0x0] =	vst.add.f32.msk $0xffff, v5  }
0x1e9: {  	[tilespmem:s25+$0x0] =	vst.add.f32.msk $0xffff, v8;
	v7 =	vshll.u32 v4, $0x10  }
0x1ea: {  	s7 =	sor.u32 $0x30, s15;
	v3 =	vand.u32 $0xFFFF0000, v3;
	[tilespmem:s18+$0x0] =	vst.add.f32.msk $0xffff, v7  }
0x1eb: {  	v4 =	vand.u32 $0xFFFF0000, v4;
	[tilespmem:s7+$0x0] =	vst.add.f32.msk $0xffff, v3  }
0x1ec: {  	s14 =	sor.u32 $0x10, s16;
	[tilespmem:s22+$0x0] =	vst.add.f32.msk $0xffff, v4;
	v4 =	vand.u32 $0xFFFF0000, v6  }
0x1ed: {  	[tilespmem:s14+$0x0] =	vst.add.f32.msk $0xffff, v4  }
0x1ee: {  	s16 =	simm.s32 $0xC200;
	s14 =	simm.s32 $0x0;
	s6 =	rddreg [dreg:$0xe]  }
0x1ef: {  	[hbm4b:s6+s14] =	stream.linear.scatter [tilespmem:s16], [sflag:$0x5], $0x8000, $0x38;
	[tilespmem:$0x1C200] =	vst v63  }
0x1f0: {  	_ =	swait.ge [sflag:s10], $0x8000  }
0x1f1: {  	[sflag:s10] =	ssyncset.done $0x0  }
0x1f2: {  	[sflag:s10] =	ssyncadd.s32 $0xFFFF8000  }
0x1f3: {  	v3 =	vld [tilespmem:$0x190];
	_ =	sdelay $0x4  }
0x1f4: {  	v4 =	vshll.u32 v3, $0x4  }
0x1f5: {  	v3 =	vand.u32 $0x7, v3;
	v4 =	vand.u32 $0xFFFFFF80, v4  }
0x1f6: {  	v3 =	vor.u32 v3, v4  }
0x1f7: {  	v4 =	vperm.xlane v3, v0;
	_ =	sdelay $0x1  }
0x1f8: {  	v4 =	vadd.s32 v1, v4;
	_ =	sdelay $0x4  }
0x1f9: {  	[tilespmem:s16], [sflag:$0x2] =	stream.indirect_vreg.gather [hbm4b:s23+s14], $0x80, v4, vm0, $0xb8;
	[tilespmem:$0x1C200] =	vst v63  }
0x1fa: {  	s17 =	simm.s32 $0xCA00  }
0x1fb: {  	[tilespmem:s17], [sflag:$0x2] =	stream.indirect_vreg.gather [hbm4b:s30+s14], $0x80, v4, vm0, $0xb8;
	[tilespmem:$0x1C200] =	vst v63  }
0x1fc: {  	s18 =	simm.s32 $0xD200  }
0x1fd: {  	[tilespmem:s18], [sflag:$0x2] =	stream.indirect_vreg.gather [hbm4b:s31+s14], $0x80, v4, vm0, $0xb8;
	[tilespmem:$0x1C200] =	vst v63  }
0x1fe: {  	s20 =	simm.s32 $0xDA00  }
0x1ff: {  	[tilespmem:s20], [sflag:$0x2] =	stream.indirect_vreg.gather [hbm4b:s19+s14], $0x80, v4, vm0, $0xb8;
	[tilespmem:$0x1C200] =	vst v63  }
0x200: {  	s21 =	simm.s32 $0xE200  }
0x201: {  	[tilespmem:s21], [sflag:$0x2] =	stream.indirect_vreg.gather [hbm4b:s0+s14], $0x80, v4, vm0, $0xb8;
	[tilespmem:$0x1C200] =	vst v63  }
0x202: {  	s22 =	simm.s32 $0xEA00;
	v3 =	vperm.xlane v3, v2  }
0x203: {  	[tilespmem:s22], [sflag:$0x2] =	stream.indirect_vreg.gather [hbm4b:s2+s14], $0x80, v4, vm0, $0xb8;
	[tilespmem:$0x1C200] =	vst v63  }
0x204: {  	s24 =	simm.s32 $0xF200;
	v3 =	vadd.s32 v1, v3  }
0x205: {  	[tilespmem:s24], [sflag:$0x2] =	stream.indirect_vreg.gather [hbm4b:s4+s14], $0x80, v4, vm0, $0xb8;
	[tilespmem:$0x1C200] =	vst v63  }
0x206: {  	s25 =	simm.s32 $0xFA00  }
0x207: {  	[tilespmem:s25], [sflag:$0x2] =	stream.indirect_vreg.gather [hbm4b:s5+s14], $0x80, v4, vm0, $0xb8;
	[tilespmem:$0x1C200] =	vst v63  }
0x208: {  	s26 =	simm.s32 $0x10200  }
0x209: {  	[tilespmem:s26], [sflag:$0x2] =	stream.indirect_vreg.gather [hbm4b:s23+s14], $0x80, v3, vm0, $0xb8;
	[tilespmem:$0x1C200] =	vst v63  }
0x20a: {  	s7 =	simm.s32 $0x10A00  }
0x20b: {  	[tilespmem:s7], [sflag:$0x2] =	stream.indirect_vreg.gather [hbm4b:s30+s14], $0x80, v3, vm0, $0xb8;
	[tilespmem:$0x1C200] =	vst v63  }
0x20c: {  	s15 =	simm.s32 $0x11200  }
0x20d: {  	[tilespmem:s15], [sflag:$0x2] =	stream.indirect_vreg.gather [hbm4b:s31+s14], $0x80, v3, vm0, $0xb8;
	[tilespmem:$0x1C200] =	vst v63  }
0x20e: {  	s16 =	simm.s32 $0x11A00  }
0x20f: {  	[tilespmem:s16], [sflag:$0x2] =	stream.indirect_vreg.gather [hbm4b:s19+s14], $0x80, v3, vm0, $0xb8;
	[tilespmem:$0x1C200] =	vst v63  }
0x210: {  	s17 =	simm.s32 $0x12200  }
0x211: {  	[tilespmem:s17], [sflag:$0x2] =	stream.indirect_vreg.gather [hbm4b:s0+s14], $0x80, v3, vm0, $0xb8;
	[tilespmem:$0x1C200] =	vst v63  }
0x212: {  	s18 =	simm.s32 $0x12A00  }
0x213: {  	[tilespmem:s18], [sflag:$0x2] =	stream.indirect_vreg.gather [hbm4b:s2+s14], $0x80, v3, vm0, $0xb8;
	[tilespmem:$0x1C200] =	vst v63  }
0x214: {  	s20 =	simm.s32 $0x13200  }
0x215: {  	[tilespmem:s20], [sflag:$0x2] =	stream.indirect_vreg.gather [hbm4b:s4+s14], $0x80, v3, vm0, $0xb8;
	[tilespmem:$0x1C200] =	vst v63  }
0x216: {  	s21 =	simm.s32 $0x13A00  }
0x217: {  	[tilespmem:s21], [sflag:$0x2] =	stream.indirect_vreg.gather [hbm4b:s5+s14], $0x80, v3, vm0, $0xb8;
	[tilespmem:$0x1C200] =	vst v63  }
0x218: {  	_ =	swait.ge [sflag:s11], $0x8000  }
0x219: {  	[sflag:s11] =	ssyncset.done $0x0  }
0x21a: {  	s22 =	simm.s32 $0x220;
	s24 =	simm.s32 $0x0;
	[sflag:s11] =	ssyncadd.s32 $0xFFFF8000  }
0x21b: {  	s25 =	simm.s32 $0x0;
	s26 =	sand.u32 $0xF000, s14;
	s7 =	sand.u32 $0x4000, s24;
	v5 =	vld [tilespmem:s22+$0x10]  }
0x21c: {  	s7 =	sadd.s32 $0x14200, s7;
	s16 =	sshrl.u32 s26, $0x2;
	s17 =	sand.u32 $0x3C00, s14;
	v6 =	vld [tilespmem:s22+$0xFFFFFFE0]  }
0x21d: {  	s15 =	sand.u32 $0x380, s25;
	s16 =	sor.u32 s16, s7;
	s7 =	sor.u32 s17, s7;
	v3 =	vld [tilespmem:s22+$0xFFFFFFF0]  }
0x21e: {  	s16 =	sadd.s32 s15, s16;
	s17 =	simm.s32 $0x0;
	s15 =	sadd.s32 s15, s7  }
0x21f: {  	s24 =	sor.u32 $0x60, s15;
	s18 =	sor.u32 $0x40, s15;
	s25 =	sor.u32 $0x20, s15;
	v4 =	vld [tilespmem:s22+$0x0]  }
0x220: {  	s20 =	simm.s32 $0x260;
	s21 =	simm.s32 $0x0;
	s22 =	sor.u32 $0x50, s15;
	v7 =	vshll.u32 v5, $0x10;
	v5 =	vand.u32 $0xFFFF0000, v5  }
.LBB2_12:
0x221: {  	s17 =	sadd.s32 $0x4, s17;
	v8 =	vld [tilespmem:s20+$0x10];
	s14 =	sadd.s32 $0x1000, s14;
	s21 =	sadd.s32 $0x400, s21;
	v9 =	vmov v6  }
0x222: {  	s6 =	sshll.u32 s17, $0x5;
	s7 =	sshll.u32 s17, $0x1;
	p0 =	slt.u32 s17, $0x3FC;
	v6 =	vshll.u32 v3, $0x10;
	[tilespmem:s24+$0x0] =	vst.add.f32.msk $0xffff, v7;
	v7 =	vmov v3  }
0x223: {  	s24 =	sand.u32 $0xF000, s14;
	v3 =	vshll.u32 v9, $0x10;
	s6 =	sand.u32 $0x4000, s6;
	[tilespmem:s25+$0x0] =	vst.add.f32.msk $0xffff, v6  }
0x224: {  	s24 =	sshrl.u32 s24, $0x2;
	s25 =	sand.u32 $0x3C00, s21;
	s6 =	sadd.s32 $0x14200, s6;
	[tilespmem:s16+$0x0] =	vst.add.f32.msk $0xffff, v3;
	v3 =	vshll.u32 v4, $0x10  }
0x225: {  	s7 =	sand.u32 $0x380, s7;
	v4 =	vand.u32 $0xFFFF0000, v4;
	s24 =	sor.u32 s24, s6;
	s6 =	sor.u32 s25, s6;
	[tilespmem:s18+$0x0] =	vst.add.f32.msk $0xffff, v3  }
0x226: {  	s26 =	sadd.s32 s7, s24;
	s6 =	sadd.s32 s7, s6;
	[tilespmem:s22+$0x0] =	vst.add.f32.msk $0xffff, v4;
	s7 =	sor.u32 $0x70, s15  }
0x227: {  	[tilespmem:s7+$0x0] =	vst.add.f32.msk $0xffff, v5  }
.Ltmp5:
0x228: {  	s24 =	sor.u32 $0x60, s6;
	v6 =	vld [tilespmem:s20+$0xFFFFFFE0];
	(pc) =	sbr.rel @p0 .LBB2_12-.Ltmp5, $4  }
0x229: {  	s18 =	sor.u32 $0x40, s6;
	s7 =	sor.u32 $0x30, s15;
	s15 =	smov.u32 s6;
	v3 =	vld [tilespmem:s20+$0xFFFFFFF0]  }
0x22a: {  	v5 =	vand.u32 $0xFFFF0000, v9;
	s6 =	sor.u32 $0x10, s16;
	v9 =	vand.u32 $0xFFFF0000, v7;
	s25 =	sor.u32 $0x20, s15;
	s22 =	sor.u32 $0x50, s15;
	v4 =	vld [tilespmem:s20+$0x0]  }
0x22b: {  	s16 =	smov.u32 s26;
	[tilespmem:s6+$0x0] =	vst.add.f32.msk $0xffff, v5  }
0x22c: {  	v7 =	vshll.u32 v8, $0x10;
	s20 =	sadd.s32 $0x40, s20;
	v5 =	vand.u32 $0xFFFF0000, v8;
	[tilespmem:s7+$0x0] =	vst.add.f32.msk $0xffff, v9  }
0x22d: {  	[tilespmem:s24+$0x0] =	vst.add.f32.msk $0xffff, v7;
	v7 =	vshll.u32 v6, $0x10  }
0x22e: {  	s6 =	sor.u32 $0x70, s15;
	[tilespmem:s16+$0x0] =	vst.add.f32.msk $0xffff, v7  }
0x22f: {  	v8 =	vshll.u32 v3, $0x10;
	[tilespmem:s6+$0x0] =	vst.add.f32.msk $0xffff, v5  }
0x230: {  	[tilespmem:s25+$0x0] =	vst.add.f32.msk $0xffff, v8;
	v7 =	vshll.u32 v4, $0x10  }
0x231: {  	s7 =	sor.u32 $0x30, s15;
	v3 =	vand.u32 $0xFFFF0000, v3;
	[tilespmem:s18+$0x0] =	vst.add.f32.msk $0xffff, v7  }
0x232: {  	v4 =	vand.u32 $0xFFFF0000, v4;
	[tilespmem:s7+$0x0] =	vst.add.f32.msk $0xffff, v3  }
0x233: {  	s17 =	sor.u32 $0x10, s16;
	[tilespmem:s22+$0x0] =	vst.add.f32.msk $0xffff, v4;
	v4 =	vand.u32 $0xFFFF0000, v6  }
0x234: {  	[tilespmem:s17+$0x0] =	vst.add.f32.msk $0xffff, v4  }
0x235: {  	s14 =	simm.s32 $0x0;
	s18 =	simm.s32 $0x14200;
	s6 =	rddreg [dreg:$0xf]  }
0x236: {  	[hbm4b:s6+s14] =	stream.linear.scatter [tilespmem:s18], [sflag:$0x6], $0x8000, $0x38;
	[tilespmem:$0x1C200] =	vst v63  }
0x237: {  	_ =	swait.ge [sflag:s12], $0x8000  }
0x238: {  	[sflag:s12] =	ssyncset.done $0x0  }
0x239: {  	[sflag:s12] =	ssyncadd.s32 $0xFFFF8000  }
0x23a: {  	v3 =	vld [tilespmem:$0x20];
	_ =	sdelay $0x4  }
0x23b: {  	v4 =	vshll.u32 v3, $0x4  }
0x23c: {  	v3 =	vand.u32 $0x7, v3;
	v4 =	vand.u32 $0xFFFFFF80, v4  }
0x23d: {  	v3 =	vor.u32 v3, v4  }
0x23e: {  	v4 =	vperm.xlane v3, v0;
	_ =	sdelay $0x1  }
0x23f: {  	v4 =	vadd.s32 v1, v4;
	_ =	sdelay $0x4  }
0x240: {  	[tilespmem:s18], [sflag:$0x3] =	stream.indirect_vreg.gather [hbm4b:s23+s14], $0x80, v4, vm0, $0xb8;
	[tilespmem:$0x1C200] =	vst v63  }
0x241: {  	_ = 	snop  }
0x242: {  	[tilespmem:s28], [sflag:$0x3] =	stream.indirect_vreg.gather [hbm4b:s30+s14], $0x80, v4, vm0, $0xb8;
	[tilespmem:$0x1C200] =	vst v63  }
0x243: {  	_ = 	snop  }
0x244: {  	[tilespmem:s13], [sflag:$0x3] =	stream.indirect_vreg.gather [hbm4b:s31+s14], $0x80, v4, vm0, $0xb8;
	[tilespmem:$0x1C200] =	vst v63  }
0x245: {  	s20 =	simm.s32 $0x15A00  }
0x246: {  	[tilespmem:s20], [sflag:$0x3] =	stream.indirect_vreg.gather [hbm4b:s19+s14], $0x80, v4, vm0, $0xb8;
	[tilespmem:$0x1C200] =	vst v63  }
0x247: {  	s21 =	simm.s32 $0x16200  }
0x248: {  	[tilespmem:s21], [sflag:$0x3] =	stream.indirect_vreg.gather [hbm4b:s0+s14], $0x80, v4, vm0, $0xb8;
	[tilespmem:$0x1C200] =	vst v63  }
0x249: {  	s22 =	simm.s32 $0x16A00;
	v3 =	vperm.xlane v3, v2  }
0x24a: {  	[tilespmem:s22], [sflag:$0x3] =	stream.indirect_vreg.gather [hbm4b:s2+s14], $0x80, v4, vm0, $0xb8;
	[tilespmem:$0x1C200] =	vst v63  }
0x24b: {  	s24 =	simm.s32 $0x17200;
	v3 =	vadd.s32 v1, v3  }
0x24c: {  	[tilespmem:s24], [sflag:$0x3] =	stream.indirect_vreg.gather [hbm4b:s4+s14], $0x80, v4, vm0, $0xb8;
	[tilespmem:$0x1C200] =	vst v63  }
0x24d: {  	s25 =	simm.s32 $0x17A00  }
0x24e: {  	[tilespmem:s25], [sflag:$0x3] =	stream.indirect_vreg.gather [hbm4b:s5+s14], $0x80, v4, vm0, $0xb8;
	[tilespmem:$0x1C200] =	vst v63  }
0x24f: {  	s26 =	simm.s32 $0x18200  }
0x250: {  	[tilespmem:s26], [sflag:$0x3] =	stream.indirect_vreg.gather [hbm4b:s23+s14], $0x80, v3, vm0, $0xb8;
	[tilespmem:$0x1C200] =	vst v63  }
0x251: {  	s7 =	simm.s32 $0x18A00  }
0x252: {  	[tilespmem:s7], [sflag:$0x3] =	stream.indirect_vreg.gather [hbm4b:s30+s14], $0x80, v3, vm0, $0xb8;
	[tilespmem:$0x1C200] =	vst v63  }
0x253: {  	s15 =	simm.s32 $0x19200  }
0x254: {  	[tilespmem:s15], [sflag:$0x3] =	stream.indirect_vreg.gather [hbm4b:s31+s14], $0x80, v3, vm0, $0xb8;
	[tilespmem:$0x1C200] =	vst v63  }
0x255: {  	s16 =	simm.s32 $0x19A00  }
0x256: {  	[tilespmem:s16], [sflag:$0x3] =	stream.indirect_vreg.gather [hbm4b:s19+s14], $0x80, v3, vm0, $0xb8;
	[tilespmem:$0x1C200] =	vst v63  }
0x257: {  	s17 =	simm.s32 $0x1A200  }
0x258: {  	[tilespmem:s17], [sflag:$0x3] =	stream.indirect_vreg.gather [hbm4b:s0+s14], $0x80, v3, vm0, $0xb8;
	[tilespmem:$0x1C200] =	vst v63  }
0x259: {  	s18 =	simm.s32 $0x1AA00  }
0x25a: {  	[tilespmem:s18], [sflag:$0x3] =	stream.indirect_vreg.gather [hbm4b:s2+s14], $0x80, v3, vm0, $0xb8;
	[tilespmem:$0x1C200] =	vst v63  }
0x25b: {  	s20 =	simm.s32 $0x1B200  }
0x25c: {  	[tilespmem:s20], [sflag:$0x3] =	stream.indirect_vreg.gather [hbm4b:s4+s14], $0x80, v3, vm0, $0xb8;
	[tilespmem:$0x1C200] =	vst v63  }
0x25d: {  	s21 =	simm.s32 $0x1BA00  }
0x25e: {  	[tilespmem:s21], [sflag:$0x3] =	stream.indirect_vreg.gather [hbm4b:s5+s14], $0x80, v3, vm0, $0xb8;
	[tilespmem:$0x1C200] =	vst v63  }
0x25f: {  	_ =	swait.ge [sflag:s29], $0x8000  }
0x260: {  	[sflag:s29] =	ssyncset.done $0x0  }
0x261: {  	s22 =	simm.s32 $0x220;
	s24 =	simm.s32 $0x0;
	[sflag:s29] =	ssyncadd.s32 $0xFFFF8000  }
0x262: {  	s25 =	simm.s32 $0x0;
	s26 =	sand.u32 $0xF000, s14;
	s7 =	sand.u32 $0x4000, s24;
	v5 =	vld [tilespmem:s22+$0x10]  }
0x263: {  	s7 =	sadd.s32 $0x4200, s7;
	s16 =	sshrl.u32 s26, $0x2;
	s17 =	sand.u32 $0x3C00, s14;
	v6 =	vld [tilespmem:s22+$0xFFFFFFE0]  }
0x264: {  	s15 =	sand.u32 $0x380, s25;
	s16 =	sor.u32 s16, s7;
	s7 =	sor.u32 s17, s7;
	v3 =	vld [tilespmem:s22+$0xFFFFFFF0]  }
0x265: {  	s16 =	sadd.s32 s15, s16;
	s17 =	simm.s32 $0x0;
	s15 =	sadd.s32 s15, s7  }
0x266: {  	s24 =	sor.u32 $0x60, s15;
	s18 =	sor.u32 $0x40, s15;
	s25 =	sor.u32 $0x20, s15;
	v4 =	vld [tilespmem:s22+$0x0]  }
0x267: {  	s20 =	simm.s32 $0x260;
	s21 =	simm.s32 $0x0;
	s22 =	sor.u32 $0x50, s15;
	v7 =	vshll.u32 v5, $0x10;
	v5 =	vand.u32 $0xFFFF0000, v5  }
.LBB2_14:
0x268: {  	s17 =	sadd.s32 $0x4, s17;
	v8 =	vld [tilespmem:s20+$0x10];
	s14 =	sadd.s32 $0x1000, s14;
	s21 =	sadd.s32 $0x400, s21;
	v9 =	vmov v6  }
0x269: {  	s6 =	sshll.u32 s17, $0x5;
	s7 =	sshll.u32 s17, $0x1;
	p0 =	slt.u32 s17, $0x3FC;
	v6 =	vshll.u32 v3, $0x10;
	[tilespmem:s24+$0x0] =	vst.add.f32.msk $0xffff, v7;
	v7 =	vmov v3  }
0x26a: {  	s24 =	sand.u32 $0xF000, s14;
	v3 =	vshll.u32 v9, $0x10;
	s6 =	sand.u32 $0x4000, s6;
	[tilespmem:s25+$0x0] =	vst.add.f32.msk $0xffff, v6  }
0x26b: {  	s24 =	sshrl.u32 s24, $0x2;
	s25 =	sand.u32 $0x3C00, s21;
	s6 =	sadd.s32 $0x4200, s6;
	[tilespmem:s16+$0x0] =	vst.add.f32.msk $0xffff, v3;
	v3 =	vshll.u32 v4, $0x10  }
0x26c: {  	s7 =	sand.u32 $0x380, s7;
	v4 =	vand.u32 $0xFFFF0000, v4;
	s24 =	sor.u32 s24, s6;
	s6 =	sor.u32 s25, s6;
	[tilespmem:s18+$0x0] =	vst.add.f32.msk $0xffff, v3  }
0x26d: {  	s26 =	sadd.s32 s7, s24;
	s6 =	sadd.s32 s7, s6;
	[tilespmem:s22+$0x0] =	vst.add.f32.msk $0xffff, v4;
	s7 =	sor.u32 $0x70, s15  }
0x26e: {  	[tilespmem:s7+$0x0] =	vst.add.f32.msk $0xffff, v5  }
.Ltmp6:
0x26f: {  	s24 =	sor.u32 $0x60, s6;
	v6 =	vld [tilespmem:s20+$0xFFFFFFE0];
	(pc) =	sbr.rel @p0 .LBB2_14-.Ltmp6, $4  }
0x270: {  	s18 =	sor.u32 $0x40, s6;
	s7 =	sor.u32 $0x30, s15;
	s15 =	smov.u32 s6;
	v3 =	vld [tilespmem:s20+$0xFFFFFFF0]  }
0x271: {  	v5 =	vand.u32 $0xFFFF0000, v9;
	s6 =	sor.u32 $0x10, s16;
	v9 =	vand.u32 $0xFFFF0000, v7;
	s25 =	sor.u32 $0x20, s15;
	s22 =	sor.u32 $0x50, s15;
	v4 =	vld [tilespmem:s20+$0x0]  }
0x272: {  	s16 =	smov.u32 s26;
	[tilespmem:s6+$0x0] =	vst.add.f32.msk $0xffff, v5  }
0x273: {  	v7 =	vshll.u32 v8, $0x10;
	s20 =	sadd.s32 $0x40, s20;
	v5 =	vand.u32 $0xFFFF0000, v8;
	[tilespmem:s7+$0x0] =	vst.add.f32.msk $0xffff, v9  }
0x274: {  	[tilespmem:s24+$0x0] =	vst.add.f32.msk $0xffff, v7;
	v7 =	vshll.u32 v6, $0x10  }
0x275: {  	s6 =	sor.u32 $0x70, s15;
	[tilespmem:s16+$0x0] =	vst.add.f32.msk $0xffff, v7  }
0x276: {  	v8 =	vshll.u32 v3, $0x10;
	[tilespmem:s6+$0x0] =	vst.add.f32.msk $0xffff, v5  }
0x277: {  	[tilespmem:s25+$0x0] =	vst.add.f32.msk $0xffff, v8;
	v7 =	vshll.u32 v4, $0x10  }
0x278: {  	s7 =	sor.u32 $0x30, s15;
	v3 =	vand.u32 $0xFFFF0000, v3;
	[tilespmem:s18+$0x0] =	vst.add.f32.msk $0xffff, v7  }
0x279: {  	v4 =	vand.u32 $0xFFFF0000, v4;
	[tilespmem:s7+$0x0] =	vst.add.f32.msk $0xffff, v3  }
0x27a: {  	s17 =	sor.u32 $0x10, s16;
	[tilespmem:s22+$0x0] =	vst.add.f32.msk $0xffff, v4;
	v4 =	vand.u32 $0xFFFF0000, v6  }
0x27b: {  	[tilespmem:s17+$0x0] =	vst.add.f32.msk $0xffff, v4  }
0x27c: {  	s14 =	simm.s32 $0x0;
	s6 =	rddreg [dreg:$0x10]  }
0x27d: {  	[hbm4b:s6+s14] =	stream.linear.scatter [tilespmem:s8], [sflag:$0x4], $0x8000, $0x38;
	[tilespmem:$0x1C200] =	vst v63  }
0x27e: {  	_ =	swait.ge [sflag:s3], $0x8000  }
0x27f: {  	[sflag:s3] =	ssyncset.done $0x0  }
0x280: {  	[sflag:s3] =	ssyncadd.s32 $0xFFFF8000  }
0x281: {  	v3 =	vld [tilespmem:$0xA0];
	_ =	sdelay $0x4  }
0x282: {  	v4 =	vshll.u32 v3, $0x4  }
0x283: {  	v3 =	vand.u32 $0x7, v3;
	v4 =	vand.u32 $0xFFFFFF80, v4  }
0x284: {  	v3 =	vor.u32 v3, v4  }
0x285: {  	v4 =	vperm.xlane v3, v0;
	_ =	sdelay $0x1  }
0x286: {  	v4 =	vadd.s32 v1, v4;
	_ =	sdelay $0x4  }
0x287: {  	[tilespmem:s8], [sflag:$0x1] =	stream.indirect_vreg.gather [hbm4b:s23+s14], $0x80, v4, vm0, $0xb8;
	[tilespmem:$0x1C200] =	vst v63  }
0x288: {  	s18 =	simm.s32 $0x4A00  }
0x289: {  	[tilespmem:s18], [sflag:$0x1] =	stream.indirect_vreg.gather [hbm4b:s30+s14], $0x80, v4, vm0, $0xb8;
	[tilespmem:$0x1C200] =	vst v63  }
0x28a: {  	s20 =	simm.s32 $0x5200  }
0x28b: {  	[tilespmem:s20], [sflag:$0x1] =	stream.indirect_vreg.gather [hbm4b:s31+s14], $0x80, v4, vm0, $0xb8;
	[tilespmem:$0x1C200] =	vst v63  }
0x28c: {  	s21 =	simm.s32 $0x5A00  }
0x28d: {  	[tilespmem:s21], [sflag:$0x1] =	stream.indirect_vreg.gather [hbm4b:s19+s14], $0x80, v4, vm0, $0xb8;
	[tilespmem:$0x1C200] =	vst v63  }
0x28e: {  	s22 =	simm.s32 $0x6200  }
0x28f: {  	[tilespmem:s22], [sflag:$0x1] =	stream.indirect_vreg.gather [hbm4b:s0+s14], $0x80, v4, vm0, $0xb8;
	[tilespmem:$0x1C200] =	vst v63  }
0x290: {  	s24 =	simm.s32 $0x6A00;
	v3 =	vperm.xlane v3, v2  }
0x291: {  	[tilespmem:s24], [sflag:$0x1] =	stream.indirect_vreg.gather [hbm4b:s2+s14], $0x80, v4, vm0, $0xb8;
	[tilespmem:$0x1C200] =	vst v63  }
0x292: {  	s25 =	simm.s32 $0x7200;
	v3 =	vadd.s32 v1, v3  }
0x293: {  	[tilespmem:s25], [sflag:$0x1] =	stream.indirect_vreg.gather [hbm4b:s4+s14], $0x80, v4, vm0, $0xb8;
	[tilespmem:$0x1C200] =	vst v63  }
0x294: {  	s26 =	simm.s32 $0x7A00  }
0x295: {  	[tilespmem:s26], [sflag:$0x1] =	stream.indirect_vreg.gather [hbm4b:s5+s14], $0x80, v4, vm0, $0xb8;
	[tilespmem:$0x1C200] =	vst v63  }
0x296: {  	s7 =	simm.s32 $0x8200  }
0x297: {  	[tilespmem:s7], [sflag:$0x1] =	stream.indirect_vreg.gather [hbm4b:s23+s14], $0x80, v3, vm0, $0xb8;
	[tilespmem:$0x1C200] =	vst v63  }
0x298: {  	s8 =	simm.s32 $0x8A00  }
0x299: {  	[tilespmem:s8], [sflag:$0x1] =	stream.indirect_vreg.gather [hbm4b:s30+s14], $0x80, v3, vm0, $0xb8;
	[tilespmem:$0x1C200] =	vst v63  }
0x29a: {  	s15 =	simm.s32 $0x9200  }
0x29b: {  	[tilespmem:s15], [sflag:$0x1] =	stream.indirect_vreg.gather [hbm4b:s31+s14], $0x80, v3, vm0, $0xb8;
	[tilespmem:$0x1C200] =	vst v63  }
0x29c: {  	s16 =	simm.s32 $0x9A00  }
0x29d: {  	[tilespmem:s16], [sflag:$0x1] =	stream.indirect_vreg.gather [hbm4b:s19+s14], $0x80, v3, vm0, $0xb8;
	[tilespmem:$0x1C200] =	vst v63  }
0x29e: {  	s17 =	simm.s32 $0xA200  }
0x29f: {  	[tilespmem:s17], [sflag:$0x1] =	stream.indirect_vreg.gather [hbm4b:s0+s14], $0x80, v3, vm0, $0xb8;
	[tilespmem:$0x1C200] =	vst v63  }
0x2a0: {  	s18 =	simm.s32 $0xAA00  }
0x2a1: {  	[tilespmem:s18], [sflag:$0x1] =	stream.indirect_vreg.gather [hbm4b:s2+s14], $0x80, v3, vm0, $0xb8;
	[tilespmem:$0x1C200] =	vst v63  }
0x2a2: {  	s20 =	simm.s32 $0xB200  }
0x2a3: {  	[tilespmem:s20], [sflag:$0x1] =	stream.indirect_vreg.gather [hbm4b:s4+s14], $0x80, v3, vm0, $0xb8;
	[tilespmem:$0x1C200] =	vst v63  }
0x2a4: {  	s21 =	simm.s32 $0xBA00  }
0x2a5: {  	[tilespmem:s21], [sflag:$0x1] =	stream.indirect_vreg.gather [hbm4b:s5+s14], $0x80, v3, vm0, $0xb8;
	[tilespmem:$0x1C200] =	vst v63  }
0x2a6: {  	_ =	swait.ge [sflag:s9], $0x8000  }
0x2a7: {  	[sflag:s9] =	ssyncset.done $0x0  }
0x2a8: {  	s22 =	simm.s32 $0x220;
	s24 =	simm.s32 $0x0;
	[sflag:s9] =	ssyncadd.s32 $0xFFFF8000  }
0x2a9: {  	s25 =	simm.s32 $0x0;
	s26 =	sand.u32 $0xF000, s14;
	s7 =	sand.u32 $0x4000, s24;
	v5 =	vld [tilespmem:s22+$0x10]  }
0x2aa: {  	s7 =	sadd.s32 $0xC200, s7;
	s16 =	sshrl.u32 s26, $0x2;
	s17 =	sand.u32 $0x3C00, s14;
	v6 =	vld [tilespmem:s22+$0xFFFFFFE0]  }
0x2ab: {  	s15 =	sand.u32 $0x380, s25;
	s16 =	sor.u32 s16, s7;
	s7 =	sor.u32 s17, s7;
	v3 =	vld [tilespmem:s22+$0xFFFFFFF0]  }
0x2ac: {  	s16 =	sadd.s32 s15, s16;
	s17 =	simm.s32 $0x0;
	s15 =	sadd.s32 s15, s7  }
0x2ad: {  	s24 =	sor.u32 $0x60, s15;
	s18 =	sor.u32 $0x40, s15;
	s25 =	sor.u32 $0x20, s15;
	v4 =	vld [tilespmem:s22+$0x0]  }
0x2ae: {  	s20 =	simm.s32 $0x260;
	s21 =	simm.s32 $0x0;
	s22 =	sor.u32 $0x50, s15;
	v7 =	vshll.u32 v5, $0x10;
	v5 =	vand.u32 $0xFFFF0000, v5  }
.LBB2_16:
0x2af: {  	s17 =	sadd.s32 $0x4, s17;
	v8 =	vld [tilespmem:s20+$0x10];
	s14 =	sadd.s32 $0x1000, s14;
	s21 =	sadd.s32 $0x400, s21;
	v9 =	vmov v6  }
0x2b0: {  	s6 =	sshll.u32 s17, $0x5;
	s7 =	sshll.u32 s17, $0x1;
	p0 =	slt.u32 s17, $0x3FC;
	v6 =	vshll.u32 v3, $0x10;
	[tilespmem:s24+$0x0] =	vst.add.f32.msk $0xffff, v7;
	v7 =	vmov v3  }
0x2b1: {  	s24 =	sand.u32 $0xF000, s14;
	v3 =	vshll.u32 v9, $0x10;
	s6 =	sand.u32 $0x4000, s6;
	[tilespmem:s25+$0x0] =	vst.add.f32.msk $0xffff, v6  }
0x2b2: {  	s24 =	sshrl.u32 s24, $0x2;
	s25 =	sand.u32 $0x3C00, s21;
	s6 =	sadd.s32 $0xC200, s6;
	[tilespmem:s16+$0x0] =	vst.add.f32.msk $0xffff, v3;
	v3 =	vshll.u32 v4, $0x10  }
0x2b3: {  	s7 =	sand.u32 $0x380, s7;
	v4 =	vand.u32 $0xFFFF0000, v4;
	s24 =	sor.u32 s24, s6;
	s6 =	sor.u32 s25, s6;
	[tilespmem:s18+$0x0] =	vst.add.f32.msk $0xffff, v3  }
0x2b4: {  	s26 =	sadd.s32 s7, s24;
	s6 =	sadd.s32 s7, s6;
	[tilespmem:s22+$0x0] =	vst.add.f32.msk $0xffff, v4;
	s7 =	sor.u32 $0x70, s15  }
0x2b5: {  	[tilespmem:s7+$0x0] =	vst.add.f32.msk $0xffff, v5  }
.Ltmp7:
0x2b6: {  	s24 =	sor.u32 $0x60, s6;
	v6 =	vld [tilespmem:s20+$0xFFFFFFE0];
	(pc) =	sbr.rel @p0 .LBB2_16-.Ltmp7, $4  }
0x2b7: {  	s18 =	sor.u32 $0x40, s6;
	s7 =	sor.u32 $0x30, s15;
	s15 =	smov.u32 s6;
	v3 =	vld [tilespmem:s20+$0xFFFFFFF0]  }
0x2b8: {  	v5 =	vand.u32 $0xFFFF0000, v9;
	s6 =	sor.u32 $0x10, s16;
	v9 =	vand.u32 $0xFFFF0000, v7;
	s25 =	sor.u32 $0x20, s15;
	s22 =	sor.u32 $0x50, s15;
	v4 =	vld [tilespmem:s20+$0x0]  }
0x2b9: {  	s16 =	smov.u32 s26;
	[tilespmem:s6+$0x0] =	vst.add.f32.msk $0xffff, v5  }
0x2ba: {  	v7 =	vshll.u32 v8, $0x10;
	s20 =	sadd.s32 $0x40, s20;
	v5 =	vand.u32 $0xFFFF0000, v8;
	[tilespmem:s7+$0x0] =	vst.add.f32.msk $0xffff, v9  }
0x2bb: {  	[tilespmem:s24+$0x0] =	vst.add.f32.msk $0xffff, v7;
	v7 =	vshll.u32 v6, $0x10  }
0x2bc: {  	s6 =	sor.u32 $0x70, s15;
	[tilespmem:s16+$0x0] =	vst.add.f32.msk $0xffff, v7  }
0x2bd: {  	v8 =	vshll.u32 v3, $0x10;
	[tilespmem:s6+$0x0] =	vst.add.f32.msk $0xffff, v5  }
0x2be: {  	[tilespmem:s25+$0x0] =	vst.add.f32.msk $0xffff, v8;
	v7 =	vshll.u32 v4, $0x10  }
0x2bf: {  	s7 =	sor.u32 $0x30, s15;
	v3 =	vand.u32 $0xFFFF0000, v3;
	[tilespmem:s18+$0x0] =	vst.add.f32.msk $0xffff, v7  }
0x2c0: {  	v4 =	vand.u32 $0xFFFF0000, v4;
	[tilespmem:s7+$0x0] =	vst.add.f32.msk $0xffff, v3  }
0x2c1: {  	s14 =	sor.u32 $0x10, s16;
	[tilespmem:s22+$0x0] =	vst.add.f32.msk $0xffff, v4;
	v4 =	vand.u32 $0xFFFF0000, v6  }
0x2c2: {  	[tilespmem:s14+$0x0] =	vst.add.f32.msk $0xffff, v4  }
0x2c3: {  	s8 =	simm.s32 $0xC200;
	s14 =	simm.s32 $0x0;
	s6 =	rddreg [dreg:$0x11]  }
0x2c4: {  	[hbm4b:s6+s14] =	stream.linear.scatter [tilespmem:s8], [sflag:$0x5], $0x8000, $0x38;
	[tilespmem:$0x1C200] =	vst v63  }
0x2c5: {  	s16 =	simm.s32 $0x200;
	s15 =	rddreg [dreg:$0x12]  }
0x2c6: {  	[tilespmem:s16], [sflag:$0x7] =	stream.linear.gather [hbm4b:s15+s14], $0x4000, $0x38;
	[tilespmem:$0x1C200] =	vst v63  }
0x2c7: {  	_ =	swait.ge [sflag:s10], $0x8000  }
0x2c8: {  	[sflag:s10] =	ssyncset.done $0x0  }
0x2c9: {  	[sflag:s10] =	ssyncadd.s32 $0xFFFF8000  }
0x2ca: {  	v3 =	vld [tilespmem:$0x120];
	_ =	sdelay $0x4  }
0x2cb: {  	v4 =	vshll.u32 v3, $0x4  }
0x2cc: {  	v3 =	vand.u32 $0x7, v3;
	v4 =	vand.u32 $0xFFFFFF80, v4  }
0x2cd: {  	v3 =	vor.u32 v3, v4  }
0x2ce: {  	v4 =	vperm.xlane v3, v0;
	_ =	sdelay $0x1  }
0x2cf: {  	v4 =	vadd.s32 v1, v4;
	_ =	sdelay $0x4  }
0x2d0: {  	[tilespmem:s8], [sflag:$0x2] =	stream.indirect_vreg.gather [hbm4b:s23+s14], $0x80, v4, vm0, $0xb8;
	[tilespmem:$0x1C200] =	vst v63  }
0x2d1: {  	s17 =	simm.s32 $0xCA00  }
0x2d2: {  	[tilespmem:s17], [sflag:$0x2] =	stream.indirect_vreg.gather [hbm4b:s30+s14], $0x80, v4, vm0, $0xb8;
	[tilespmem:$0x1C200] =	vst v63  }
0x2d3: {  	s18 =	simm.s32 $0xD200  }
0x2d4: {  	[tilespmem:s18], [sflag:$0x2] =	stream.indirect_vreg.gather [hbm4b:s31+s14], $0x80, v4, vm0, $0xb8;
	[tilespmem:$0x1C200] =	vst v63  }
0x2d5: {  	s20 =	simm.s32 $0xDA00  }
0x2d6: {  	[tilespmem:s20], [sflag:$0x2] =	stream.indirect_vreg.gather [hbm4b:s19+s14], $0x80, v4, vm0, $0xb8;
	[tilespmem:$0x1C200] =	vst v63  }
0x2d7: {  	s21 =	simm.s32 $0xE200  }
0x2d8: {  	[tilespmem:s21], [sflag:$0x2] =	stream.indirect_vreg.gather [hbm4b:s0+s14], $0x80, v4, vm0, $0xb8;
	[tilespmem:$0x1C200] =	vst v63  }
0x2d9: {  	s22 =	simm.s32 $0xEA00;
	v3 =	vperm.xlane v3, v2  }
0x2da: {  	[tilespmem:s22], [sflag:$0x2] =	stream.indirect_vreg.gather [hbm4b:s2+s14], $0x80, v4, vm0, $0xb8;
	[tilespmem:$0x1C200] =	vst v63  }
0x2db: {  	s24 =	simm.s32 $0xF200;
	v3 =	vadd.s32 v1, v3  }
0x2dc: {  	[tilespmem:s24], [sflag:$0x2] =	stream.indirect_vreg.gather [hbm4b:s4+s14], $0x80, v4, vm0, $0xb8;
	[tilespmem:$0x1C200] =	vst v63  }
0x2dd: {  	s25 =	simm.s32 $0xFA00  }
0x2de: {  	[tilespmem:s25], [sflag:$0x2] =	stream.indirect_vreg.gather [hbm4b:s5+s14], $0x80, v4, vm0, $0xb8;
	[tilespmem:$0x1C200] =	vst v63  }
0x2df: {  	s26 =	simm.s32 $0x10200  }
0x2e0: {  	[tilespmem:s26], [sflag:$0x2] =	stream.indirect_vreg.gather [hbm4b:s23+s14], $0x80, v3, vm0, $0xb8;
	[tilespmem:$0x1C200] =	vst v63  }
0x2e1: {  	s7 =	simm.s32 $0x10A00  }
0x2e2: {  	[tilespmem:s7], [sflag:$0x2] =	stream.indirect_vreg.gather [hbm4b:s30+s14], $0x80, v3, vm0, $0xb8;
	[tilespmem:$0x1C200] =	vst v63  }
0x2e3: {  	s8 =	simm.s32 $0x11200  }
0x2e4: {  	[tilespmem:s8], [sflag:$0x2] =	stream.indirect_vreg.gather [hbm4b:s31+s14], $0x80, v3, vm0, $0xb8;
	[tilespmem:$0x1C200] =	vst v63  }
0x2e5: {  	s15 =	simm.s32 $0x11A00  }
0x2e6: {  	[tilespmem:s15], [sflag:$0x2] =	stream.indirect_vreg.gather [hbm4b:s19+s14], $0x80, v3, vm0, $0xb8;
	[tilespmem:$0x1C200] =	vst v63  }
0x2e7: {  	s16 =	simm.s32 $0x12200  }
0x2e8: {  	[tilespmem:s16], [sflag:$0x2] =	stream.indirect_vreg.gather [hbm4b:s0+s14], $0x80, v3, vm0, $0xb8;
	[tilespmem:$0x1C200] =	vst v63  }
0x2e9: {  	s17 =	simm.s32 $0x12A00  }
0x2ea: {  	[tilespmem:s17], [sflag:$0x2] =	stream.indirect_vreg.gather [hbm4b:s2+s14], $0x80, v3, vm0, $0xb8;
	[tilespmem:$0x1C200] =	vst v63  }
0x2eb: {  	s18 =	simm.s32 $0x13200  }
0x2ec: {  	[tilespmem:s18], [sflag:$0x2] =	stream.indirect_vreg.gather [hbm4b:s4+s14], $0x80, v3, vm0, $0xb8;
	[tilespmem:$0x1C200] =	vst v63  }
0x2ed: {  	s20 =	simm.s32 $0x13A00;
	s21 =	simm.s32 $0x7  }
0x2ee: {  	[tilespmem:s20], [sflag:$0x2] =	stream.indirect_vreg.gather [hbm4b:s5+s14], $0x80, v3, vm0, $0xb8;
	[tilespmem:$0x1C200] =	vst v63  }
0x2ef: {  	_ =	swait.ge [sflag:s21], $0x4000  }
0x2f0: {  	[sflag:s21] =	ssyncset.done $0x0  }
0x2f1: {  	[sflag:s21] =	ssyncadd.s32 $0xFFFFC000  }
0x2f2: {  	_ =	swait.ge [sflag:s11], $0x8000  }
0x2f3: {  	[sflag:s11] =	ssyncset.done $0x0  }
0x2f4: {  	s22 =	simm.s32 $0x220;
	s24 =	simm.s32 $0x0;
	[sflag:s11] =	ssyncadd.s32 $0xFFFF8000  }
0x2f5: {  	s25 =	simm.s32 $0x0;
	s26 =	sand.u32 $0xF000, s14;
	s7 =	sand.u32 $0x4000, s24;
	v5 =	vld [tilespmem:s22+$0x10]  }
0x2f6: {  	s7 =	sadd.s32 $0x14200, s7;
	s16 =	sshrl.u32 s26, $0x2;
	s17 =	sand.u32 $0x3C00, s14;
	v6 =	vld [tilespmem:s22+$0xFFFFFFE0]  }
0x2f7: {  	s15 =	sand.u32 $0x380, s25;
	s16 =	sor.u32 s16, s7;
	s7 =	sor.u32 s17, s7;
	v3 =	vld [tilespmem:s22+$0xFFFFFFF0]  }
0x2f8: {  	s16 =	sadd.s32 s15, s16;
	s17 =	simm.s32 $0x0;
	s15 =	sadd.s32 s15, s7  }
0x2f9: {  	s24 =	sor.u32 $0x60, s15;
	s18 =	sor.u32 $0x40, s15;
	s25 =	sor.u32 $0x20, s15;
	v4 =	vld [tilespmem:s22+$0x0]  }
0x2fa: {  	s20 =	simm.s32 $0x260;
	s21 =	simm.s32 $0x0;
	s22 =	sor.u32 $0x50, s15;
	v7 =	vshll.u32 v5, $0x10;
	v5 =	vand.u32 $0xFFFF0000, v5  }
.LBB2_18:
0x2fb: {  	s17 =	sadd.s32 $0x4, s17;
	v8 =	vld [tilespmem:s20+$0x10];
	s14 =	sadd.s32 $0x1000, s14;
	s21 =	sadd.s32 $0x400, s21;
	v9 =	vmov v6  }
0x2fc: {  	s6 =	sshll.u32 s17, $0x5;
	s7 =	sshll.u32 s17, $0x1;
	p0 =	slt.u32 s17, $0x3FC;
	v6 =	vshll.u32 v3, $0x10;
	[tilespmem:s24+$0x0] =	vst.add.f32.msk $0xffff, v7;
	v7 =	vmov v3  }
0x2fd: {  	s24 =	sand.u32 $0xF000, s14;
	v3 =	vshll.u32 v9, $0x10;
	s6 =	sand.u32 $0x4000, s6;
	[tilespmem:s25+$0x0] =	vst.add.f32.msk $0xffff, v6  }
0x2fe: {  	s24 =	sshrl.u32 s24, $0x2;
	s25 =	sand.u32 $0x3C00, s21;
	s6 =	sadd.s32 $0x14200, s6;
	[tilespmem:s16+$0x0] =	vst.add.f32.msk $0xffff, v3;
	v3 =	vshll.u32 v4, $0x10  }
0x2ff: {  	s7 =	sand.u32 $0x380, s7;
	v4 =	vand.u32 $0xFFFF0000, v4;
	s24 =	sor.u32 s24, s6;
	s6 =	sor.u32 s25, s6;
	[tilespmem:s18+$0x0] =	vst.add.f32.msk $0xffff, v3  }
0x300: {  	s26 =	sadd.s32 s7, s24;
	s6 =	sadd.s32 s7, s6;
	[tilespmem:s22+$0x0] =	vst.add.f32.msk $0xffff, v4;
	s7 =	sor.u32 $0x70, s15  }
0x301: {  	[tilespmem:s7+$0x0] =	vst.add.f32.msk $0xffff, v5  }
.Ltmp8:
0x302: {  	s24 =	sor.u32 $0x60, s6;
	v6 =	vld [tilespmem:s20+$0xFFFFFFE0];
	(pc) =	sbr.rel @p0 .LBB2_18-.Ltmp8, $4  }
0x303: {  	s18 =	sor.u32 $0x40, s6;
	s7 =	sor.u32 $0x30, s15;
	s15 =	smov.u32 s6;
	v3 =	vld [tilespmem:s20+$0xFFFFFFF0]  }
0x304: {  	v5 =	vand.u32 $0xFFFF0000, v9;
	s6 =	sor.u32 $0x10, s16;
	v9 =	vand.u32 $0xFFFF0000, v7;
	s25 =	sor.u32 $0x20, s15;
	s22 =	sor.u32 $0x50, s15;
	v4 =	vld [tilespmem:s20+$0x0]  }
0x305: {  	s16 =	smov.u32 s26;
	[tilespmem:s6+$0x0] =	vst.add.f32.msk $0xffff, v5  }
0x306: {  	v7 =	vshll.u32 v8, $0x10;
	s20 =	sadd.s32 $0x40, s20;
	v5 =	vand.u32 $0xFFFF0000, v8;
	[tilespmem:s7+$0x0] =	vst.add.f32.msk $0xffff, v9  }
0x307: {  	[tilespmem:s24+$0x0] =	vst.add.f32.msk $0xffff, v7;
	v7 =	vshll.u32 v6, $0x10  }
0x308: {  	s6 =	sor.u32 $0x70, s15;
	[tilespmem:s16+$0x0] =	vst.add.f32.msk $0xffff, v7  }
0x309: {  	v8 =	vshll.u32 v3, $0x10;
	[tilespmem:s6+$0x0] =	vst.add.f32.msk $0xffff, v5  }
0x30a: {  	[tilespmem:s25+$0x0] =	vst.add.f32.msk $0xffff, v8;
	v7 =	vshll.u32 v4, $0x10  }
0x30b: {  	s7 =	sor.u32 $0x30, s15;
	v3 =	vand.u32 $0xFFFF0000, v3;
	[tilespmem:s18+$0x0] =	vst.add.f32.msk $0xffff, v7  }
0x30c: {  	v4 =	vand.u32 $0xFFFF0000, v4;
	[tilespmem:s7+$0x0] =	vst.add.f32.msk $0xffff, v3  }
0x30d: {  	s21 =	sor.u32 $0x10, s16;
	[tilespmem:s22+$0x0] =	vst.add.f32.msk $0xffff, v4;
	v4 =	vand.u32 $0xFFFF0000, v6  }
0x30e: {  	[tilespmem:s21+$0x0] =	vst.add.f32.msk $0xffff, v4  }
0x30f: {  	s14 =	simm.s32 $0x0;
	s22 =	simm.s32 $0x14200;
	s6 =	rddreg [dreg:$0x13]  }
0x310: {  	[hbm4b:s6+s14] =	stream.linear.scatter [tilespmem:s22], [sflag:$0x6], $0x8000, $0x38;
	[tilespmem:$0x1C200] =	vst v63  }
0x311: {  	_ =	swait.ge [sflag:s12], $0x8000  }
0x312: {  	[sflag:s12] =	ssyncset.done $0x0  }
0x313: {  	[sflag:s12] =	ssyncadd.s32 $0xFFFF8000  }
0x314: {  	v3 =	vld [tilespmem:$0x1A0];
	_ =	sdelay $0x4  }
0x315: {  	v4 =	vshll.u32 v3, $0x4  }
0x316: {  	v3 =	vand.u32 $0x7, v3;
	v4 =	vand.u32 $0xFFFFFF80, v4  }
0x317: {  	v3 =	vor.u32 v3, v4  }
0x318: {  	v4 =	vperm.xlane v3, v0;
	_ =	sdelay $0x1  }
0x319: {  	v4 =	vadd.s32 v1, v4;
	_ =	sdelay $0x4  }
0x31a: {  	[tilespmem:s22], [sflag:$0x3] =	stream.indirect_vreg.gather [hbm4b:s23+s14], $0x80, v4, vm0, $0xb8;
	[tilespmem:$0x1C200] =	vst v63  }
0x31b: {  	_ = 	snop  }
0x31c: {  	[tilespmem:s28], [sflag:$0x3] =	stream.indirect_vreg.gather [hbm4b:s30+s14], $0x80, v4, vm0, $0xb8;
	[tilespmem:$0x1C200] =	vst v63  }
0x31d: {  	_ = 	snop  }
0x31e: {  	[tilespmem:s13], [sflag:$0x3] =	stream.indirect_vreg.gather [hbm4b:s31+s14], $0x80, v4, vm0, $0xb8;
	[tilespmem:$0x1C200] =	vst v63  }
0x31f: {  	s24 =	simm.s32 $0x15A00  }
0x320: {  	[tilespmem:s24], [sflag:$0x3] =	stream.indirect_vreg.gather [hbm4b:s19+s14], $0x80, v4, vm0, $0xb8;
	[tilespmem:$0x1C200] =	vst v63  }
0x321: {  	s25 =	simm.s32 $0x16200  }
0x322: {  	[tilespmem:s25], [sflag:$0x3] =	stream.indirect_vreg.gather [hbm4b:s0+s14], $0x80, v4, vm0, $0xb8;
	[tilespmem:$0x1C200] =	vst v63  }
0x323: {  	s26 =	simm.s32 $0x16A00;
	v3 =	vperm.xlane v3, v2  }
0x324: {  	[tilespmem:s26], [sflag:$0x3] =	stream.indirect_vreg.gather [hbm4b:s2+s14], $0x80, v4, vm0, $0xb8;
	[tilespmem:$0x1C200] =	vst v63  }
0x325: {  	v3 =	vadd.s32 v1, v3;
	s28 =	simm.s32 $0x17200  }
0x326: {  	[tilespmem:s28], [sflag:$0x3] =	stream.indirect_vreg.gather [hbm4b:s4+s14], $0x80, v4, vm0, $0xb8;
	[tilespmem:$0x1C200] =	vst v63  }
0x327: {  	s7 =	simm.s32 $0x17A00  }
0x328: {  	[tilespmem:s7], [sflag:$0x3] =	stream.indirect_vreg.gather [hbm4b:s5+s14], $0x80, v4, vm0, $0xb8;
	[tilespmem:$0x1C200] =	vst v63  }
0x329: {  	s8 =	simm.s32 $0x18200  }
0x32a: {  	[tilespmem:s8], [sflag:$0x3] =	stream.indirect_vreg.gather [hbm4b:s23+s14], $0x80, v3, vm0, $0xb8;
	[tilespmem:$0x1C200] =	vst v63  }
0x32b: {  	s13 =	simm.s32 $0x18A00  }
0x32c: {  	[tilespmem:s13], [sflag:$0x3] =	stream.indirect_vreg.gather [hbm4b:s30+s14], $0x80, v3, vm0, $0xb8;
	[tilespmem:$0x1C200] =	vst v63  }
0x32d: {  	s15 =	simm.s32 $0x19200  }
0x32e: {  	[tilespmem:s15], [sflag:$0x3] =	stream.indirect_vreg.gather [hbm4b:s31+s14], $0x80, v3, vm0, $0xb8;
	[tilespmem:$0x1C200] =	vst v63  }
0x32f: {  	s16 =	simm.s32 $0x19A00  }
0x330: {  	[tilespmem:s16], [sflag:$0x3] =	stream.indirect_vreg.gather [hbm4b:s19+s14], $0x80, v3, vm0, $0xb8;
	[tilespmem:$0x1C200] =	vst v63  }
0x331: {  	s17 =	simm.s32 $0x1A200  }
0x332: {  	[tilespmem:s17], [sflag:$0x3] =	stream.indirect_vreg.gather [hbm4b:s0+s14], $0x80, v3, vm0, $0xb8;
	[tilespmem:$0x1C200] =	vst v63  }
0x333: {  	s18 =	simm.s32 $0x1AA00  }
0x334: {  	[tilespmem:s18], [sflag:$0x3] =	stream.indirect_vreg.gather [hbm4b:s2+s14], $0x80, v3, vm0, $0xb8;
	[tilespmem:$0x1C200] =	vst v63  }
0x335: {  	s20 =	simm.s32 $0x1B200  }
0x336: {  	[tilespmem:s20], [sflag:$0x3] =	stream.indirect_vreg.gather [hbm4b:s4+s14], $0x80, v3, vm0, $0xb8;
	[tilespmem:$0x1C200] =	vst v63  }
0x337: {  	s21 =	simm.s32 $0x1BA00  }
0x338: {  	[tilespmem:s21], [sflag:$0x3] =	stream.indirect_vreg.gather [hbm4b:s5+s14], $0x80, v3, vm0, $0xb8;
	[tilespmem:$0x1C200] =	vst v63  }
0x339: {  	_ =	swait.ge [sflag:s29], $0x8000  }
0x33a: {  	s25 =	simm.s32 $0x0;
	[sflag:s29] =	ssyncset.done $0x0  }
0x33b: {  	s22 =	simm.s32 $0x220;
	s7 =	sand.u32 $0x4000, s25;
	[sflag:s29] =	ssyncadd.s32 $0xFFFF8000  }
0x33c: {  	s26 =	simm.s32 $0x0;
	s28 =	sand.u32 $0xF000, s14;
	s7 =	sadd.s32 $0x4200, s7;
	v5 =	vld [tilespmem:s22+$0x10]  }
0x33d: {  	s8 =	simm.s32 $0x4200;
	s16 =	sshrl.u32 s28, $0x2;
	s17 =	sand.u32 $0x3C00, s14;
	v6 =	vld [tilespmem:s22+$0xFFFFFFE0]  }
0x33e: {  	s15 =	sand.u32 $0x380, s26;
	s16 =	sor.u32 s16, s7;
	s7 =	sor.u32 s17, s7;
	v3 =	vld [tilespmem:s22+$0xFFFFFFF0]  }
0x33f: {  	s16 =	sadd.s32 s15, s16;
	s17 =	simm.s32 $0x0;
	s15 =	sadd.s32 s15, s7  }
0x340: {  	s24 =	sor.u32 $0x60, s15;
	s18 =	sor.u32 $0x40, s15;
	s25 =	sor.u32 $0x20, s15;
	v4 =	vld [tilespmem:s22+$0x0]  }
0x341: {  	s20 =	simm.s32 $0x260;
	s21 =	simm.s32 $0x0;
	s22 =	sor.u32 $0x50, s15;
	v7 =	vshll.u32 v5, $0x10;
	v5 =	vand.u32 $0xFFFF0000, v5  }
.LBB2_20:
0x342: {  	s17 =	sadd.s32 $0x4, s17;
	v8 =	vld [tilespmem:s20+$0x10];
	s14 =	sadd.s32 $0x1000, s14;
	s21 =	sadd.s32 $0x400, s21;
	v9 =	vmov v6  }
0x343: {  	s6 =	sshll.u32 s17, $0x5;
	s7 =	sshll.u32 s17, $0x1;
	p0 =	slt.u32 s17, $0x3FC;
	v6 =	vshll.u32 v3, $0x10;
	[tilespmem:s24+$0x0] =	vst.add.f32.msk $0xffff, v7;
	v7 =	vmov v3  }
0x344: {  	s24 =	sand.u32 $0xF000, s14;
	v3 =	vshll.u32 v9, $0x10;
	s6 =	sand.u32 $0x4000, s6;
	[tilespmem:s25+$0x0] =	vst.add.f32.msk $0xffff, v6  }
0x345: {  	s24 =	sshrl.u32 s24, $0x2;
	s25 =	sand.u32 $0x3C00, s21;
	s6 =	sadd.s32 $0x4200, s6;
	[tilespmem:s16+$0x0] =	vst.add.f32.msk $0xffff, v3;
	v3 =	vshll.u32 v4, $0x10  }
0x346: {  	s7 =	sand.u32 $0x380, s7;
	v4 =	vand.u32 $0xFFFF0000, v4;
	s24 =	sor.u32 s24, s6;
	s6 =	sor.u32 s25, s6;
	[tilespmem:s18+$0x0] =	vst.add.f32.msk $0xffff, v3  }
0x347: {  	s26 =	sadd.s32 s7, s24;
	s6 =	sadd.s32 s7, s6;
	[tilespmem:s22+$0x0] =	vst.add.f32.msk $0xffff, v4;
	s7 =	sor.u32 $0x70, s15  }
0x348: {  	[tilespmem:s7+$0x0] =	vst.add.f32.msk $0xffff, v5  }
.Ltmp9:
0x349: {  	s24 =	sor.u32 $0x60, s6;
	v6 =	vld [tilespmem:s20+$0xFFFFFFE0];
	(pc) =	sbr.rel @p0 .LBB2_20-.Ltmp9, $4  }
0x34a: {  	s18 =	sor.u32 $0x40, s6;
	s7 =	sor.u32 $0x30, s15;
	s15 =	smov.u32 s6;
	v3 =	vld [tilespmem:s20+$0xFFFFFFF0]  }
0x34b: {  	v5 =	vand.u32 $0xFFFF0000, v9;
	s6 =	sor.u32 $0x10, s16;
	v9 =	vand.u32 $0xFFFF0000, v7;
	s25 =	sor.u32 $0x20, s15;
	s22 =	sor.u32 $0x50, s15;
	v4 =	vld [tilespmem:s20+$0x0]  }
0x34c: {  	s16 =	smov.u32 s26;
	[tilespmem:s6+$0x0] =	vst.add.f32.msk $0xffff, v5  }
0x34d: {  	v7 =	vshll.u32 v8, $0x10;
	s20 =	sadd.s32 $0x40, s20;
	v5 =	vand.u32 $0xFFFF0000, v8;
	[tilespmem:s7+$0x0] =	vst.add.f32.msk $0xffff, v9  }
0x34e: {  	[tilespmem:s24+$0x0] =	vst.add.f32.msk $0xffff, v7;
	v7 =	vshll.u32 v6, $0x10  }
0x34f: {  	s6 =	sor.u32 $0x70, s15;
	[tilespmem:s16+$0x0] =	vst.add.f32.msk $0xffff, v7  }
0x350: {  	v8 =	vshll.u32 v3, $0x10;
	[tilespmem:s6+$0x0] =	vst.add.f32.msk $0xffff, v5  }
0x351: {  	[tilespmem:s25+$0x0] =	vst.add.f32.msk $0xffff, v8;
	v7 =	vshll.u32 v4, $0x10  }
0x352: {  	s7 =	sor.u32 $0x30, s15;
	v3 =	vand.u32 $0xFFFF0000, v3;
	[tilespmem:s18+$0x0] =	vst.add.f32.msk $0xffff, v7  }
0x353: {  	v4 =	vand.u32 $0xFFFF0000, v4;
	[tilespmem:s7+$0x0] =	vst.add.f32.msk $0xffff, v3  }
0x354: {  	s20 =	sor.u32 $0x10, s16;
	[tilespmem:s22+$0x0] =	vst.add.f32.msk $0xffff, v4;
	v4 =	vand.u32 $0xFFFF0000, v6  }
0x355: {  	[tilespmem:s20+$0x0] =	vst.add.f32.msk $0xffff, v4  }
0x356: {  	s14 =	simm.s32 $0x0;
	s6 =	rddreg [dreg:$0x15]  }
0x357: {  	[hbm4b:s6+s14] =	stream.linear.scatter [tilespmem:s8], [sflag:$0x4], $0x8000, $0x38;
	[tilespmem:$0x1C200] =	vst v63  }
0x358: {  	_ =	swait.ge [sflag:s3], $0x8000  }
0x359: {  	[sflag:s3] =	ssyncset.done $0x0  }
0x35a: {  	[sflag:s3] =	ssyncadd.s32 $0xFFFF8000  }
0x35b: {  	v3 =	vld [tilespmem:$0x30];
	_ =	sdelay $0x4  }
0x35c: {  	v4 =	vshll.u32 v3, $0x4  }
0x35d: {  	v3 =	vand.u32 $0x7, v3;
	v4 =	vand.u32 $0xFFFFFF80, v4  }
0x35e: {  	v3 =	vor.u32 v3, v4  }
0x35f: {  	v4 =	vperm.xlane v3, v0;
	_ =	sdelay $0x1  }
0x360: {  	v4 =	vadd.s32 v1, v4;
	_ =	sdelay $0x4  }
0x361: {  	[tilespmem:s8], [sflag:$0x1] =	stream.indirect_vreg.gather [hbm4b:s23+s14], $0x80, v4, vm0, $0xb8;
	[tilespmem:$0x1C200] =	vst v63  }
0x362: {  	s21 =	simm.s32 $0x4A00  }
0x363: {  	[tilespmem:s21], [sflag:$0x1] =	stream.indirect_vreg.gather [hbm4b:s30+s14], $0x80, v4, vm0, $0xb8;
	[tilespmem:$0x1C200] =	vst v63  }
0x364: {  	s22 =	simm.s32 $0x5200  }
0x365: {  	[tilespmem:s22], [sflag:$0x1] =	stream.indirect_vreg.gather [hbm4b:s31+s14], $0x80, v4, vm0, $0xb8;
	[tilespmem:$0x1C200] =	vst v63  }
0x366: {  	s24 =	simm.s32 $0x5A00  }
0x367: {  	[tilespmem:s24], [sflag:$0x1] =	stream.indirect_vreg.gather [hbm4b:s19+s14], $0x80, v4, vm0, $0xb8;
	[tilespmem:$0x1C200] =	vst v63  }
0x368: {  	s25 =	simm.s32 $0x6200  }
0x369: {  	[tilespmem:s25], [sflag:$0x1] =	stream.indirect_vreg.gather [hbm4b:s0+s14], $0x80, v4, vm0, $0xb8;
	[tilespmem:$0x1C200] =	vst v63  }
0x36a: {  	s26 =	simm.s32 $0x6A00;
	v3 =	vperm.xlane v3, v2  }
0x36b: {  	[tilespmem:s26], [sflag:$0x1] =	stream.indirect_vreg.gather [hbm4b:s2+s14], $0x80, v4, vm0, $0xb8;
	[tilespmem:$0x1C200] =	vst v63  }
0x36c: {  	s28 =	simm.s32 $0x7200;
	v3 =	vadd.s32 v1, v3  }
0x36d: {  	[tilespmem:s28], [sflag:$0x1] =	stream.indirect_vreg.gather [hbm4b:s4+s14], $0x80, v4, vm0, $0xb8;
	[tilespmem:$0x1C200] =	vst v63  }
0x36e: {  	s7 =	simm.s32 $0x7A00  }
0x36f: {  	[tilespmem:s7], [sflag:$0x1] =	stream.indirect_vreg.gather [hbm4b:s5+s14], $0x80, v4, vm0, $0xb8;
	[tilespmem:$0x1C200] =	vst v63  }
0x370: {  	s8 =	simm.s32 $0x8200  }
0x371: {  	[tilespmem:s8], [sflag:$0x1] =	stream.indirect_vreg.gather [hbm4b:s23+s14], $0x80, v3, vm0, $0xb8;
	[tilespmem:$0x1C200] =	vst v63  }
0x372: {  	s13 =	simm.s32 $0x8A00  }
0x373: {  	[tilespmem:s13], [sflag:$0x1] =	stream.indirect_vreg.gather [hbm4b:s30+s14], $0x80, v3, vm0, $0xb8;
	[tilespmem:$0x1C200] =	vst v63  }
0x374: {  	s15 =	simm.s32 $0x9200  }
0x375: {  	[tilespmem:s15], [sflag:$0x1] =	stream.indirect_vreg.gather [hbm4b:s31+s14], $0x80, v3, vm0, $0xb8;
	[tilespmem:$0x1C200] =	vst v63  }
0x376: {  	s16 =	simm.s32 $0x9A00  }
0x377: {  	[tilespmem:s16], [sflag:$0x1] =	stream.indirect_vreg.gather [hbm4b:s19+s14], $0x80, v3, vm0, $0xb8;
	[tilespmem:$0x1C200] =	vst v63  }
0x378: {  	s17 =	simm.s32 $0xA200  }
0x379: {  	[tilespmem:s17], [sflag:$0x1] =	stream.indirect_vreg.gather [hbm4b:s0+s14], $0x80, v3, vm0, $0xb8;
	[tilespmem:$0x1C200] =	vst v63  }
0x37a: {  	s18 =	simm.s32 $0xAA00  }
0x37b: {  	[tilespmem:s18], [sflag:$0x1] =	stream.indirect_vreg.gather [hbm4b:s2+s14], $0x80, v3, vm0, $0xb8;
	[tilespmem:$0x1C200] =	vst v63  }
0x37c: {  	s20 =	simm.s32 $0xB200  }
0x37d: {  	[tilespmem:s20], [sflag:$0x1] =	stream.indirect_vreg.gather [hbm4b:s4+s14], $0x80, v3, vm0, $0xb8;
	[tilespmem:$0x1C200] =	vst v63  }
0x37e: {  	s21 =	simm.s32 $0xBA00  }
0x37f: {  	[tilespmem:s21], [sflag:$0x1] =	stream.indirect_vreg.gather [hbm4b:s5+s14], $0x80, v3, vm0, $0xb8;
	[tilespmem:$0x1C200] =	vst v63  }
0x380: {  	_ =	swait.ge [sflag:s9], $0x8000  }
0x381: {  	[sflag:s9] =	ssyncset.done $0x0  }
0x382: {  	s22 =	simm.s32 $0x220;
	s25 =	simm.s32 $0x0;
	[sflag:s9] =	ssyncadd.s32 $0xFFFF8000  }
0x383: {  	s26 =	simm.s32 $0x0;
	s28 =	sand.u32 $0xF000, s14;
	s7 =	sand.u32 $0x4000, s25;
	v5 =	vld [tilespmem:s22+$0x10]  }
0x384: {  	s7 =	sadd.s32 $0xC200, s7;
	s16 =	sshrl.u32 s28, $0x2;
	s17 =	sand.u32 $0x3C00, s14;
	v6 =	vld [tilespmem:s22+$0xFFFFFFE0]  }
0x385: {  	s15 =	sand.u32 $0x380, s26;
	s16 =	sor.u32 s16, s7;
	s7 =	sor.u32 s17, s7;
	v3 =	vld [tilespmem:s22+$0xFFFFFFF0]  }
0x386: {  	s16 =	sadd.s32 s15, s16;
	s17 =	simm.s32 $0x0;
	s15 =	sadd.s32 s15, s7  }
0x387: {  	s24 =	sor.u32 $0x60, s15;
	s18 =	sor.u32 $0x40, s15;
	s25 =	sor.u32 $0x20, s15;
	v4 =	vld [tilespmem:s22+$0x0]  }
0x388: {  	s20 =	simm.s32 $0x260;
	s21 =	simm.s32 $0x0;
	s22 =	sor.u32 $0x50, s15;
	v7 =	vshll.u32 v5, $0x10;
	v5 =	vand.u32 $0xFFFF0000, v5  }
.LBB2_22:
0x389: {  	s17 =	sadd.s32 $0x4, s17;
	v8 =	vld [tilespmem:s20+$0x10];
	s14 =	sadd.s32 $0x1000, s14;
	s21 =	sadd.s32 $0x400, s21;
	v9 =	vmov v6  }
0x38a: {  	s6 =	sshll.u32 s17, $0x5;
	s7 =	sshll.u32 s17, $0x1;
	p0 =	slt.u32 s17, $0x3FC;
	v6 =	vshll.u32 v3, $0x10;
	[tilespmem:s24+$0x0] =	vst.add.f32.msk $0xffff, v7;
	v7 =	vmov v3  }
0x38b: {  	s24 =	sand.u32 $0xF000, s14;
	v3 =	vshll.u32 v9, $0x10;
	s6 =	sand.u32 $0x4000, s6;
	[tilespmem:s25+$0x0] =	vst.add.f32.msk $0xffff, v6  }
0x38c: {  	s24 =	sshrl.u32 s24, $0x2;
	s25 =	sand.u32 $0x3C00, s21;
	s6 =	sadd.s32 $0xC200, s6;
	[tilespmem:s16+$0x0] =	vst.add.f32.msk $0xffff, v3;
	v3 =	vshll.u32 v4, $0x10  }
0x38d: {  	s7 =	sand.u32 $0x380, s7;
	v4 =	vand.u32 $0xFFFF0000, v4;
	s24 =	sor.u32 s24, s6;
	s6 =	sor.u32 s25, s6;
	[tilespmem:s18+$0x0] =	vst.add.f32.msk $0xffff, v3  }
0x38e: {  	s26 =	sadd.s32 s7, s24;
	s6 =	sadd.s32 s7, s6;
	[tilespmem:s22+$0x0] =	vst.add.f32.msk $0xffff, v4;
	s7 =	sor.u32 $0x70, s15  }
0x38f: {  	[tilespmem:s7+$0x0] =	vst.add.f32.msk $0xffff, v5  }
.Ltmp10:
0x390: {  	s24 =	sor.u32 $0x60, s6;
	v6 =	vld [tilespmem:s20+$0xFFFFFFE0];
	(pc) =	sbr.rel @p0 .LBB2_22-.Ltmp10, $4  }
0x391: {  	s18 =	sor.u32 $0x40, s6;
	s7 =	sor.u32 $0x30, s15;
	s15 =	smov.u32 s6;
	v3 =	vld [tilespmem:s20+$0xFFFFFFF0]  }
0x392: {  	v5 =	vand.u32 $0xFFFF0000, v9;
	s6 =	sor.u32 $0x10, s16;
	v9 =	vand.u32 $0xFFFF0000, v7;
	s25 =	sor.u32 $0x20, s15;
	s22 =	sor.u32 $0x50, s15;
	v4 =	vld [tilespmem:s20+$0x0]  }
0x393: {  	s16 =	smov.u32 s26;
	[tilespmem:s6+$0x0] =	vst.add.f32.msk $0xffff, v5  }
0x394: {  	v7 =	vshll.u32 v8, $0x10;
	s20 =	sadd.s32 $0x40, s20;
	v5 =	vand.u32 $0xFFFF0000, v8;
	[tilespmem:s7+$0x0] =	vst.add.f32.msk $0xffff, v9  }
0x395: {  	[tilespmem:s24+$0x0] =	vst.add.f32.msk $0xffff, v7;
	v7 =	vshll.u32 v6, $0x10  }
0x396: {  	s6 =	sor.u32 $0x70, s15;
	[tilespmem:s16+$0x0] =	vst.add.f32.msk $0xffff, v7  }
0x397: {  	v8 =	vshll.u32 v3, $0x10;
	[tilespmem:s6+$0x0] =	vst.add.f32.msk $0xffff, v5  }
0x398: {  	[tilespmem:s25+$0x0] =	vst.add.f32.msk $0xffff, v8;
	v7 =	vshll.u32 v4, $0x10  }
0x399: {  	s7 =	sor.u32 $0x30, s15;
	v3 =	vand.u32 $0xFFFF0000, v3;
	[tilespmem:s18+$0x0] =	vst.add.f32.msk $0xffff, v7  }
0x39a: {  	v4 =	vand.u32 $0xFFFF0000, v4;
	[tilespmem:s7+$0x0] =	vst.add.f32.msk $0xffff, v3  }
0x39b: {  	s16 =	sor.u32 $0x10, s16;
	[tilespmem:s22+$0x0] =	vst.add.f32.msk $0xffff, v4;
	v4 =	vand.u32 $0xFFFF0000, v6  }
0x39c: {  	[tilespmem:s16+$0x0] =	vst.add.f32.msk $0xffff, v4  }
0x39d: {  	s14 =	simm.s32 $0x0;
	s17 =	simm.s32 $0xC200;
	s6 =	rddreg [dreg:$0x16]  }
0x39e: {  	[hbm4b:s6+s14] =	stream.linear.scatter [tilespmem:s17], [sflag:$0x5], $0x8000, $0x38;
	[tilespmem:$0x1C200] =	vst v63  }
0x39f: {  	_ =	swait.ge [sflag:s10], $0x8000  }
0x3a0: {  	[sflag:s10] =	ssyncset.done $0x0  }
0x3a1: {  	[sflag:s10] =	ssyncadd.s32 $0xFFFF8000  }
0x3a2: {  	v3 =	vld [tilespmem:$0xB0];
	_ =	sdelay $0x4  }
0x3a3: {  	v4 =	vshll.u32 v3, $0x4  }
0x3a4: {  	v3 =	vand.u32 $0x7, v3;
	v4 =	vand.u32 $0xFFFFFF80, v4  }
0x3a5: {  	v3 =	vor.u32 v3, v4  }
0x3a6: {  	v4 =	vperm.xlane v3, v0;
	_ =	sdelay $0x1  }
0x3a7: {  	v4 =	vadd.s32 v1, v4;
	_ =	sdelay $0x4  }
0x3a8: {  	[tilespmem:s17], [sflag:$0x2] =	stream.indirect_vreg.gather [hbm4b:s23+s14], $0x80, v4, vm0, $0xb8;
	[tilespmem:$0x1C200] =	vst v63  }
0x3a9: {  	s18 =	simm.s32 $0xCA00  }
0x3aa: {  	[tilespmem:s18], [sflag:$0x2] =	stream.indirect_vreg.gather [hbm4b:s30+s14], $0x80, v4, vm0, $0xb8;
	[tilespmem:$0x1C200] =	vst v63  }
0x3ab: {  	s20 =	simm.s32 $0xD200  }
0x3ac: {  	[tilespmem:s20], [sflag:$0x2] =	stream.indirect_vreg.gather [hbm4b:s31+s14], $0x80, v4, vm0, $0xb8;
	[tilespmem:$0x1C200] =	vst v63  }
0x3ad: {  	s21 =	simm.s32 $0xDA00  }
0x3ae: {  	[tilespmem:s21], [sflag:$0x2] =	stream.indirect_vreg.gather [hbm4b:s19+s14], $0x80, v4, vm0, $0xb8;
	[tilespmem:$0x1C200] =	vst v63  }
0x3af: {  	s22 =	simm.s32 $0xE200  }
0x3b0: {  	[tilespmem:s22], [sflag:$0x2] =	stream.indirect_vreg.gather [hbm4b:s0+s14], $0x80, v4, vm0, $0xb8;
	[tilespmem:$0x1C200] =	vst v63  }
0x3b1: {  	s24 =	simm.s32 $0xEA00;
	v3 =	vperm.xlane v3, v2  }
0x3b2: {  	[tilespmem:s24], [sflag:$0x2] =	stream.indirect_vreg.gather [hbm4b:s2+s14], $0x80, v4, vm0, $0xb8;
	[tilespmem:$0x1C200] =	vst v63  }
0x3b3: {  	s25 =	simm.s32 $0xF200;
	v3 =	vadd.s32 v1, v3  }
0x3b4: {  	[tilespmem:s25], [sflag:$0x2] =	stream.indirect_vreg.gather [hbm4b:s4+s14], $0x80, v4, vm0, $0xb8;
	[tilespmem:$0x1C200] =	vst v63  }
0x3b5: {  	s26 =	simm.s32 $0xFA00  }
0x3b6: {  	[tilespmem:s26], [sflag:$0x2] =	stream.indirect_vreg.gather [hbm4b:s5+s14], $0x80, v4, vm0, $0xb8;
	[tilespmem:$0x1C200] =	vst v63  }
0x3b7: {  	s28 =	simm.s32 $0x10200  }
0x3b8: {  	[tilespmem:s28], [sflag:$0x2] =	stream.indirect_vreg.gather [hbm4b:s23+s14], $0x80, v3, vm0, $0xb8;
	[tilespmem:$0x1C200] =	vst v63  }
0x3b9: {  	s7 =	simm.s32 $0x10A00  }
0x3ba: {  	[tilespmem:s7], [sflag:$0x2] =	stream.indirect_vreg.gather [hbm4b:s30+s14], $0x80, v3, vm0, $0xb8;
	[tilespmem:$0x1C200] =	vst v63  }
0x3bb: {  	s15 =	simm.s32 $0x11200  }
0x3bc: {  	[tilespmem:s15], [sflag:$0x2] =	stream.indirect_vreg.gather [hbm4b:s31+s14], $0x80, v3, vm0, $0xb8;
	[tilespmem:$0x1C200] =	vst v63  }
0x3bd: {  	s16 =	simm.s32 $0x11A00  }
0x3be: {  	[tilespmem:s16], [sflag:$0x2] =	stream.indirect_vreg.gather [hbm4b:s19+s14], $0x80, v3, vm0, $0xb8;
	[tilespmem:$0x1C200] =	vst v63  }
0x3bf: {  	s17 =	simm.s32 $0x12200  }
0x3c0: {  	[tilespmem:s17], [sflag:$0x2] =	stream.indirect_vreg.gather [hbm4b:s0+s14], $0x80, v3, vm0, $0xb8;
	[tilespmem:$0x1C200] =	vst v63  }
0x3c1: {  	s18 =	simm.s32 $0x12A00  }
0x3c2: {  	[tilespmem:s18], [sflag:$0x2] =	stream.indirect_vreg.gather [hbm4b:s2+s14], $0x80, v3, vm0, $0xb8;
	[tilespmem:$0x1C200] =	vst v63  }
0x3c3: {  	s20 =	simm.s32 $0x13200  }
0x3c4: {  	[tilespmem:s20], [sflag:$0x2] =	stream.indirect_vreg.gather [hbm4b:s4+s14], $0x80, v3, vm0, $0xb8;
	[tilespmem:$0x1C200] =	vst v63  }
0x3c5: {  	s21 =	simm.s32 $0x13A00  }
0x3c6: {  	[tilespmem:s21], [sflag:$0x2] =	stream.indirect_vreg.gather [hbm4b:s5+s14], $0x80, v3, vm0, $0xb8;
	[tilespmem:$0x1C200] =	vst v63  }
0x3c7: {  	_ =	swait.ge [sflag:s11], $0x8000  }
0x3c8: {  	s13 =	simm.s32 $0x14A00;
	s8 =	simm.s32 $0xC200;
	[sflag:s11] =	ssyncset.done $0x0  }
0x3c9: {  	s22 =	simm.s32 $0x220;
	s25 =	simm.s32 $0x0;
	[sflag:s11] =	ssyncadd.s32 $0xFFFF8000  }
0x3ca: {  	s26 =	simm.s32 $0x0;
	s28 =	sand.u32 $0xF000, s14;
	s7 =	sand.u32 $0x4000, s25;
	v5 =	vld [tilespmem:s22+$0x10]  }
0x3cb: {  	s7 =	sadd.s32 $0x14200, s7;
	s16 =	sshrl.u32 s28, $0x2;
	s17 =	sand.u32 $0x3C00, s14;
	v6 =	vld [tilespmem:s22+$0xFFFFFFE0]  }
0x3cc: {  	s15 =	sand.u32 $0x380, s26;
	s16 =	sor.u32 s16, s7;
	s7 =	sor.u32 s17, s7;
	v3 =	vld [tilespmem:s22+$0xFFFFFFF0]  }
0x3cd: {  	s16 =	sadd.s32 s15, s16;
	s17 =	simm.s32 $0x0;
	s15 =	sadd.s32 s15, s7  }
0x3ce: {  	s24 =	sor.u32 $0x60, s15;
	s18 =	sor.u32 $0x40, s15;
	s25 =	sor.u32 $0x20, s15;
	v4 =	vld [tilespmem:s22+$0x0]  }
0x3cf: {  	s20 =	simm.s32 $0x260;
	s21 =	simm.s32 $0x0;
	s22 =	sor.u32 $0x50, s15;
	v7 =	vshll.u32 v5, $0x10;
	v5 =	vand.u32 $0xFFFF0000, v5  }
.LBB2_24:
0x3d0: {  	s17 =	sadd.s32 $0x4, s17;
	v8 =	vld [tilespmem:s20+$0x10];
	s14 =	sadd.s32 $0x1000, s14;
	s21 =	sadd.s32 $0x400, s21;
	v9 =	vmov v6  }
0x3d1: {  	s6 =	sshll.u32 s17, $0x5;
	s7 =	sshll.u32 s17, $0x1;
	p0 =	slt.u32 s17, $0x3FC;
	v6 =	vshll.u32 v3, $0x10;
	[tilespmem:s24+$0x0] =	vst.add.f32.msk $0xffff, v7;
	v7 =	vmov v3  }
0x3d2: {  	s24 =	sand.u32 $0xF000, s14;
	v3 =	vshll.u32 v9, $0x10;
	s6 =	sand.u32 $0x4000, s6;
	[tilespmem:s25+$0x0] =	vst.add.f32.msk $0xffff, v6  }
0x3d3: {  	s24 =	sshrl.u32 s24, $0x2;
	s25 =	sand.u32 $0x3C00, s21;
	s6 =	sadd.s32 $0x14200, s6;
	[tilespmem:s16+$0x0] =	vst.add.f32.msk $0xffff, v3;
	v3 =	vshll.u32 v4, $0x10  }
0x3d4: {  	s7 =	sand.u32 $0x380, s7;
	v4 =	vand.u32 $0xFFFF0000, v4;
	s24 =	sor.u32 s24, s6;
	s6 =	sor.u32 s25, s6;
	[tilespmem:s18+$0x0] =	vst.add.f32.msk $0xffff, v3  }
0x3d5: {  	s26 =	sadd.s32 s7, s24;
	s6 =	sadd.s32 s7, s6;
	[tilespmem:s22+$0x0] =	vst.add.f32.msk $0xffff, v4;
	s7 =	sor.u32 $0x70, s15  }
0x3d6: {  	[tilespmem:s7+$0x0] =	vst.add.f32.msk $0xffff, v5  }
.Ltmp11:
0x3d7: {  	s24 =	sor.u32 $0x60, s6;
	v6 =	vld [tilespmem:s20+$0xFFFFFFE0];
	(pc) =	sbr.rel @p0 .LBB2_24-.Ltmp11, $4  }
0x3d8: {  	s18 =	sor.u32 $0x40, s6;
	s7 =	sor.u32 $0x30, s15;
	s15 =	smov.u32 s6;
	v3 =	vld [tilespmem:s20+$0xFFFFFFF0]  }
0x3d9: {  	v5 =	vand.u32 $0xFFFF0000, v9;
	s6 =	sor.u32 $0x10, s16;
	v9 =	vand.u32 $0xFFFF0000, v7;
	s25 =	sor.u32 $0x20, s15;
	s22 =	sor.u32 $0x50, s15;
	v4 =	vld [tilespmem:s20+$0x0]  }
0x3da: {  	s16 =	smov.u32 s26;
	[tilespmem:s6+$0x0] =	vst.add.f32.msk $0xffff, v5  }
0x3db: {  	v7 =	vshll.u32 v8, $0x10;
	s20 =	sadd.s32 $0x40, s20;
	v5 =	vand.u32 $0xFFFF0000, v8;
	[tilespmem:s7+$0x0] =	vst.add.f32.msk $0xffff, v9  }
0x3dc: {  	[tilespmem:s24+$0x0] =	vst.add.f32.msk $0xffff, v7;
	v7 =	vshll.u32 v6, $0x10  }
0x3dd: {  	s6 =	sor.u32 $0x70, s15;
	[tilespmem:s16+$0x0] =	vst.add.f32.msk $0xffff, v7  }
0x3de: {  	v8 =	vshll.u32 v3, $0x10;
	[tilespmem:s6+$0x0] =	vst.add.f32.msk $0xffff, v5  }
0x3df: {  	[tilespmem:s25+$0x0] =	vst.add.f32.msk $0xffff, v8;
	v7 =	vshll.u32 v4, $0x10  }
0x3e0: {  	s7 =	sor.u32 $0x30, s15;
	v3 =	vand.u32 $0xFFFF0000, v3;
	[tilespmem:s18+$0x0] =	vst.add.f32.msk $0xffff, v7  }
0x3e1: {  	v4 =	vand.u32 $0xFFFF0000, v4;
	[tilespmem:s7+$0x0] =	vst.add.f32.msk $0xffff, v3  }
0x3e2: {  	s25 =	sor.u32 $0x10, s16;
	[tilespmem:s22+$0x0] =	vst.add.f32.msk $0xffff, v4;
	v4 =	vand.u32 $0xFFFF0000, v6  }
0x3e3: {  	[tilespmem:s25+$0x0] =	vst.add.f32.msk $0xffff, v4  }
0x3e4: {  	s14 =	simm.s32 $0x0;
	s26 =	simm.s32 $0x14200;
	s6 =	rddreg [dreg:$0x17]  }
0x3e5: {  	[hbm4b:s6+s14] =	stream.linear.scatter [tilespmem:s26], [sflag:$0x6], $0x8000, $0x38;
	[tilespmem:$0x1C200] =	vst v63  }
0x3e6: {  	s17 =	simm.s32 $0x200;
	s16 =	rddreg [dreg:$0x14]  }
0x3e7: {  	[tilespmem:s17], [sflag:$0x7] =	stream.linear.gather [hbm4b:s16+s14], $0x4000, $0x38;
	[tilespmem:$0x1C200] =	vst v63  }
0x3e8: {  	_ =	swait.ge [sflag:s12], $0x8000  }
0x3e9: {  	[sflag:s12] =	ssyncset.done $0x0  }
0x3ea: {  	[sflag:s12] =	ssyncadd.s32 $0xFFFF8000  }
0x3eb: {  	v3 =	vld [tilespmem:$0x130];
	_ =	sdelay $0x4  }
0x3ec: {  	v4 =	vshll.u32 v3, $0x4  }
0x3ed: {  	v3 =	vand.u32 $0x7, v3;
	v4 =	vand.u32 $0xFFFFFF80, v4  }
0x3ee: {  	v3 =	vor.u32 v3, v4  }
0x3ef: {  	v4 =	vperm.xlane v3, v0;
	_ =	sdelay $0x1  }
0x3f0: {  	v4 =	vadd.s32 v1, v4;
	_ =	sdelay $0x4  }
0x3f1: {  	[tilespmem:s26], [sflag:$0x3] =	stream.indirect_vreg.gather [hbm4b:s23+s14], $0x80, v4, vm0, $0xb8;
	[tilespmem:$0x1C200] =	vst v63  }
0x3f2: {  	_ = 	snop  }
0x3f3: {  	[tilespmem:s13], [sflag:$0x3] =	stream.indirect_vreg.gather [hbm4b:s30+s14], $0x80, v4, vm0, $0xb8;
	[tilespmem:$0x1C200] =	vst v63  }
0x3f4: {  	s13 =	simm.s32 $0x15200  }
0x3f5: {  	[tilespmem:s13], [sflag:$0x3] =	stream.indirect_vreg.gather [hbm4b:s31+s14], $0x80, v4, vm0, $0xb8;
	[tilespmem:$0x1C200] =	vst v63  }
0x3f6: {  	s18 =	simm.s32 $0x15A00  }
0x3f7: {  	[tilespmem:s18], [sflag:$0x3] =	stream.indirect_vreg.gather [hbm4b:s19+s14], $0x80, v4, vm0, $0xb8;
	[tilespmem:$0x1C200] =	vst v63  }
0x3f8: {  	s20 =	simm.s32 $0x16200  }
0x3f9: {  	[tilespmem:s20], [sflag:$0x3] =	stream.indirect_vreg.gather [hbm4b:s0+s14], $0x80, v4, vm0, $0xb8;
	[tilespmem:$0x1C200] =	vst v63  }
0x3fa: {  	s21 =	simm.s32 $0x16A00;
	v3 =	vperm.xlane v3, v2  }
0x3fb: {  	[tilespmem:s21], [sflag:$0x3] =	stream.indirect_vreg.gather [hbm4b:s2+s14], $0x80, v4, vm0, $0xb8;
	[tilespmem:$0x1C200] =	vst v63  }
0x3fc: {  	s22 =	simm.s32 $0x17200;
	v3 =	vadd.s32 v1, v3  }
0x3fd: {  	[tilespmem:s22], [sflag:$0x3] =	stream.indirect_vreg.gather [hbm4b:s4+s14], $0x80, v4, vm0, $0xb8;
	[tilespmem:$0x1C200] =	vst v63  }
0x3fe: {  	s24 =	simm.s32 $0x17A00  }
0x3ff: {  	[tilespmem:s24], [sflag:$0x3] =	stream.indirect_vreg.gather [hbm4b:s5+s14], $0x80, v4, vm0, $0xb8;
	[tilespmem:$0x1C200] =	vst v63  }
0x400: {  	s25 =	simm.s32 $0x18200  }
0x401: {  	[tilespmem:s25], [sflag:$0x3] =	stream.indirect_vreg.gather [hbm4b:s23+s14], $0x80, v3, vm0, $0xb8;
	[tilespmem:$0x1C200] =	vst v63  }
0x402: {  	s26 =	simm.s32 $0x18A00  }
0x403: {  	[tilespmem:s26], [sflag:$0x3] =	stream.indirect_vreg.gather [hbm4b:s30+s14], $0x80, v3, vm0, $0xb8;
	[tilespmem:$0x1C200] =	vst v63  }
0x404: {  	s7 =	simm.s32 $0x19200  }
0x405: {  	[tilespmem:s7], [sflag:$0x3] =	stream.indirect_vreg.gather [hbm4b:s31+s14], $0x80, v3, vm0, $0xb8;
	[tilespmem:$0x1C200] =	vst v63  }
0x406: {  	s15 =	simm.s32 $0x19A00  }
0x407: {  	[tilespmem:s15], [sflag:$0x3] =	stream.indirect_vreg.gather [hbm4b:s19+s14], $0x80, v3, vm0, $0xb8;
	[tilespmem:$0x1C200] =	vst v63  }
0x408: {  	s16 =	simm.s32 $0x1A200  }
0x409: {  	[tilespmem:s16], [sflag:$0x3] =	stream.indirect_vreg.gather [hbm4b:s0+s14], $0x80, v3, vm0, $0xb8;
	[tilespmem:$0x1C200] =	vst v63  }
0x40a: {  	s17 =	simm.s32 $0x1AA00  }
0x40b: {  	[tilespmem:s17], [sflag:$0x3] =	stream.indirect_vreg.gather [hbm4b:s2+s14], $0x80, v3, vm0, $0xb8;
	[tilespmem:$0x1C200] =	vst v63  }
0x40c: {  	s18 =	simm.s32 $0x1B200  }
0x40d: {  	[tilespmem:s18], [sflag:$0x3] =	stream.indirect_vreg.gather [hbm4b:s4+s14], $0x80, v3, vm0, $0xb8;
	[tilespmem:$0x1C200] =	vst v63  }
0x40e: {  	s20 =	simm.s32 $0x1BA00;
	s21 =	simm.s32 $0x7  }
0x40f: {  	[tilespmem:s20], [sflag:$0x3] =	stream.indirect_vreg.gather [hbm4b:s5+s14], $0x80, v3, vm0, $0xb8;
	[tilespmem:$0x1C200] =	vst v63  }
0x410: {  	_ =	swait.ge [sflag:s21], $0x4000  }
0x411: {  	[sflag:s21] =	ssyncset.done $0x0  }
0x412: {  	[sflag:s21] =	ssyncadd.s32 $0xFFFFC000  }
0x413: {  	_ =	swait.ge [sflag:s29], $0x8000  }
0x414: {  	s28 =	simm.s32 $0x14200;
	[sflag:s29] =	ssyncset.done $0x0  }
0x415: {  	s22 =	simm.s32 $0x220;
	s24 =	simm.s32 $0x0;
	[sflag:s29] =	ssyncadd.s32 $0xFFFF8000  }
0x416: {  	s25 =	simm.s32 $0x0;
	s26 =	sand.u32 $0xF000, s14;
	s7 =	sand.u32 $0x4000, s24;
	v5 =	vld [tilespmem:s22+$0x10]  }
0x417: {  	s7 =	sadd.s32 $0x4200, s7;
	s16 =	sshrl.u32 s26, $0x2;
	s17 =	sand.u32 $0x3C00, s14;
	v6 =	vld [tilespmem:s22+$0xFFFFFFE0]  }
0x418: {  	s15 =	sand.u32 $0x380, s25;
	s16 =	sor.u32 s16, s7;
	s7 =	sor.u32 s17, s7;
	v3 =	vld [tilespmem:s22+$0xFFFFFFF0]  }
0x419: {  	s16 =	sadd.s32 s15, s16;
	s17 =	simm.s32 $0x0;
	s15 =	sadd.s32 s15, s7  }
0x41a: {  	s24 =	sor.u32 $0x60, s15;
	s18 =	sor.u32 $0x40, s15;
	s25 =	sor.u32 $0x20, s15;
	v4 =	vld [tilespmem:s22+$0x0]  }
0x41b: {  	s20 =	simm.s32 $0x260;
	s21 =	simm.s32 $0x0;
	s22 =	sor.u32 $0x50, s15;
	v7 =	vshll.u32 v5, $0x10;
	v5 =	vand.u32 $0xFFFF0000, v5  }
.LBB2_26:
0x41c: {  	s17 =	sadd.s32 $0x4, s17;
	v8 =	vld [tilespmem:s20+$0x10];
	s14 =	sadd.s32 $0x1000, s14;
	s21 =	sadd.s32 $0x400, s21;
	v9 =	vmov v6  }
0x41d: {  	s6 =	sshll.u32 s17, $0x5;
	s7 =	sshll.u32 s17, $0x1;
	p0 =	slt.u32 s17, $0x3FC;
	v6 =	vshll.u32 v3, $0x10;
	[tilespmem:s24+$0x0] =	vst.add.f32.msk $0xffff, v7;
	v7 =	vmov v3  }
0x41e: {  	s24 =	sand.u32 $0xF000, s14;
	v3 =	vshll.u32 v9, $0x10;
	s6 =	sand.u32 $0x4000, s6;
	[tilespmem:s25+$0x0] =	vst.add.f32.msk $0xffff, v6  }
0x41f: {  	s24 =	sshrl.u32 s24, $0x2;
	s25 =	sand.u32 $0x3C00, s21;
	s6 =	sadd.s32 $0x4200, s6;
	[tilespmem:s16+$0x0] =	vst.add.f32.msk $0xffff, v3;
	v3 =	vshll.u32 v4, $0x10  }
0x420: {  	s7 =	sand.u32 $0x380, s7;
	v4 =	vand.u32 $0xFFFF0000, v4;
	s24 =	sor.u32 s24, s6;
	s6 =	sor.u32 s25, s6;
	[tilespmem:s18+$0x0] =	vst.add.f32.msk $0xffff, v3  }
0x421: {  	s26 =	sadd.s32 s7, s24;
	s6 =	sadd.s32 s7, s6;
	[tilespmem:s22+$0x0] =	vst.add.f32.msk $0xffff, v4;
	s7 =	sor.u32 $0x70, s15  }
0x422: {  	[tilespmem:s7+$0x0] =	vst.add.f32.msk $0xffff, v5  }
.Ltmp12:
0x423: {  	s24 =	sor.u32 $0x60, s6;
	v6 =	vld [tilespmem:s20+$0xFFFFFFE0];
	(pc) =	sbr.rel @p0 .LBB2_26-.Ltmp12, $4  }
0x424: {  	s18 =	sor.u32 $0x40, s6;
	s7 =	sor.u32 $0x30, s15;
	s15 =	smov.u32 s6;
	v3 =	vld [tilespmem:s20+$0xFFFFFFF0]  }
0x425: {  	v5 =	vand.u32 $0xFFFF0000, v9;
	s6 =	sor.u32 $0x10, s16;
	v9 =	vand.u32 $0xFFFF0000, v7;
	s25 =	sor.u32 $0x20, s15;
	s22 =	sor.u32 $0x50, s15;
	v4 =	vld [tilespmem:s20+$0x0]  }
0x426: {  	s16 =	smov.u32 s26;
	[tilespmem:s6+$0x0] =	vst.add.f32.msk $0xffff, v5  }
0x427: {  	v7 =	vshll.u32 v8, $0x10;
	s20 =	sadd.s32 $0x40, s20;
	v5 =	vand.u32 $0xFFFF0000, v8;
	[tilespmem:s7+$0x0] =	vst.add.f32.msk $0xffff, v9  }
0x428: {  	[tilespmem:s24+$0x0] =	vst.add.f32.msk $0xffff, v7;
	v7 =	vshll.u32 v6, $0x10  }
0x429: {  	s6 =	sor.u32 $0x70, s15;
	[tilespmem:s16+$0x0] =	vst.add.f32.msk $0xffff, v7  }
0x42a: {  	v8 =	vshll.u32 v3, $0x10;
	[tilespmem:s6+$0x0] =	vst.add.f32.msk $0xffff, v5  }
0x42b: {  	[tilespmem:s25+$0x0] =	vst.add.f32.msk $0xffff, v8;
	v7 =	vshll.u32 v4, $0x10  }
0x42c: {  	s7 =	sor.u32 $0x30, s15;
	v3 =	vand.u32 $0xFFFF0000, v3;
	[tilespmem:s18+$0x0] =	vst.add.f32.msk $0xffff, v7  }
0x42d: {  	v4 =	vand.u32 $0xFFFF0000, v4;
	[tilespmem:s7+$0x0] =	vst.add.f32.msk $0xffff, v3  }
0x42e: {  	s14 =	sor.u32 $0x10, s16;
	[tilespmem:s22+$0x0] =	vst.add.f32.msk $0xffff, v4;
	v4 =	vand.u32 $0xFFFF0000, v6  }
0x42f: {  	[tilespmem:s14+$0x0] =	vst.add.f32.msk $0xffff, v4  }
0x430: {  	s16 =	simm.s32 $0x4200;
	s14 =	simm.s32 $0x0;
	s6 =	rddreg [dreg:$0x18]  }
0x431: {  	[hbm4b:s6+s14] =	stream.linear.scatter [tilespmem:s16], [sflag:$0x4], $0x8000, $0x38;
	[tilespmem:$0x1C200] =	vst v63  }
0x432: {  	_ =	swait.ge [sflag:s3], $0x8000  }
0x433: {  	[sflag:s3] =	ssyncset.done $0x0  }
0x434: {  	[sflag:s3] =	ssyncadd.s32 $0xFFFF8000  }
0x435: {  	v3 =	vld [tilespmem:$0x1B0];
	_ =	sdelay $0x4  }
0x436: {  	v4 =	vshll.u32 v3, $0x4  }
0x437: {  	v3 =	vand.u32 $0x7, v3;
	v4 =	vand.u32 $0xFFFFFF80, v4  }
0x438: {  	v3 =	vor.u32 v3, v4  }
0x439: {  	v4 =	vperm.xlane v3, v0;
	_ =	sdelay $0x1  }
0x43a: {  	v4 =	vadd.s32 v1, v4;
	_ =	sdelay $0x4  }
0x43b: {  	[tilespmem:s16], [sflag:$0x1] =	stream.indirect_vreg.gather [hbm4b:s23+s14], $0x80, v4, vm0, $0xb8;
	[tilespmem:$0x1C200] =	vst v63  }
0x43c: {  	s17 =	simm.s32 $0x4A00  }
0x43d: {  	[tilespmem:s17], [sflag:$0x1] =	stream.indirect_vreg.gather [hbm4b:s30+s14], $0x80, v4, vm0, $0xb8;
	[tilespmem:$0x1C200] =	vst v63  }
0x43e: {  	s18 =	simm.s32 $0x5200  }
0x43f: {  	[tilespmem:s18], [sflag:$0x1] =	stream.indirect_vreg.gather [hbm4b:s31+s14], $0x80, v4, vm0, $0xb8;
	[tilespmem:$0x1C200] =	vst v63  }
0x440: {  	s20 =	simm.s32 $0x5A00  }
0x441: {  	[tilespmem:s20], [sflag:$0x1] =	stream.indirect_vreg.gather [hbm4b:s19+s14], $0x80, v4, vm0, $0xb8;
	[tilespmem:$0x1C200] =	vst v63  }
0x442: {  	s21 =	simm.s32 $0x6200  }
0x443: {  	[tilespmem:s21], [sflag:$0x1] =	stream.indirect_vreg.gather [hbm4b:s0+s14], $0x80, v4, vm0, $0xb8;
	[tilespmem:$0x1C200] =	vst v63  }
0x444: {  	s22 =	simm.s32 $0x6A00;
	v3 =	vperm.xlane v3, v2  }
0x445: {  	[tilespmem:s22], [sflag:$0x1] =	stream.indirect_vreg.gather [hbm4b:s2+s14], $0x80, v4, vm0, $0xb8;
	[tilespmem:$0x1C200] =	vst v63  }
0x446: {  	s24 =	simm.s32 $0x7200;
	v3 =	vadd.s32 v1, v3  }
0x447: {  	[tilespmem:s24], [sflag:$0x1] =	stream.indirect_vreg.gather [hbm4b:s4+s14], $0x80, v4, vm0, $0xb8;
	[tilespmem:$0x1C200] =	vst v63  }
0x448: {  	s25 =	simm.s32 $0x7A00  }
0x449: {  	[tilespmem:s25], [sflag:$0x1] =	stream.indirect_vreg.gather [hbm4b:s5+s14], $0x80, v4, vm0, $0xb8;
	[tilespmem:$0x1C200] =	vst v63  }
0x44a: {  	s26 =	simm.s32 $0x8200  }
0x44b: {  	[tilespmem:s26], [sflag:$0x1] =	stream.indirect_vreg.gather [hbm4b:s23+s14], $0x80, v3, vm0, $0xb8;
	[tilespmem:$0x1C200] =	vst v63  }
0x44c: {  	s7 =	simm.s32 $0x8A00  }
0x44d: {  	[tilespmem:s7], [sflag:$0x1] =	stream.indirect_vreg.gather [hbm4b:s30+s14], $0x80, v3, vm0, $0xb8;
	[tilespmem:$0x1C200] =	vst v63  }
0x44e: {  	s15 =	simm.s32 $0x9200  }
0x44f: {  	[tilespmem:s15], [sflag:$0x1] =	stream.indirect_vreg.gather [hbm4b:s31+s14], $0x80, v3, vm0, $0xb8;
	[tilespmem:$0x1C200] =	vst v63  }
0x450: {  	s16 =	simm.s32 $0x9A00  }
0x451: {  	[tilespmem:s16], [sflag:$0x1] =	stream.indirect_vreg.gather [hbm4b:s19+s14], $0x80, v3, vm0, $0xb8;
	[tilespmem:$0x1C200] =	vst v63  }
0x452: {  	s17 =	simm.s32 $0xA200  }
0x453: {  	[tilespmem:s17], [sflag:$0x1] =	stream.indirect_vreg.gather [hbm4b:s0+s14], $0x80, v3, vm0, $0xb8;
	[tilespmem:$0x1C200] =	vst v63  }
0x454: {  	s18 =	simm.s32 $0xAA00  }
0x455: {  	[tilespmem:s18], [sflag:$0x1] =	stream.indirect_vreg.gather [hbm4b:s2+s14], $0x80, v3, vm0, $0xb8;
	[tilespmem:$0x1C200] =	vst v63  }
0x456: {  	s20 =	simm.s32 $0xB200  }
0x457: {  	[tilespmem:s20], [sflag:$0x1] =	stream.indirect_vreg.gather [hbm4b:s4+s14], $0x80, v3, vm0, $0xb8;
	[tilespmem:$0x1C200] =	vst v63  }
0x458: {  	s21 =	simm.s32 $0xBA00  }
0x459: {  	[tilespmem:s21], [sflag:$0x1] =	stream.indirect_vreg.gather [hbm4b:s5+s14], $0x80, v3, vm0, $0xb8;
	[tilespmem:$0x1C200] =	vst v63  }
0x45a: {  	_ =	swait.ge [sflag:s9], $0x8000  }
0x45b: {  	[sflag:s9] =	ssyncset.done $0x0  }
0x45c: {  	s22 =	simm.s32 $0x220;
	s24 =	simm.s32 $0x0;
	[sflag:s9] =	ssyncadd.s32 $0xFFFF8000  }
0x45d: {  	s25 =	simm.s32 $0x0;
	s26 =	sand.u32 $0xF000, s14;
	s7 =	sand.u32 $0x4000, s24;
	v5 =	vld [tilespmem:s22+$0x10]  }
0x45e: {  	s7 =	sadd.s32 $0xC200, s7;
	s16 =	sshrl.u32 s26, $0x2;
	s17 =	sand.u32 $0x3C00, s14;
	v6 =	vld [tilespmem:s22+$0xFFFFFFE0]  }
0x45f: {  	s15 =	sand.u32 $0x380, s25;
	s16 =	sor.u32 s16, s7;
	s7 =	sor.u32 s17, s7;
	v3 =	vld [tilespmem:s22+$0xFFFFFFF0]  }
0x460: {  	s16 =	sadd.s32 s15, s16;
	s17 =	simm.s32 $0x0;
	s15 =	sadd.s32 s15, s7  }
0x461: {  	s24 =	sor.u32 $0x60, s15;
	s18 =	sor.u32 $0x40, s15;
	s25 =	sor.u32 $0x20, s15;
	v4 =	vld [tilespmem:s22+$0x0]  }
0x462: {  	s20 =	simm.s32 $0x260;
	s21 =	simm.s32 $0x0;
	s22 =	sor.u32 $0x50, s15;
	v7 =	vshll.u32 v5, $0x10;
	v5 =	vand.u32 $0xFFFF0000, v5  }
.LBB2_28:
0x463: {  	s17 =	sadd.s32 $0x4, s17;
	v8 =	vld [tilespmem:s20+$0x10];
	s14 =	sadd.s32 $0x1000, s14;
	s21 =	sadd.s32 $0x400, s21;
	v9 =	vmov v6  }
0x464: {  	s6 =	sshll.u32 s17, $0x5;
	s7 =	sshll.u32 s17, $0x1;
	p0 =	slt.u32 s17, $0x3FC;
	v6 =	vshll.u32 v3, $0x10;
	[tilespmem:s24+$0x0] =	vst.add.f32.msk $0xffff, v7;
	v7 =	vmov v3  }
0x465: {  	s24 =	sand.u32 $0xF000, s14;
	v3 =	vshll.u32 v9, $0x10;
	s6 =	sand.u32 $0x4000, s6;
	[tilespmem:s25+$0x0] =	vst.add.f32.msk $0xffff, v6  }
0x466: {  	s24 =	sshrl.u32 s24, $0x2;
	s25 =	sand.u32 $0x3C00, s21;
	s6 =	sadd.s32 $0xC200, s6;
	[tilespmem:s16+$0x0] =	vst.add.f32.msk $0xffff, v3;
	v3 =	vshll.u32 v4, $0x10  }
0x467: {  	s7 =	sand.u32 $0x380, s7;
	v4 =	vand.u32 $0xFFFF0000, v4;
	s24 =	sor.u32 s24, s6;
	s6 =	sor.u32 s25, s6;
	[tilespmem:s18+$0x0] =	vst.add.f32.msk $0xffff, v3  }
0x468: {  	s26 =	sadd.s32 s7, s24;
	s6 =	sadd.s32 s7, s6;
	[tilespmem:s22+$0x0] =	vst.add.f32.msk $0xffff, v4;
	s7 =	sor.u32 $0x70, s15  }
0x469: {  	[tilespmem:s7+$0x0] =	vst.add.f32.msk $0xffff, v5  }
.Ltmp13:
0x46a: {  	s24 =	sor.u32 $0x60, s6;
	v6 =	vld [tilespmem:s20+$0xFFFFFFE0];
	(pc) =	sbr.rel @p0 .LBB2_28-.Ltmp13, $4  }
0x46b: {  	s18 =	sor.u32 $0x40, s6;
	s7 =	sor.u32 $0x30, s15;
	s15 =	smov.u32 s6;
	v3 =	vld [tilespmem:s20+$0xFFFFFFF0]  }
0x46c: {  	v5 =	vand.u32 $0xFFFF0000, v9;
	s6 =	sor.u32 $0x10, s16;
	v9 =	vand.u32 $0xFFFF0000, v7;
	s25 =	sor.u32 $0x20, s15;
	s22 =	sor.u32 $0x50, s15;
	v4 =	vld [tilespmem:s20+$0x0]  }
0x46d: {  	s16 =	smov.u32 s26;
	[tilespmem:s6+$0x0] =	vst.add.f32.msk $0xffff, v5  }
0x46e: {  	v7 =	vshll.u32 v8, $0x10;
	s20 =	sadd.s32 $0x40, s20;
	v5 =	vand.u32 $0xFFFF0000, v8;
	[tilespmem:s7+$0x0] =	vst.add.f32.msk $0xffff, v9  }
0x46f: {  	[tilespmem:s24+$0x0] =	vst.add.f32.msk $0xffff, v7;
	v7 =	vshll.u32 v6, $0x10  }
0x470: {  	s6 =	sor.u32 $0x70, s15;
	[tilespmem:s16+$0x0] =	vst.add.f32.msk $0xffff, v7  }
0x471: {  	v8 =	vshll.u32 v3, $0x10;
	[tilespmem:s6+$0x0] =	vst.add.f32.msk $0xffff, v5  }
0x472: {  	[tilespmem:s25+$0x0] =	vst.add.f32.msk $0xffff, v8;
	v7 =	vshll.u32 v4, $0x10  }
0x473: {  	s7 =	sor.u32 $0x30, s15;
	v3 =	vand.u32 $0xFFFF0000, v3;
	[tilespmem:s18+$0x0] =	vst.add.f32.msk $0xffff, v7  }
0x474: {  	v4 =	vand.u32 $0xFFFF0000, v4;
	[tilespmem:s7+$0x0] =	vst.add.f32.msk $0xffff, v3  }
0x475: {  	s21 =	sor.u32 $0x10, s16;
	[tilespmem:s22+$0x0] =	vst.add.f32.msk $0xffff, v4;
	v4 =	vand.u32 $0xFFFF0000, v6  }
0x476: {  	[tilespmem:s21+$0x0] =	vst.add.f32.msk $0xffff, v4  }
0x477: {  	s14 =	simm.s32 $0x0;
	s6 =	rddreg [dreg:$0x19]  }
0x478: {  	[hbm4b:s6+s14] =	stream.linear.scatter [tilespmem:s8], [sflag:$0x5], $0x8000, $0x38;
	[tilespmem:$0x1C200] =	vst v63  }
0x479: {  	_ =	swait.ge [sflag:s11], $0x8000  }
0x47a: {  	[sflag:s11] =	ssyncset.done $0x0  }
0x47b: {  	s24 =	simm.s32 $0x0;
	s22 =	simm.s32 $0x220;
	[sflag:s11] =	ssyncadd.s32 $0xFFFF8000  }
0x47c: {  	s26 =	sand.u32 $0xF000, s14;
	s17 =	sand.u32 $0x3C00, s14;
	s7 =	sand.u32 $0x4000, s24;
	v5 =	vld [tilespmem:s22+$0x10]  }
0x47d: {  	s25 =	simm.s32 $0x0;
	s16 =	sshrl.u32 s26, $0x2;
	s7 =	sadd.s32 $0x14200, s7;
	v6 =	vld [tilespmem:s22+$0xFFFFFFE0]  }
0x47e: {  	s15 =	sand.u32 $0x380, s25;
	s16 =	sor.u32 s16, s7;
	s7 =	sor.u32 s17, s7;
	v3 =	vld [tilespmem:s22+$0xFFFFFFF0]  }
0x47f: {  	s20 =	simm.s32 $0x260;
	s16 =	sadd.s32 s15, s16;
	s15 =	sadd.s32 s15, s7  }
0x480: {  	s17 =	simm.s32 $0x0;
	s21 =	simm.s32 $0x0;
	s24 =	sor.u32 $0x60, s15;
	v4 =	vld [tilespmem:s22+$0x0]  }
0x481: {  	s18 =	sor.u32 $0x40, s15;
	s25 =	sor.u32 $0x20, s15;
	s22 =	sor.u32 $0x50, s15;
	v7 =	vshll.u32 v5, $0x10;
	v5 =	vand.u32 $0xFFFF0000, v5  }
.LBB2_30:
0x482: {  	s17 =	sadd.s32 $0x4, s17;
	v8 =	vld [tilespmem:s20+$0x10];
	s14 =	sadd.s32 $0x1000, s14;
	s21 =	sadd.s32 $0x400, s21;
	v9 =	vmov v6  }
0x483: {  	s6 =	sshll.u32 s17, $0x5;
	s7 =	sshll.u32 s17, $0x1;
	p0 =	slt.u32 s17, $0x3FC;
	v6 =	vshll.u32 v3, $0x10;
	[tilespmem:s24+$0x0] =	vst.add.f32.msk $0xffff, v7;
	v7 =	vmov v3  }
0x484: {  	s24 =	sand.u32 $0xF000, s14;
	v3 =	vshll.u32 v9, $0x10;
	s6 =	sand.u32 $0x4000, s6;
	[tilespmem:s25+$0x0] =	vst.add.f32.msk $0xffff, v6  }
0x485: {  	s24 =	sshrl.u32 s24, $0x2;
	s25 =	sand.u32 $0x3C00, s21;
	s6 =	sadd.s32 $0x14200, s6;
	[tilespmem:s16+$0x0] =	vst.add.f32.msk $0xffff, v3;
	v3 =	vshll.u32 v4, $0x10  }
0x486: {  	s7 =	sand.u32 $0x380, s7;
	v4 =	vand.u32 $0xFFFF0000, v4;
	s24 =	sor.u32 s24, s6;
	s6 =	sor.u32 s25, s6;
	[tilespmem:s18+$0x0] =	vst.add.f32.msk $0xffff, v3  }
0x487: {  	s26 =	sadd.s32 s7, s24;
	s6 =	sadd.s32 s7, s6;
	[tilespmem:s22+$0x0] =	vst.add.f32.msk $0xffff, v4;
	s7 =	sor.u32 $0x70, s15  }
0x488: {  	[tilespmem:s7+$0x0] =	vst.add.f32.msk $0xffff, v5  }
.Ltmp14:
0x489: {  	s24 =	sor.u32 $0x60, s6;
	v6 =	vld [tilespmem:s20+$0xFFFFFFE0];
	(pc) =	sbr.rel @p0 .LBB2_30-.Ltmp14, $4  }
0x48a: {  	s18 =	sor.u32 $0x40, s6;
	s7 =	sor.u32 $0x30, s15;
	s15 =	smov.u32 s6;
	v3 =	vld [tilespmem:s20+$0xFFFFFFF0]  }
0x48b: {  	v5 =	vand.u32 $0xFFFF0000, v9;
	s6 =	sor.u32 $0x10, s16;
	v9 =	vand.u32 $0xFFFF0000, v7;
	s25 =	sor.u32 $0x20, s15;
	s22 =	sor.u32 $0x50, s15;
	v4 =	vld [tilespmem:s20+$0x0]  }
0x48c: {  	s16 =	smov.u32 s26;
	[tilespmem:s6+$0x0] =	vst.add.f32.msk $0xffff, v5  }
0x48d: {  	v7 =	vshll.u32 v8, $0x10;
	s20 =	sadd.s32 $0x40, s20;
	v5 =	vand.u32 $0xFFFF0000, v8;
	[tilespmem:s7+$0x0] =	vst.add.f32.msk $0xffff, v9  }
0x48e: {  	[tilespmem:s24+$0x0] =	vst.add.f32.msk $0xffff, v7;
	v7 =	vshll.u32 v6, $0x10  }
0x48f: {  	s6 =	sor.u32 $0x70, s15;
	[tilespmem:s16+$0x0] =	vst.add.f32.msk $0xffff, v7  }
0x490: {  	v8 =	vshll.u32 v3, $0x10;
	[tilespmem:s6+$0x0] =	vst.add.f32.msk $0xffff, v5  }
0x491: {  	[tilespmem:s25+$0x0] =	vst.add.f32.msk $0xffff, v8;
	v7 =	vshll.u32 v4, $0x10  }
0x492: {  	s7 =	sor.u32 $0x30, s15;
	v3 =	vand.u32 $0xFFFF0000, v3;
	[tilespmem:s18+$0x0] =	vst.add.f32.msk $0xffff, v7  }
0x493: {  	v4 =	vand.u32 $0xFFFF0000, v4;
	[tilespmem:s7+$0x0] =	vst.add.f32.msk $0xffff, v3  }
0x494: {  	s21 =	sor.u32 $0x10, s16;
	[tilespmem:s22+$0x0] =	vst.add.f32.msk $0xffff, v4;
	v4 =	vand.u32 $0xFFFF0000, v6  }
0x495: {  	[tilespmem:s21+$0x0] =	vst.add.f32.msk $0xffff, v4  }
0x496: {  	s14 =	simm.s32 $0x0;
	s6 =	rddreg [dreg:$0x1a]  }
0x497: {  	[hbm4b:s6+s14] =	stream.linear.scatter [tilespmem:s28], [sflag:$0x6], $0x8000, $0x38;
	[tilespmem:$0x1C200] =	vst v63  }
0x498: {  	_ =	swait.ge [sflag:s29], $0x8000  }
0x499: {  	[sflag:s29] =	ssyncset.done $0x0  }
0x49a: {  	s24 =	simm.s32 $0x0;
	s22 =	simm.s32 $0x220;
	[sflag:s29] =	ssyncadd.s32 $0xFFFF8000  }
0x49b: {  	s26 =	sand.u32 $0xF000, s14;
	s17 =	sand.u32 $0x3C00, s14;
	s7 =	sand.u32 $0x4000, s24;
	v5 =	vld [tilespmem:s22+$0x10]  }
0x49c: {  	s25 =	simm.s32 $0x0;
	s16 =	sshrl.u32 s26, $0x2;
	s7 =	sadd.s32 $0x4200, s7;
	v6 =	vld [tilespmem:s22+$0xFFFFFFE0]  }
0x49d: {  	s15 =	sand.u32 $0x380, s25;
	s16 =	sor.u32 s16, s7;
	s7 =	sor.u32 s17, s7;
	v3 =	vld [tilespmem:s22+$0xFFFFFFF0]  }
0x49e: {  	s20 =	simm.s32 $0x260;
	s16 =	sadd.s32 s15, s16;
	s15 =	sadd.s32 s15, s7  }
0x49f: {  	s17 =	simm.s32 $0x0;
	s21 =	simm.s32 $0x0;
	s24 =	sor.u32 $0x60, s15;
	v4 =	vld [tilespmem:s22+$0x0]  }
0x4a0: {  	s18 =	sor.u32 $0x40, s15;
	s25 =	sor.u32 $0x20, s15;
	s22 =	sor.u32 $0x50, s15;
	v7 =	vshll.u32 v5, $0x10;
	v5 =	vand.u32 $0xFFFF0000, v5  }
.LBB2_32:
0x4a1: {  	s17 =	sadd.s32 $0x4, s17;
	v8 =	vld [tilespmem:s20+$0x10];
	s14 =	sadd.s32 $0x1000, s14;
	s21 =	sadd.s32 $0x400, s21;
	v9 =	vmov v6  }
0x4a2: {  	s6 =	sshll.u32 s17, $0x5;
	s7 =	sshll.u32 s17, $0x1;
	p0 =	slt.u32 s17, $0x3FC;
	v6 =	vshll.u32 v3, $0x10;
	[tilespmem:s24+$0x0] =	vst.add.f32.msk $0xffff, v7;
	v7 =	vmov v3  }
0x4a3: {  	s24 =	sand.u32 $0xF000, s14;
	v3 =	vshll.u32 v9, $0x10;
	s6 =	sand.u32 $0x4000, s6;
	[tilespmem:s25+$0x0] =	vst.add.f32.msk $0xffff, v6  }
0x4a4: {  	s24 =	sshrl.u32 s24, $0x2;
	s25 =	sand.u32 $0x3C00, s21;
	s6 =	sadd.s32 $0x4200, s6;
	[tilespmem:s16+$0x0] =	vst.add.f32.msk $0xffff, v3;
	v3 =	vshll.u32 v4, $0x10  }
0x4a5: {  	s7 =	sand.u32 $0x380, s7;
	v4 =	vand.u32 $0xFFFF0000, v4;
	s24 =	sor.u32 s24, s6;
	s6 =	sor.u32 s25, s6;
	[tilespmem:s18+$0x0] =	vst.add.f32.msk $0xffff, v3  }
0x4a6: {  	s26 =	sadd.s32 s7, s24;
	s6 =	sadd.s32 s7, s6;
	[tilespmem:s22+$0x0] =	vst.add.f32.msk $0xffff, v4;
	s7 =	sor.u32 $0x70, s15  }
0x4a7: {  	[tilespmem:s7+$0x0] =	vst.add.f32.msk $0xffff, v5  }
.Ltmp15:
0x4a8: {  	s24 =	sor.u32 $0x60, s6;
	v6 =	vld [tilespmem:s20+$0xFFFFFFE0];
	(pc) =	sbr.rel @p0 .LBB2_32-.Ltmp15, $4  }
0x4a9: {  	s18 =	sor.u32 $0x40, s6;
	s7 =	sor.u32 $0x30, s15;
	s15 =	smov.u32 s6;
	v3 =	vld [tilespmem:s20+$0xFFFFFFF0]  }
0x4aa: {  	v5 =	vand.u32 $0xFFFF0000, v9;
	s6 =	sor.u32 $0x10, s16;
	v9 =	vand.u32 $0xFFFF0000, v7;
	s25 =	sor.u32 $0x20, s15;
	s22 =	sor.u32 $0x50, s15;
	v4 =	vld [tilespmem:s20+$0x0]  }
0x4ab: {  	s16 =	smov.u32 s26;
	[tilespmem:s6+$0x0] =	vst.add.f32.msk $0xffff, v5  }
0x4ac: {  	v7 =	vshll.u32 v8, $0x10;
	s20 =	sadd.s32 $0x40, s20;
	v5 =	vand.u32 $0xFFFF0000, v8;
	[tilespmem:s7+$0x0] =	vst.add.f32.msk $0xffff, v9  }
0x4ad: {  	[tilespmem:s24+$0x0] =	vst.add.f32.msk $0xffff, v7;
	v60 =	vshll.u32 v6, $0x10  }
0x4ae: {  	s6 =	sor.u32 $0x70, s15;
	[tilespmem:s16+$0x0] =	vst.add.f32.msk $0xffff, v60  }
0x4af: {  	v8 =	vshll.u32 v3, $0x10;
	[tilespmem:s6+$0x0] =	vst.add.f32.msk $0xffff, v5  }
0x4b0: {  	v63 =	vand.u32 $0xFFFF0000, v6;
	s24 =	sor.u32 $0x10, s16;
	[tilespmem:s25+$0x0] =	vst.add.f32.msk $0xffff, v8  }
0x4b1: {  	v61 =	vshll.u32 v4, $0x10;
	[tilespmem:s24+$0x0] =	vst.add.f32.msk $0xffff, v63  }
0x4b2: {  	s7 =	sor.u32 $0x30, s15;
	v3 =	vand.u32 $0xFFFF0000, v3;
	[tilespmem:s18+$0x0] =	vst.add.f32.msk $0xffff, v61  }
0x4b3: {  	v62 =	vand.u32 $0xFFFF0000, v4;
	[tilespmem:s7+$0x0] =	vst.add.f32.msk $0xffff, v3  }
0x4b4: {  	[tilespmem:s22+$0x0] =	vst.add.f32.msk $0xffff, v62  }
0x4b5: {  	s14 =	simm.s32 $0x4200;
	s6 =	rddreg [dreg:$0x1b]  }
0x4b6: {  	[hbm4b:s6+s1] =	stream.linear.scatter [tilespmem:s14], [sflag:$0x4], $0x8000, $0x38;
	[tilespmem:$0x1C200] =	vst v63  }
0x4b7: {  	_ =	swait.ge [sflag:s3], $0x8000  }
0x4b8: {  	[sflag:s3] =	ssyncset.done $0x0  }
0x4b9: {  	[sflag:s3] =	ssyncadd.s32 $0xFFFF8000  }
0x4ba: {  	_ =	swait.ge [sflag:s10], $0x8000  }
0x4bb: {  	[sflag:s10] =	ssyncset.done $0x0  }
0x4bc: {  	[sflag:s10] =	ssyncadd.s32 $0xFFFF8000  }
0x4bd: {  	_ =	swait.ge [sflag:s12], $0x8000  }
0x4be: {  	s25 =	rddreg [dreg:$0x1e]  }
0x4bf: {  	s26 =	rddreg [dreg:$0x1c];
	s7 =	sadd.s32 $0x1, s25  }
0x4c0: {  	p0 =	sne.s32 s7, s26  }
.Ltmp16:
0x4c1: {  	_ = 	snop;
	(pc) =	sbr.rel @p0 .LBB2_1-.Ltmp16, $3  }
0x4c2: {  	_ =	sdelay $0x1  }
0x4c3: {  	[sflag:s12] =	ssyncset.done $0x0  }
0x4c4: {  	[sflag:s12] =	ssyncadd.s32 $0xFFFF8000  }
0x4c5: {  	_ =	sfence.sel $0x180000  }
0x4c6: {  	[bflag:$0x0] =	sbarrier.arrive $0xFFFF  }
0x4c7: {  	_ =	strace $0x90000047  }
0x4c8: {  	s0 =	stileid.u32;
	[bflag:$0x2] =	sbarrier.arrive $0xFFFF  }
0x4c9: {  	p0 =	sne.s32 s0, $0x0;
	s0 =	rddreg [dreg:$0x4]  }
0x4ca: {  	s0 =	sadd.s32 @!p0 $0x100000, s0  }
0x4cb: {  	[sflag:s0] =	ssyncadd.tile.s32 @!p0 $0x1;
	_ =	shalt  }
.Lfunc_end2:
_tile_overlayer_lowered:
.L_overlay_start_2:
0x4cc: {  	(tag) =	ssettag $0x2  }
0x4cd: {  	s0 =	rddreg [dreg:$0x0];
	s2 =	stileid.u32  }
0x4ce: {  	s1 =	rddreg [dreg:$0x1];
	p0 =	sne.s32 s2, $0x0  }
0x4cf: {  	s3 =	rddreg [dreg:$0x2];
	[bflag:$0x3] =	sbarrier.arrive $0xFFFF;
	s2 =	simm.s32 @!p0 $0x1C09  }
0x4d0: {  	[timem:s3], [sflag:s2] =	dma.local @!p0 [hbm:s0], s1  }
0x4d1: {  	s0 =	simm.s32 @!p0 $0x9  }
0x4d2: {  	_ =	swait.ge @!p0 [sflag:s0], s1  }
0x4d3: {  	s1 =	ssub.s32 @!p0 $0x0, s1;
	[sflag:s0] =	ssyncset.done @!p0 $0x0  }
0x4d4: {  	[sflag:s0] =	ssyncadd.s32 @!p0 s1  }
0x4d5: {  	[bflag:$0x3] =	sbarrier.arrive $0xFFFF  }
0x4d6: {  	_ =	shalt  }

</sc_bundles>
